<compile_context>
chip_gen: v7x
topology: tpu7x:2x2x1
jax: 0.10.2.dev20260603
libtpu: 0.0.44.dev20260713+nightly
codegen_flags: <defaults>
</compile_context>

<pallas_src>
import functools

import jax
import jax.numpy as jnp
from jax import lax
from jax.experimental import pallas as pl
from jax.experimental.pallas import tpu as pltpu
from jax.experimental.pallas import tpu_sc as plsc

NN = 100000
NPAD = 100352
NW = 32
NSUB = 16
EPT = NPAD // NW
SLICE = NPAD // NSUB
NCONN = 3200000
CPW = NCONN // NW
NTILE = NCONN // 128
WPC = 4096
CONNC = 2048
NFULL = 1562
TAILW = 26
GRP = CONNC // 16
UNR = 4
ESUB = 3136
WNP = NPAD // 4
WSUB = ESUB // 4
ACCW = 4 * NPAD
COOLDOWN = 10

_mesh = plsc.VectorSubcoreMesh(core_axis_name="c", subcore_axis_name="s")
_params = pltpu.CompilerParams(needs_layout_passes=False)
f32 = jnp.float32
i32 = jnp.int32


def _main_body(vfe_hbm, mvv_hbm, lcc_hbm, tim_hbm, em_hbm, he_hbm, zero_hbm,
               mc_hbm, emo_hbm, w2s_hbm, ks_hbm,
               acc, w2c_v,
               vfe_v, mvv_v, lcc_v, tim_v, em_v, mc_v, emo_v, wbuf_v, sc64_v,
               lb0, lb1, ib0, ib1, ibt, ones_v,
               ln0, ln1, le0, le1, sa0, sa1):
    c = lax.axis_index("c")
    s = lax.axis_index("s")
    wid = c * NSUB + s
    off = s * SLICE
    iota = lax.iota(i32, 16)
    iota4 = iota * 4

    pltpu.sync_copy(vfe_hbm, vfe_v)

    def eround(r, _):
        o2 = off + r * ESUB
        d0 = pltpu.async_copy(mvv_hbm.at[pl.ds(o2, ESUB)], mvv_v, ln0)
        d1 = pltpu.async_copy(lcc_hbm.at[pl.ds(o2, ESUB)], lcc_v, ln1)
        d2 = pltpu.async_copy(tim_hbm.at[pl.ds(o2, ESUB)], tim_v, le0)
        d3 = pltpu.async_copy(em_hbm.at[pl.ds(o2, ESUB)], em_v, le1)
        d0.wait()
        d1.wait()
        d2.wait()
        d3.wait()

        def egrp(g, _):
            for q in range(4):
                sl = pl.ds(g * 64 + q * 16, 16)
                contrib = mvv_v[sl] - vfe_v[...]
                low = contrib <= 0.0
                l1 = jnp.where(low, lcc_v[sl] + 1, 0)
                tim = tim_v[sl] != 0
                em = em_v[sl] != 0
                emo = em & ((l1 < COOLDOWN) | tim)
                mc_v[sl] = contrib
                emo_v[sl] = jnp.where(emo, 1, 0)
                code = jnp.where(emo, 0, 1) + jnp.where(tim, 2, 0)
                sc64_v[pl.ds(q * 16, 16)] = code
            cm0 = plsc.load_gather(sc64_v, [iota4])
            cm1 = plsc.load_gather(sc64_v, [iota4 + 1])
            cm2 = plsc.load_gather(sc64_v, [iota4 + 2])
            cm3 = plsc.load_gather(sc64_v, [iota4 + 3])
            word = cm0 | (cm1 << 8) | (cm2 << 16) | (cm3 << 24)
            wbuf_v[pl.ds(g * 16, 16)] = word
            return 0

        lax.fori_loop(0, ESUB // 64, egrp, 0)
        wo = s * (SLICE // 4) + r * WSUB
        dw = pltpu.async_copy(wbuf_v, w2s_hbm.at[pl.ds(c * WNP + wo, WSUB)], ln0)

        @pl.when(c == 0)
        def _():
            da = pltpu.async_copy(mc_v, mc_hbm.at[pl.ds(o2, ESUB)], ln1)
            db = pltpu.async_copy(emo_v, emo_hbm.at[pl.ds(o2, ESUB)], le0)
            da.wait()
            db.wait()

        dw.wait()
        return 0

    lax.fori_loop(0, SLICE // ESUB, eround, 0)

    for k in range(4):
        pltpu.sync_copy(zero_hbm.at[pl.ds(0, SLICE)],
                        acc.at[pl.ds(s * (ACCW // NSUB) + k * SLICE, SLICE)])

    def fill(i, _):
        ones_v[pl.ds(i * 16, 16)] = jnp.full((16,), 1.0, f32)
        return 0

    lax.fori_loop(0, CONNC // 16, fill, 0)
    plsc.subcore_barrier()

    pltpu.sync_copy(w2s_hbm.at[pl.ds(c * WNP, WNP)], w2c_v)

    lb = (lb0, lb1)
    ib = (ib0, ib1)
    ln = (ln0, ln1)
    sa = (sa0, sa1)

    def valid(k):
        return wid + 32 * k < NFULL

    def wait_load(p):
        pltpu.make_async_copy(he_hbm.at[pl.ds(0, WPC)], lb[p], ln[p]).wait()

    def wait_scatter(p):
        pltpu.make_async_copy(ones_v, acc.at[ib[p]], sa[p]).wait()

    def decode(src, dst, nrun):
        def drun(r, _):
            b = r * 256
            d = r * 128
            for u in range(8):
                nv = src[pl.ds(b + u * 16, 16)]
                ev = src[pl.ds(b + 128 + u * 16, 16)]
                wv = plsc.load_gather(w2c_v, [ev >> 2])
                code = (wv >> ((ev & 3) << 3)) & 3
                dst[pl.ds(d + u * 16, 16)] = (nv << 2) | code
            return 0

        lax.fori_loop(0, nrun, drun, 0)

    pltpu.async_copy(he_hbm.at[pl.ds(wid * WPC, WPC)], lb0, ln0)

    def step(j, p):
        k = 2 * j + p

        @pl.when(valid(k))
        def _():
            wait_load(p)
            po = 1 - p

            @pl.when(k > 0)
            def _():
                wait_scatter(po)

            @pl.when(valid(k + 1))
            def _():
                o = (wid + 32 * (k + 1)) * WPC
                pltpu.async_copy(he_hbm.at[pl.ds(o, WPC)], lb[po], ln[po])

            decode(lb[p], ib[p], 16)
            pltpu.async_copy(ones_v, acc.at[ib[p]], sa[p], add=True)

    def pair(j, _):
        step(j, 0)
        step(j, 1)
        return 0

    lax.fori_loop(0, 25, pair, 0)
    @pl.when(wid + 32 * 48 < NFULL)
    def _():
        wait_scatter(0)

    @pl.when(wid + 32 * 48 >= NFULL)
    def _():
        wait_scatter(1)

    @pl.when(wid == TAILW)
    def _():
        pltpu.sync_copy(he_hbm.at[pl.ds(NFULL * WPC, WPC // 2)],
                        lb0.at[pl.ds(0, WPC // 2)])
        decode(lb0, ibt, 8)
        pltpu.sync_copy(ones_v.at[pl.ds(0, CONNC // 2)], acc.at[ibt], add=True)
    plsc.subcore_barrier()
    pltpu.sync_copy(acc.at[pl.ds(s * (ACCW // NSUB), ACCW // NSUB)],
                    ks_hbm.at[pl.ds(c * ACCW + s * (ACCW // NSUB), ACCW // NSUB)])


_main_kernel = functools.partial(
    pl.kernel,
    out_type=(
        jax.ShapeDtypeStruct((NPAD,), f32),
        jax.ShapeDtypeStruct((NPAD,), i32),
        jax.ShapeDtypeStruct((2 * WNP,), i32),
        jax.ShapeDtypeStruct((8 * NPAD,), f32),
    ),
    mesh=_mesh,
    compiler_params=_params,
    scratch_types=[
        pltpu.VMEM_SHARED((ACCW,), f32),
        pltpu.VMEM((WNP,), i32),
        pltpu.VMEM((16,), f32),
        pltpu.VMEM((ESUB,), f32),
        pltpu.VMEM((ESUB,), i32),
        pltpu.VMEM((ESUB,), i32),
        pltpu.VMEM((ESUB,), i32),
        pltpu.VMEM((ESUB,), f32),
        pltpu.VMEM((ESUB,), i32),
        pltpu.VMEM((WSUB,), i32),
        pltpu.VMEM((64,), i32),
        pltpu.VMEM((WPC,), i32),
        pltpu.VMEM((WPC,), i32),
        pltpu.VMEM((CONNC,), i32),
        pltpu.VMEM((CONNC,), i32),
        pltpu.VMEM((CONNC // 2,), i32),
        pltpu.VMEM((CONNC,), f32),
        pltpu.SemaphoreType.DMA,
        pltpu.SemaphoreType.DMA,
        pltpu.SemaphoreType.DMA,
        pltpu.SemaphoreType.DMA,
        pltpu.SemaphoreType.DMA,
        pltpu.SemaphoreType.DMA,
    ],
)(_main_body)


def _final_body(ks_hbm, nm_hbm, nmo_hbm,
                ka_v, kb_v, nm_v, out_v,
                sem0, sem1):
    c = lax.axis_index("c")
    s = lax.axis_index("s")
    o = (c * NSUB + s) * EPT
    iota = lax.iota(i32, 16)
    iota4 = iota * 4
    d0 = pltpu.async_copy(ks_hbm.at[pl.ds(4 * o, 4 * EPT)], ka_v, sem0)
    d1 = pltpu.async_copy(ks_hbm.at[pl.ds(ACCW + 4 * o, 4 * EPT)], kb_v, sem0)
    dn = pltpu.async_copy(nm_hbm.at[pl.ds(o, EPT)], nm_v, sem1)
    d0.wait()
    d1.wait()
    dn.wait()

    def grp(g, _):
        sl = pl.ds(g * 16, 16)
        iv = iota4 + g * 64
        c0 = plsc.load_gather(ka_v, [iv]) + plsc.load_gather(kb_v, [iv])
        c1 = plsc.load_gather(ka_v, [iv + 1]) + plsc.load_gather(kb_v, [iv + 1])
        c2 = plsc.load_gather(ka_v, [iv + 2]) + plsc.load_gather(kb_v, [iv + 2])
        c3 = plsc.load_gather(ka_v, [iv + 3]) + plsc.load_gather(kb_v, [iv + 3])
        t = (c0 + c1) + (c2 + c3)
        alive = c0 + c2
        prot = c2 + c3
        has = t > 0.0
        tt = jnp.where(has, t, 1.0)
        ratio = jnp.where(has, 1.0 - alive / tt, 0.0)
        nm = nm_v[sl] != 0
        keep = (ratio <= 0.9) | (prot > 0.0)
        out_v[sl] = jnp.where(nm & keep, 1, 0)
        return 0

    lax.fori_loop(0, EPT // 16, grp, 0)
    pltpu.sync_copy(out_v, nmo_hbm.at[pl.ds(o, EPT)])


_final_kernel = functools.partial(
    pl.kernel,
    out_type=jax.ShapeDtypeStruct((NPAD,), i32),
    mesh=_mesh,
    compiler_params=_params,
    scratch_types=[
        pltpu.VMEM((4 * EPT,), f32),
        pltpu.VMEM((4 * EPT,), f32),
        pltpu.VMEM((EPT,), i32),
        pltpu.VMEM((EPT,), i32),
        pltpu.SemaphoreType.DMA,
        pltpu.SemaphoreType.DMA,
    ],
)(_final_body)


@jax.jit
def kernel(VFE_full, masked_edge_indices, masked_vfe_values, hyperedge_index,
           task_importance_mask, neuron_mask, edge_mask, low_contrib_count,
           contribution_history):
    pad = NPAD - NN
    vfe16 = jnp.broadcast_to(VFE_full.astype(f32), (16,))
    mvv = jnp.pad(masked_vfe_values.astype(f32), (0, pad))
    lcc = jnp.pad(low_contrib_count.astype(i32), (0, pad))
    tim = jnp.pad(task_importance_mask.astype(i32), (0, pad))
    em = jnp.pad(edge_mask.astype(i32), (0, pad))
    nm = jnp.pad(neuron_mask.astype(i32), (0, pad))

    he_flat = jnp.transpose(
        hyperedge_index.reshape(2, NTILE, 128), (1, 0, 2)).reshape(2 * NCONN)
    zeros = jnp.zeros((NPAD,), f32)
    mc, emo, _, ks = _main_kernel(vfe16, mvv, lcc, tim, em, he_flat, zeros)

    nmo = _final_kernel(ks, nm)

    return (nmo[:NN] != 0, emo[:NN] != 0, mc[:NN])

# --- scband reference (transcript-rebuilt; emitter-appended) ---
"""Pipeline reference for scband-prune-growth-module-65369402245516 (READ-ONLY COPY).

The authoritative reference and input builder live on the scoring server;
editing this copy changes nothing except your own understanding.
"""

import jax, jax.numpy as jnp
import numpy as np

MAX_NEURONS = 100000
MAX_EDGES = 100000
N_CONN = 3200000
APOP_COOLDOWN = 10


def setup_inputs(seed: int = 0) -> dict:
    key = jax.random.key(seed)
    ks = jax.random.split(key, 6)
    return {
        "VFE_full": jax.random.uniform(ks[0], (1,), dtype=jnp.float32),
        "masked_edge_indices": jnp.arange(MAX_EDGES, dtype=jnp.int32),
        "masked_vfe_values": jax.random.normal(ks[1], (MAX_EDGES,), dtype=jnp.float32),
        "hyperedge_index": jax.random.randint(ks[2], (2, N_CONN), 0, MAX_NEURONS, dtype=jnp.int32),
        "task_importance_mask": jax.random.randint(ks[3], (MAX_EDGES,), 0, 2) == 1,
        "neuron_mask": jnp.ones((MAX_NEURONS,), dtype=bool),
        "edge_mask": jnp.ones((MAX_EDGES,), dtype=bool),
        "low_contrib_count": jax.random.randint(ks[4], (MAX_EDGES,), 0, 12, dtype=jnp.int32),
        "contribution_history": jnp.zeros((APOP_COOLDOWN, MAX_EDGES), dtype=jnp.float32),
    }


def reference(VFE_full, masked_edge_indices, masked_vfe_values, hyperedge_index,
              task_importance_mask, neuron_mask, edge_mask, low_contrib_count,
              contribution_history):
    prune_threshold = 0.0
    neuron_dead_ratio = 0.9
    growth_vfe_ratio = 1.5
    growth_cap = 0.05
    active_threshold = 0.8
    apop_cooldown = contribution_history.shape[0]
    max_edges = edge_mask.shape[0]
    max_neurons = neuron_mask.shape[0]
    vfe_full = VFE_full[0]

    # contribution_e[edge] = VFE_masked[edge] - VFE_full (dict represented as idx/value arrays)
    valid_mask = masked_edge_indices < max_edges
    safe_idx = jnp.where(valid_mask, masked_edge_indices, max_edges)
    contribution_e = jnp.zeros((max_edges,), dtype=jnp.float32).at[safe_idx].set(
        masked_vfe_values - vfe_full, mode='drop')

    # history ring buffer write (fresh state: history_idx=0, valid_history_count=0 -> 1)
    history_idx = 0
    contribution_history = contribution_history.at[history_idx % apop_cooldown].set(contribution_e)
    valid_history_count = 1
    valid_steps = min(valid_history_count, apop_cooldown)
    mean_contribution = contribution_history[:valid_steps].mean(axis=0)

    # edge apoptosis
    is_low = contribution_e <= prune_threshold
    low_contrib_count = jnp.where(is_low, low_contrib_count + 1, 0)
    apop_edge = (low_contrib_count >= apop_cooldown) & (~task_importance_mask) & edge_mask
    edge_mask = edge_mask & (~apop_edge)
    low_contrib_count = jnp.where(apop_edge, 0, low_contrib_count)

    # neuron apoptosis via scatter_add over hypergraph connections
    neuron_ids = hyperedge_index[0]
    edge_ids = hyperedge_index[1]
    valid = (neuron_ids < max_neurons) & (edge_ids < max_edges)
    w = valid.astype(jnp.float32)
    nsafe = jnp.where(valid, neuron_ids, 0)
    esafe = jnp.where(valid, edge_ids, 0)
    total_per_neuron = jnp.zeros((max_neurons,), dtype=jnp.float32).at[nsafe].add(w)
    edge_alive = edge_mask[esafe].astype(jnp.float32) * w
    alive_per_neuron = jnp.zeros((max_neurons,), dtype=jnp.float32).at[nsafe].add(edge_alive)
    has_edges = total_per_neuron > 0
    dead_ratio = jnp.where(has_edges, 1.0 - alive_per_neuron / jnp.where(has_edges, total_per_neuron, 1.0), 0.0)
    neuron_apop = (dead_ratio > neuron_dead_ratio) & neuron_mask
    edge_protected = task_importance_mask[esafe].astype(jnp.float32) * w
    protected_per_neuron = jnp.zeros((max_neurons,), dtype=jnp.float32).at[nsafe].add(edge_protected)
    neuron_apop = neuron_apop & (protected_per_neuron == 0)
    neuron_mask = neuron_mask & (~neuron_apop)

    # vfe baseline (was inf -> set to VFE_full) and growth check
    vfe_baseline = vfe_full
    active_ratio = neuron_mask.astype(jnp.float32).mean()
    grow = (active_ratio < active_threshold) & (vfe_baseline > 0) & (vfe_full > vfe_baseline * growth_vfe_ratio)
    neuron_mask = jnp.where(grow, neuron_mask, neuron_mask)
    edge_mask = jnp.where(grow, edge_mask, edge_mask)

    return (neuron_mask, edge_mask, mean_contribution)

if __name__ == "__main__":
    import jax
    _d = setup_inputs()
    print(jax.jit(kernel)(*tuple(_d.values())))

</pallas_src>

<mosaic_0001>
#map = affine_map<(d0, d1) -> (0)>
module attributes {stable_mosaic.version = 14 : i64} {
  func.func @_main_body(%arg0: i32, %arg1: i32, %arg2: memref<16xf32, #tpu.memory_space<hbm>>, %arg3: memref<100352xf32, #tpu.memory_space<hbm>>, %arg4: memref<100352xi32, #tpu.memory_space<hbm>>, %arg5: memref<100352xi32, #tpu.memory_space<hbm>>, %arg6: memref<100352xi32, #tpu.memory_space<hbm>>, %arg7: memref<6400000xi32, #tpu.memory_space<hbm>>, %arg8: memref<100352xf32, #tpu.memory_space<hbm>>, %arg9: memref<100352xf32, #tpu.memory_space<hbm>>, %arg10: memref<100352xi32, #tpu.memory_space<hbm>>, %arg11: memref<50176xi32, #tpu.memory_space<hbm>>, %arg12: memref<802816xf32, #tpu.memory_space<hbm>>, %arg13: memref<401408xf32, #tpu.memory_space<vmem_shared>>, %arg14: memref<25088xi32, #tpu.memory_space<vmem>>, %arg15: memref<16xf32, #tpu.memory_space<vmem>>, %arg16: memref<3136xf32, #tpu.memory_space<vmem>>, %arg17: memref<3136xi32, #tpu.memory_space<vmem>>, %arg18: memref<3136xi32, #tpu.memory_space<vmem>>, %arg19: memref<3136xi32, #tpu.memory_space<vmem>>, %arg20: memref<3136xf32, #tpu.memory_space<vmem>>, %arg21: memref<3136xi32, #tpu.memory_space<vmem>>, %arg22: memref<784xi32, #tpu.memory_space<vmem>>, %arg23: memref<64xi32, #tpu.memory_space<vmem>>, %arg24: memref<4096xi32, #tpu.memory_space<vmem>>, %arg25: memref<4096xi32, #tpu.memory_space<vmem>>, %arg26: memref<2048xi32, #tpu.memory_space<vmem>>, %arg27: memref<2048xi32, #tpu.memory_space<vmem>>, %arg28: memref<1024xi32, #tpu.memory_space<vmem>>, %arg29: memref<2048xf32, #tpu.memory_space<vmem>>, %arg30: memref<!tpu.dma_semaphore, #tpu.memory_space<semaphore_mem>>, %arg31: memref<!tpu.dma_semaphore, #tpu.memory_space<semaphore_mem>>, %arg32: memref<!tpu.dma_semaphore, #tpu.memory_space<semaphore_mem>>, %arg33: memref<!tpu.dma_semaphore, #tpu.memory_space<semaphore_mem>>, %arg34: memref<!tpu.dma_semaphore, #tpu.memory_space<semaphore_mem>>, %arg35: memref<!tpu.dma_semaphore, #tpu.memory_space<semaphore_mem>>) attributes {dimension_semantics = [#tpu.dimension_semantics<core_parallel>, #tpu.dimension_semantics<subcore_parallel>], iteration_bounds = array<i64: 2, 16>, scalar_prefetch = 0 : i64, scratch_operands = 23 : i64, tpu.core_type = #tpu.core_type<sc_vector_subcore>, window_params = [{transform_indices = #map}, {transform_indices = #map}, {transform_indices = #map}, {transform_indices = #map}, {transform_indices = #map}, {transform_indices = #map}, {transform_indices = #map}, {transform_indices = #map}, {transform_indices = #map}, {transform_indices = #map}, {transform_indices = #map}]} {
    %mul3A = arith.constant 16 : i32
    %mul3A_0 = arith.muli %arg0, %mul3A : i32
    %add3A = arith.addi %mul3A_0, %arg1 : i32
    %mul3A_1 = arith.constant 6272 : i32
    %mul3A_2 = arith.muli %arg1, %mul3A_1 : i32
    %iota3A = tpu.iota {dimensions = array<i32: 0>} : vector<16xi32>
    %mul3A_3 = arith.constant 4 : i32
    %mul3A_4 = vector.broadcast %mul3A_3 : i32 to vector<16xi32>
    %mul3A_5 = arith.muli %iota3A, %mul3A_4 : vector<16xi32>
    "tpu.region"() ({
      %run_scoped3A = tpu.sem_alloc : memref<!tpu.dma_semaphore, #tpu.memory_space<semaphore_mem>>
      tpu.enqueue_dma source(%arg2 : memref<16xf32, #tpu.memory_space<hbm>>) target(%arg15 : memref<16xf32, #tpu.memory_space<vmem>>) target_semaphore(%run_scoped3A : memref<!tpu.dma_semaphore, #tpu.memory_space<semaphore_mem>>)
      tpu.wait_dma2 semaphore(%run_scoped3A : memref<!tpu.dma_semaphore, #tpu.memory_space<semaphore_mem>>) src(%arg2 : memref<16xf32, #tpu.memory_space<hbm>>) dst(%arg15 : memref<16xf32, #tpu.memory_space<vmem>>)
      tpu.yield
    }) : () -> ()
    %scan3A = arith.constant 0 : i32
    %scan3A_6 = arith.constant 0 : i32
    %scan3A_7 = arith.constant 2 : i32
    %scan3A_8 = arith.addi %scan3A_6, %scan3A_7 : i32
    %scan3A_9 = arith.constant 1 : i32
    %scan3A_10 = scf.for %scan3A_69 = %scan3A_6 to %scan3A_8 step %scan3A_9 iter_args(%scan3A_70 = %scan3A) -> (i32)  : i32 {
      %mul3A_71 = arith.constant 3136 : i32
      %mul3A_72 = arith.muli %scan3A_69, %mul3A_71 : i32
      %add3A_73 = arith.addi %mul3A_2, %mul3A_72 : i32
      %dma_start3A_74 = tpu.memref_slice %arg3[%add3A_73] : memref<100352xf32, #tpu.memory_space<hbm>> -> memref<3136xf32, #tpu.memory_space<hbm>>
      %dma_start3A_75 = tpu.memref_slice %arg3[%add3A_73] : memref<100352xf32, #tpu.memory_space<hbm>> -> memref<3136xf32, #tpu.memory_space<hbm>>
      tpu.enqueue_dma source(%dma_start3A_75 : memref<3136xf32, #tpu.memory_space<hbm>>) target(%arg16 : memref<3136xf32, #tpu.memory_space<vmem>>) target_semaphore(%arg30 : memref<!tpu.dma_semaphore, #tpu.memory_space<semaphore_mem>>)
      %dma_start3A_76 = tpu.memref_slice %arg4[%add3A_73] : memref<100352xi32, #tpu.memory_space<hbm>> -> memref<3136xi32, #tpu.memory_space<hbm>>
      %dma_start3A_77 = tpu.memref_slice %arg4[%add3A_73] : memref<100352xi32, #tpu.memory_space<hbm>> -> memref<3136xi32, #tpu.memory_space<hbm>>
      tpu.enqueue_dma source(%dma_start3A_77 : memref<3136xi32, #tpu.memory_space<hbm>>) target(%arg17 : memref<3136xi32, #tpu.memory_space<vmem>>) target_semaphore(%arg31 : memref<!tpu.dma_semaphore, #tpu.memory_space<semaphore_mem>>)
      %dma_start3A_78 = tpu.memref_slice %arg5[%add3A_73] : memref<100352xi32, #tpu.memory_space<hbm>> -> memref<3136xi32, #tpu.memory_space<hbm>>
      %dma_start3A_79 = tpu.memref_slice %arg5[%add3A_73] : memref<100352xi32, #tpu.memory_space<hbm>> -> memref<3136xi32, #tpu.memory_space<hbm>>
      tpu.enqueue_dma source(%dma_start3A_79 : memref<3136xi32, #tpu.memory_space<hbm>>) target(%arg18 : memref<3136xi32, #tpu.memory_space<vmem>>) target_semaphore(%arg32 : memref<!tpu.dma_semaphore, #tpu.memory_space<semaphore_mem>>)
      %dma_start3A_80 = tpu.memref_slice %arg6[%add3A_73] : memref<100352xi32, #tpu.memory_space<hbm>> -> memref<3136xi32, #tpu.memory_space<hbm>>
      %dma_start3A_81 = tpu.memref_slice %arg6[%add3A_73] : memref<100352xi32, #tpu.memory_space<hbm>> -> memref<3136xi32, #tpu.memory_space<hbm>>
      tpu.enqueue_dma source(%dma_start3A_81 : memref<3136xi32, #tpu.memory_space<hbm>>) target(%arg19 : memref<3136xi32, #tpu.memory_space<vmem>>) target_semaphore(%arg33 : memref<!tpu.dma_semaphore, #tpu.memory_space<semaphore_mem>>)
      %dma_wait3A = tpu.memref_slice %arg3[%add3A_73] : memref<100352xf32, #tpu.memory_space<hbm>> -> memref<3136xf32, #tpu.memory_space<hbm>>
      %dma_wait3A_82 = tpu.memref_slice %arg3[%add3A_73] : memref<100352xf32, #tpu.memory_space<hbm>> -> memref<3136xf32, #tpu.memory_space<hbm>>
      tpu.wait_dma2 semaphore(%arg30 : memref<!tpu.dma_semaphore, #tpu.memory_space<semaphore_mem>>) src(%dma_wait3A_82 : memref<3136xf32, #tpu.memory_space<hbm>>) dst(%arg16 : memref<3136xf32, #tpu.memory_space<vmem>>)
      %dma_wait3A_83 = tpu.memref_slice %arg4[%add3A_73] : memref<100352xi32, #tpu.memory_space<hbm>> -> memref<3136xi32, #tpu.memory_space<hbm>>
      %dma_wait3A_84 = tpu.memref_slice %arg4[%add3A_73] : memref<100352xi32, #tpu.memory_space<hbm>> -> memref<3136xi32, #tpu.memory_space<hbm>>
      tpu.wait_dma2 semaphore(%arg31 : memref<!tpu.dma_semaphore, #tpu.memory_space<semaphore_mem>>) src(%dma_wait3A_84 : memref<3136xi32, #tpu.memory_space<hbm>>) dst(%arg17 : memref<3136xi32, #tpu.memory_space<vmem>>)
      %dma_wait3A_85 = tpu.memref_slice %arg5[%add3A_73] : memref<100352xi32, #tpu.memory_space<hbm>> -> memref<3136xi32, #tpu.memory_space<hbm>>
      %dma_wait3A_86 = tpu.memref_slice %arg5[%add3A_73] : memref<100352xi32, #tpu.memory_space<hbm>> -> memref<3136xi32, #tpu.memory_space<hbm>>
      tpu.wait_dma2 semaphore(%arg32 : memref<!tpu.dma_semaphore, #tpu.memory_space<semaphore_mem>>) src(%dma_wait3A_86 : memref<3136xi32, #tpu.memory_space<hbm>>) dst(%arg18 : memref<3136xi32, #tpu.memory_space<vmem>>)
      %dma_wait3A_87 = tpu.memref_slice %arg6[%add3A_73] : memref<100352xi32, #tpu.memory_space<hbm>> -> memref<3136xi32, #tpu.memory_space<hbm>>
      %dma_wait3A_88 = tpu.memref_slice %arg6[%add3A_73] : memref<100352xi32, #tpu.memory_space<hbm>> -> memref<3136xi32, #tpu.memory_space<hbm>>
      tpu.wait_dma2 semaphore(%arg33 : memref<!tpu.dma_semaphore, #tpu.memory_space<semaphore_mem>>) src(%dma_wait3A_88 : memref<3136xi32, #tpu.memory_space<hbm>>) dst(%arg19 : memref<3136xi32, #tpu.memory_space<vmem>>)
      %scan3A_89 = arith.constant 0 : i32
      %scan3A_90 = arith.constant 0 : i32
      %scan3A_91 = arith.constant 49 : i32
      %scan3A_92 = arith.addi %scan3A_90, %scan3A_91 : i32
      %scan3A_93 = arith.constant 1 : i32
      %scan3A_94 = scf.for %scan3A_114 = %scan3A_90 to %scan3A_92 step %scan3A_93 iter_args(%scan3A_115 = %scan3A_89) -> (i32)  : i32 {
        %mul3A_116 = arith.constant 64 : i32
        %mul3A_117 = arith.muli %scan3A_114, %mul3A_116 : i32
        %add3A_118 = arith.constant 0 : i32
        %add3A_119 = arith.addi %mul3A_117, %add3A_118 : i32
        %get3A = arith.index_cast %add3A_119 : i32 to index
        %get3A_120 = tpu.vector_load %arg16[%get3A] {strides = array<i32>} : memref<3136xf32, #tpu.memory_space<vmem>>, vector<16xf32>,
        %get3A_121 = arith.constant 0 : index
        %get3A_122 = tpu.vector_load %arg15[%get3A_121] {strides = array<i32>} : memref<16xf32, #tpu.memory_space<vmem>>, vector<16xf32>,
        %sub3A = arith.subf %get3A_120, %get3A_122 : vector<16xf32>
        %le3A = arith.constant 0.000000e+00 : f32
        %le3A_123 = vector.broadcast %le3A : f32 to vector<16xf32>
        %le3A_124 = arith.cmpf ole, %sub3A, %le3A_123 : vector<16xf32>
        %get3A_125 = arith.index_cast %add3A_119 : i32 to index
        %get3A_126 = tpu.vector_load %arg17[%get3A_125] {strides = array<i32>} : memref<3136xi32, #tpu.memory_space<vmem>>, vector<16xi32>,
        %add3A_127 = arith.constant 1 : i32
        %add3A_128 = vector.broadcast %add3A_127 : i32 to vector<16xi32>
        %add3A_129 = arith.addi %get3A_126, %add3A_128 : vector<16xi32>
        %jit3A = arith.constant 0 : i32
        %broadcast_in_dim3A = vector.broadcast %jit3A : i32 to vector<16xi32>
        %select_n3A = arith.select %le3A_124, %add3A_129, %broadcast_in_dim3A : vector<16xi1>, vector<16xi32>
        %get3A_130 = arith.index_cast %add3A_119 : i32 to index
        %get3A_131 = tpu.vector_load %arg18[%get3A_130] {strides = array<i32>} : memref<3136xi32, #tpu.memory_space<vmem>>, vector<16xi32>,
        %ne3A = arith.constant 0 : i32
        %ne3A_132 = vector.broadcast %ne3A : i32 to vector<16xi32>
        %ne3A_133 = arith.cmpi ne, %get3A_131, %ne3A_132 : vector<16xi32>
        %get3A_134 = arith.index_cast %add3A_119 : i32 to index
        %get3A_135 = tpu.vector_load %arg19[%get3A_134] {strides = array<i32>} : memref<3136xi32, #tpu.memory_space<vmem>>, vector<16xi32>,
        %ne3A_136 = arith.constant 0 : i32
        %ne3A_137 = vector.broadcast %ne3A_136 : i32 to vector<16xi32>
        %ne3A_138 = arith.cmpi ne, %get3A_135, %ne3A_137 : vector<16xi32>
        %lt3A_139 = arith.constant 10 : i32
        %lt3A_140 = vector.broadcast %lt3A_139 : i32 to vector<16xi32>
        %lt3A_141 = arith.cmpi slt, %select_n3A, %lt3A_140 : vector<16xi32>
        %or3A = arith.ori %lt3A_141, %ne3A_133 : vector<16xi1>
        %and3A = arith.andi %ne3A_138, %or3A : vector<16xi1>
        %swap3A = arith.index_cast %add3A_119 : i32 to index
        %swap3A_142 = tpu.vector_load %arg20[%swap3A] {strides = array<i32>} : memref<3136xf32, #tpu.memory_space<vmem>>, vector<16xf32>,
        tpu.vector_store %arg20[%swap3A], %sub3A {strides = array<i32>} : memref<3136xf32, #tpu.memory_space<vmem>>, vector<16xf32>,
        %jit3A_143 = arith.constant 1 : i32
        %jit3A_144 = arith.constant 0 : i32
        %broadcast_in_dim3A_145 = vector.broadcast %jit3A_143 : i32 to vector<16xi32>
        %broadcast_in_dim3A_146 = vector.broadcast %jit3A_144 : i32 to vector<16xi32>
        %select_n3A_147 = arith.select %and3A, %broadcast_in_dim3A_145, %broadcast_in_dim3A_146 : vector<16xi1>, vector<16xi32>
        %swap3A_148 = arith.index_cast %add3A_119 : i32 to index
        %swap3A_149 = tpu.vector_load %arg21[%swap3A_148] {strides = array<i32>} : memref<3136xi32, #tpu.memory_space<vmem>>, vector<16xi32>,
        tpu.vector_store %arg21[%swap3A_148], %select_n3A_147 {strides = array<i32>} : memref<3136xi32, #tpu.memory_space<vmem>>, vector<16xi32>,
        %jit3A_150 = arith.constant 0 : i32
        %jit3A_151 = arith.constant 1 : i32
        %broadcast_in_dim3A_152 = vector.broadcast %jit3A_150 : i32 to vector<16xi32>
        %broadcast_in_dim3A_153 = vector.broadcast %jit3A_151 : i32 to vector<16xi32>
        %select_n3A_154 = arith.select %and3A, %broadcast_in_dim3A_152, %broadcast_in_dim3A_153 : vector<16xi1>, vector<16xi32>
        %jit3A_155 = arith.constant 2 : i32
        %jit3A_156 = arith.constant 0 : i32
        %broadcast_in_dim3A_157 = vector.broadcast %jit3A_155 : i32 to vector<16xi32>
        %broadcast_in_dim3A_158 = vector.broadcast %jit3A_156 : i32 to vector<16xi32>
        %select_n3A_159 = arith.select %ne3A_133, %broadcast_in_dim3A_157, %broadcast_in_dim3A_158 : vector<16xi1>, vector<16xi32>
        %add3A_160 = arith.addi %select_n3A_154, %select_n3A_159 : vector<16xi32>
        %swap3A_161 = arith.constant 0 : index
        %swap3A_162 = tpu.vector_load %arg23[%swap3A_161] {strides = array<i32>} : memref<64xi32, #tpu.memory_space<vmem>>, vector<16xi32>,
        tpu.vector_store %arg23[%swap3A_161], %add3A_160 {strides = array<i32>} : memref<64xi32, #tpu.memory_space<vmem>>, vector<16xi32>,
        %mul3A_163 = arith.constant 64 : i32
        %mul3A_164 = arith.muli %scan3A_114, %mul3A_163 : i32
        %add3A_165 = arith.constant 16 : i32
        %add3A_166 = arith.addi %mul3A_164, %add3A_165 : i32
        %get3A_167 = arith.index_cast %add3A_166 : i32 to index
        %get3A_168 = tpu.vector_load %arg16[%get3A_167] {strides = array<i32>} : memref<3136xf32, #tpu.memory_space<vmem>>, vector<16xf32>,
        %get3A_169 = arith.constant 0 : index
        %get3A_170 = tpu.vector_load %arg15[%get3A_169] {strides = array<i32>} : memref<16xf32, #tpu.memory_space<vmem>>, vector<16xf32>,
        %sub3A_171 = arith.subf %get3A_168, %get3A_170 : vector<16xf32>
        %le3A_172 = arith.constant 0.000000e+00 : f32
        %le3A_173 = vector.broadcast %le3A_172 : f32 to vector<16xf32>
        %le3A_174 = arith.cmpf ole, %sub3A_171, %le3A_173 : vector<16xf32>
        %get3A_175 = arith.index_cast %add3A_166 : i32 to index
        %get3A_176 = tpu.vector_load %arg17[%get3A_175] {strides = array<i32>} : memref<3136xi32, #tpu.memory_space<vmem>>, vector<16xi32>,
        %add3A_177 = arith.constant 1 : i32
        %add3A_178 = vector.broadcast %add3A_177 : i32 to vector<16xi32>
        %add3A_179 = arith.addi %get3A_176, %add3A_178 : vector<16xi32>
        %jit3A_180 = arith.constant 0 : i32
        %broadcast_in_dim3A_181 = vector.broadcast %jit3A_180 : i32 to vector<16xi32>
        %select_n3A_182 = arith.select %le3A_174, %add3A_179, %broadcast_in_dim3A_181 : vector<16xi1>, vector<16xi32>
        %get3A_183 = arith.index_cast %add3A_166 : i32 to index
        %get3A_184 = tpu.vector_load %arg18[%get3A_183] {strides = array<i32>} : memref<3136xi32, #tpu.memory_space<vmem>>, vector<16xi32>,
        %ne3A_185 = arith.constant 0 : i32
        %ne3A_186 = vector.broadcast %ne3A_185 : i32 to vector<16xi32>
        %ne3A_187 = arith.cmpi ne, %get3A_184, %ne3A_186 : vector<16xi32>
        %get3A_188 = arith.index_cast %add3A_166 : i32 to index
        %get3A_189 = tpu.vector_load %arg19[%get3A_188] {strides = array<i32>} : memref<3136xi32, #tpu.memory_space<vmem>>, vector<16xi32>,
        %ne3A_190 = arith.constant 0 : i32
        %ne3A_191 = vector.broadcast %ne3A_190 : i32 to vector<16xi32>
        %ne3A_192 = arith.cmpi ne, %get3A_189, %ne3A_191 : vector<16xi32>
        %lt3A_193 = arith.constant 10 : i32
        %lt3A_194 = vector.broadcast %lt3A_193 : i32 to vector<16xi32>
        %lt3A_195 = arith.cmpi slt, %select_n3A_182, %lt3A_194 : vector<16xi32>
        %or3A_196 = arith.ori %lt3A_195, %ne3A_187 : vector<16xi1>
        %and3A_197 = arith.andi %ne3A_192, %or3A_196 : vector<16xi1>
        %swap3A_198 = arith.index_cast %add3A_166 : i32 to index
        %swap3A_199 = tpu.vector_load %arg20[%swap3A_198] {strides = array<i32>} : memref<3136xf32, #tpu.memory_space<vmem>>, vector<16xf32>,
        tpu.vector_store %arg20[%swap3A_198], %sub3A_171 {strides = array<i32>} : memref<3136xf32, #tpu.memory_space<vmem>>, vector<16xf32>,
        %jit3A_200 = arith.constant 1 : i32
        %jit3A_201 = arith.constant 0 : i32
        %broadcast_in_dim3A_202 = vector.broadcast %jit3A_200 : i32 to vector<16xi32>
        %broadcast_in_dim3A_203 = vector.broadcast %jit3A_201 : i32 to vector<16xi32>
        %select_n3A_204 = arith.select %and3A_197, %broadcast_in_dim3A_202, %broadcast_in_dim3A_203 : vector<16xi1>, vector<16xi32>
        %swap3A_205 = arith.index_cast %add3A_166 : i32 to index
        %swap3A_206 = tpu.vector_load %arg21[%swap3A_205] {strides = array<i32>} : memref<3136xi32, #tpu.memory_space<vmem>>, vector<16xi32>,
        tpu.vector_store %arg21[%swap3A_205], %select_n3A_204 {strides = array<i32>} : memref<3136xi32, #tpu.memory_space<vmem>>, vector<16xi32>,
        %jit3A_207 = arith.constant 0 : i32
        %jit3A_208 = arith.constant 1 : i32
        %broadcast_in_dim3A_209 = vector.broadcast %jit3A_207 : i32 to vector<16xi32>
        %broadcast_in_dim3A_210 = vector.broadcast %jit3A_208 : i32 to vector<16xi32>
        %select_n3A_211 = arith.select %and3A_197, %broadcast_in_dim3A_209, %broadcast_in_dim3A_210 : vector<16xi1>, vector<16xi32>
        %jit3A_212 = arith.constant 2 : i32
        %jit3A_213 = arith.constant 0 : i32
        %broadcast_in_dim3A_214 = vector.broadcast %jit3A_212 : i32 to vector<16xi32>
        %broadcast_in_dim3A_215 = vector.broadcast %jit3A_213 : i32 to vector<16xi32>
        %select_n3A_216 = arith.select %ne3A_187, %broadcast_in_dim3A_214, %broadcast_in_dim3A_215 : vector<16xi1>, vector<16xi32>
        %add3A_217 = arith.addi %select_n3A_211, %select_n3A_216 : vector<16xi32>
        %swap3A_218 = arith.constant 16 : index
        %swap3A_219 = tpu.vector_load %arg23[%swap3A_218] {strides = array<i32>} : memref<64xi32, #tpu.memory_space<vmem>>, vector<16xi32>,
        tpu.vector_store %arg23[%swap3A_218], %add3A_217 {strides = array<i32>} : memref<64xi32, #tpu.memory_space<vmem>>, vector<16xi32>,
        %mul3A_220 = arith.constant 64 : i32
        %mul3A_221 = arith.muli %scan3A_114, %mul3A_220 : i32
        %add3A_222 = arith.constant 32 : i32
        %add3A_223 = arith.addi %mul3A_221, %add3A_222 : i32
        %get3A_224 = arith.index_cast %add3A_223 : i32 to index
        %get3A_225 = tpu.vector_load %arg16[%get3A_224] {strides = array<i32>} : memref<3136xf32, #tpu.memory_space<vmem>>, vector<16xf32>,
        %get3A_226 = arith.constant 0 : index
        %get3A_227 = tpu.vector_load %arg15[%get3A_226] {strides = array<i32>} : memref<16xf32, #tpu.memory_space<vmem>>, vector<16xf32>,
        %sub3A_228 = arith.subf %get3A_225, %get3A_227 : vector<16xf32>
        %le3A_229 = arith.constant 0.000000e+00 : f32
        %le3A_230 = vector.broadcast %le3A_229 : f32 to vector<16xf32>
        %le3A_231 = arith.cmpf ole, %sub3A_228, %le3A_230 : vector<16xf32>
        %get3A_232 = arith.index_cast %add3A_223 : i32 to index
        %get3A_233 = tpu.vector_load %arg17[%get3A_232] {strides = array<i32>} : memref<3136xi32, #tpu.memory_space<vmem>>, vector<16xi32>,
        %add3A_234 = arith.constant 1 : i32
        %add3A_235 = vector.broadcast %add3A_234 : i32 to vector<16xi32>
        %add3A_236 = arith.addi %get3A_233, %add3A_235 : vector<16xi32>
        %jit3A_237 = arith.constant 0 : i32
        %broadcast_in_dim3A_238 = vector.broadcast %jit3A_237 : i32 to vector<16xi32>
        %select_n3A_239 = arith.select %le3A_231, %add3A_236, %broadcast_in_dim3A_238 : vector<16xi1>, vector<16xi32>
        %get3A_240 = arith.index_cast %add3A_223 : i32 to index
        %get3A_241 = tpu.vector_load %arg18[%get3A_240] {strides = array<i32>} : memref<3136xi32, #tpu.memory_space<vmem>>, vector<16xi32>,
        %ne3A_242 = arith.constant 0 : i32
        %ne3A_243 = vector.broadcast %ne3A_242 : i32 to vector<16xi32>
        %ne3A_244 = arith.cmpi ne, %get3A_241, %ne3A_243 : vector<16xi32>
        %get3A_245 = arith.index_cast %add3A_223 : i32 to index
        %get3A_246 = tpu.vector_load %arg19[%get3A_245] {strides = array<i32>} : memref<3136xi32, #tpu.memory_space<vmem>>, vector<16xi32>,
        %ne3A_247 = arith.constant 0 : i32
        %ne3A_248 = vector.broadcast %ne3A_247 : i32 to vector<16xi32>
        %ne3A_249 = arith.cmpi ne, %get3A_246, %ne3A_248 : vector<16xi32>
        %lt3A_250 = arith.constant 10 : i32
        %lt3A_251 = vector.broadcast %lt3A_250 : i32 to vector<16xi32>
        %lt3A_252 = arith.cmpi slt, %select_n3A_239, %lt3A_251 : vector<16xi32>
        %or3A_253 = arith.ori %lt3A_252, %ne3A_244 : vector<16xi1>
        %and3A_254 = arith.andi %ne3A_249, %or3A_253 : vector<16xi1>
        %swap3A_255 = arith.index_cast %add3A_223 : i32 to index
        %swap3A_256 = tpu.vector_load %arg20[%swap3A_255] {strides = array<i32>} : memref<3136xf32, #tpu.memory_space<vmem>>, vector<16xf32>,
        tpu.vector_store %arg20[%swap3A_255], %sub3A_228 {strides = array<i32>} : memref<3136xf32, #tpu.memory_space<vmem>>, vector<16xf32>,
        %jit3A_257 = arith.constant 1 : i32
        %jit3A_258 = arith.constant 0 : i32
        %broadcast_in_dim3A_259 = vector.broadcast %jit3A_257 : i32 to vector<16xi32>
        %broadcast_in_dim3A_260 = vector.broadcast %jit3A_258 : i32 to vector<16xi32>
        %select_n3A_261 = arith.select %and3A_254, %broadcast_in_dim3A_259, %broadcast_in_dim3A_260 : vector<16xi1>, vector<16xi32>
        %swap3A_262 = arith.index_cast %add3A_223 : i32 to index
        %swap3A_263 = tpu.vector_load %arg21[%swap3A_262] {strides = array<i32>} : memref<3136xi32, #tpu.memory_space<vmem>>, vector<16xi32>,
        tpu.vector_store %arg21[%swap3A_262], %select_n3A_261 {strides = array<i32>} : memref<3136xi32, #tpu.memory_space<vmem>>, vector<16xi32>,
        %jit3A_264 = arith.constant 0 : i32
        %jit3A_265 = arith.constant 1 : i32
        %broadcast_in_dim3A_266 = vector.broadcast %jit3A_264 : i32 to vector<16xi32>
        %broadcast_in_dim3A_267 = vector.broadcast %jit3A_265 : i32 to vector<16xi32>
        %select_n3A_268 = arith.select %and3A_254, %broadcast_in_dim3A_266, %broadcast_in_dim3A_267 : vector<16xi1>, vector<16xi32>
        %jit3A_269 = arith.constant 2 : i32
        %jit3A_270 = arith.constant 0 : i32
        %broadcast_in_dim3A_271 = vector.broadcast %jit3A_269 : i32 to vector<16xi32>
        %broadcast_in_dim3A_272 = vector.broadcast %jit3A_270 : i32 to vector<16xi32>
        %select_n3A_273 = arith.select %ne3A_244, %broadcast_in_dim3A_271, %broadcast_in_dim3A_272 : vector<16xi1>, vector<16xi32>
        %add3A_274 = arith.addi %select_n3A_268, %select_n3A_273 : vector<16xi32>
        %swap3A_275 = arith.constant 32 : index
        %swap3A_276 = tpu.vector_load %arg23[%swap3A_275] {strides = array<i32>} : memref<64xi32, #tpu.memory_space<vmem>>, vector<16xi32>,
        tpu.vector_store %arg23[%swap3A_275], %add3A_274 {strides = array<i32>} : memref<64xi32, #tpu.memory_space<vmem>>, vector<16xi32>,
        %mul3A_277 = arith.constant 64 : i32
        %mul3A_278 = arith.muli %scan3A_114, %mul3A_277 : i32
        %add3A_279 = arith.constant 48 : i32
        %add3A_280 = arith.addi %mul3A_278, %add3A_279 : i32
        %get3A_281 = arith.index_cast %add3A_280 : i32 to index
        %get3A_282 = tpu.vector_load %arg16[%get3A_281] {strides = array<i32>} : memref<3136xf32, #tpu.memory_space<vmem>>, vector<16xf32>,
        %get3A_283 = arith.constant 0 : index
        %get3A_284 = tpu.vector_load %arg15[%get3A_283] {strides = array<i32>} : memref<16xf32, #tpu.memory_space<vmem>>, vector<16xf32>,
        %sub3A_285 = arith.subf %get3A_282, %get3A_284 : vector<16xf32>
        %le3A_286 = arith.constant 0.000000e+00 : f32
        %le3A_287 = vector.broadcast %le3A_286 : f32 to vector<16xf32>
        %le3A_288 = arith.cmpf ole, %sub3A_285, %le3A_287 : vector<16xf32>
        %get3A_289 = arith.index_cast %add3A_280 : i32 to index
        %get3A_290 = tpu.vector_load %arg17[%get3A_289] {strides = array<i32>} : memref<3136xi32, #tpu.memory_space<vmem>>, vector<16xi32>,
        %add3A_291 = arith.constant 1 : i32
        %add3A_292 = vector.broadcast %add3A_291 : i32 to vector<16xi32>
        %add3A_293 = arith.addi %get3A_290, %add3A_292 : vector<16xi32>
        %jit3A_294 = arith.constant 0 : i32
        %broadcast_in_dim3A_295 = vector.broadcast %jit3A_294 : i32 to vector<16xi32>
        %select_n3A_296 = arith.select %le3A_288, %add3A_293, %broadcast_in_dim3A_295 : vector<16xi1>, vector<16xi32>
        %get3A_297 = arith.index_cast %add3A_280 : i32 to index
        %get3A_298 = tpu.vector_load %arg18[%get3A_297] {strides = array<i32>} : memref<3136xi32, #tpu.memory_space<vmem>>, vector<16xi32>,
        %ne3A_299 = arith.constant 0 : i32
        %ne3A_300 = vector.broadcast %ne3A_299 : i32 to vector<16xi32>
        %ne3A_301 = arith.cmpi ne, %get3A_298, %ne3A_300 : vector<16xi32>
        %get3A_302 = arith.index_cast %add3A_280 : i32 to index
        %get3A_303 = tpu.vector_load %arg19[%get3A_302] {strides = array<i32>} : memref<3136xi32, #tpu.memory_space<vmem>>, vector<16xi32>,
        %ne3A_304 = arith.constant 0 : i32
        %ne3A_305 = vector.broadcast %ne3A_304 : i32 to vector<16xi32>
        %ne3A_306 = arith.cmpi ne, %get3A_303, %ne3A_305 : vector<16xi32>
        %lt3A_307 = arith.constant 10 : i32
        %lt3A_308 = vector.broadcast %lt3A_307 : i32 to vector<16xi32>
        %lt3A_309 = arith.cmpi slt, %select_n3A_296, %lt3A_308 : vector<16xi32>
        %or3A_310 = arith.ori %lt3A_309, %ne3A_301 : vector<16xi1>
        %and3A_311 = arith.andi %ne3A_306, %or3A_310 : vector<16xi1>
        %swap3A_312 = arith.index_cast %add3A_280 : i32 to index
        %swap3A_313 = tpu.vector_load %arg20[%swap3A_312] {strides = array<i32>} : memref<3136xf32, #tpu.memory_space<vmem>>, vector<16xf32>,
        tpu.vector_store %arg20[%swap3A_312], %sub3A_285 {strides = array<i32>} : memref<3136xf32, #tpu.memory_space<vmem>>, vector<16xf32>,
        %jit3A_314 = arith.constant 1 : i32
        %jit3A_315 = arith.constant 0 : i32
        %broadcast_in_dim3A_316 = vector.broadcast %jit3A_314 : i32 to vector<16xi32>
        %broadcast_in_dim3A_317 = vector.broadcast %jit3A_315 : i32 to vector<16xi32>
        %select_n3A_318 = arith.select %and3A_311, %broadcast_in_dim3A_316, %broadcast_in_dim3A_317 : vector<16xi1>, vector<16xi32>
        %swap3A_319 = arith.index_cast %add3A_280 : i32 to index
        %swap3A_320 = tpu.vector_load %arg21[%swap3A_319] {strides = array<i32>} : memref<3136xi32, #tpu.memory_space<vmem>>, vector<16xi32>,
        tpu.vector_store %arg21[%swap3A_319], %select_n3A_318 {strides = array<i32>} : memref<3136xi32, #tpu.memory_space<vmem>>, vector<16xi32>,
        %jit3A_321 = arith.constant 0 : i32
        %jit3A_322 = arith.constant 1 : i32
        %broadcast_in_dim3A_323 = vector.broadcast %jit3A_321 : i32 to vector<16xi32>
        %broadcast_in_dim3A_324 = vector.broadcast %jit3A_322 : i32 to vector<16xi32>
        %select_n3A_325 = arith.select %and3A_311, %broadcast_in_dim3A_323, %broadcast_in_dim3A_324 : vector<16xi1>, vector<16xi32>
        %jit3A_326 = arith.constant 2 : i32
        %jit3A_327 = arith.constant 0 : i32
        %broadcast_in_dim3A_328 = vector.broadcast %jit3A_326 : i32 to vector<16xi32>
        %broadcast_in_dim3A_329 = vector.broadcast %jit3A_327 : i32 to vector<16xi32>
        %select_n3A_330 = arith.select %ne3A_301, %broadcast_in_dim3A_328, %broadcast_in_dim3A_329 : vector<16xi1>, vector<16xi32>
        %add3A_331 = arith.addi %select_n3A_325, %select_n3A_330 : vector<16xi32>
        %swap3A_332 = arith.constant 48 : index
        %swap3A_333 = tpu.vector_load %arg23[%swap3A_332] {strides = array<i32>} : memref<64xi32, #tpu.memory_space<vmem>>, vector<16xi32>,
        tpu.vector_store %arg23[%swap3A_332], %add3A_331 {strides = array<i32>} : memref<64xi32, #tpu.memory_space<vmem>>, vector<16xi32>,
        %gather3A = tpu.vector_load_idx %arg23[%mul3A_5] : memref<64xi32, #tpu.memory_space<vmem>>[vector<16xi32>], vector<16xi32>,
        %add3A_334 = arith.constant 1 : i32
        %add3A_335 = vector.broadcast %add3A_334 : i32 to vector<16xi32>
        %add3A_336 = arith.addi %mul3A_5, %add3A_335 : vector<16xi32>
        %gather3A_337 = tpu.vector_load_idx %arg23[%add3A_336] : memref<64xi32, #tpu.memory_space<vmem>>[vector<16xi32>], vector<16xi32>,
        %add3A_338 = arith.constant 2 : i32
        %add3A_339 = vector.broadcast %add3A_338 : i32 to vector<16xi32>
        %add3A_340 = arith.addi %mul3A_5, %add3A_339 : vector<16xi32>
        %gather3A_341 = tpu.vector_load_idx %arg23[%add3A_340] : memref<64xi32, #tpu.memory_space<vmem>>[vector<16xi32>], vector<16xi32>,
        %add3A_342 = arith.constant 3 : i32
        %add3A_343 = vector.broadcast %add3A_342 : i32 to vector<16xi32>
        %add3A_344 = arith.addi %mul3A_5, %add3A_343 : vector<16xi32>
        %gather3A_345 = tpu.vector_load_idx %arg23[%add3A_344] : memref<64xi32, #tpu.memory_space<vmem>>[vector<16xi32>], vector<16xi32>,
        %shift_left3A = arith.constant 8 : i32
        %shift_left3A_346 = vector.broadcast %shift_left3A : i32 to vector<16xi32>
        %shift_left3A_347 = arith.shli %gather3A_337, %shift_left3A_346 : vector<16xi32>
        %or3A_348 = arith.ori %gather3A, %shift_left3A_347 : vector<16xi32>
        %shift_left3A_349 = arith.constant 16 : i32
        %shift_left3A_350 = vector.broadcast %shift_left3A_349 : i32 to vector<16xi32>
        %shift_left3A_351 = arith.shli %gather3A_341, %shift_left3A_350 : vector<16xi32>
        %or3A_352 = arith.ori %or3A_348, %shift_left3A_351 : vector<16xi32>
        %shift_left3A_353 = arith.constant 24 : i32
        %shift_left3A_354 = vector.broadcast %shift_left3A_353 : i32 to vector<16xi32>
        %shift_left3A_355 = arith.shli %gather3A_345, %shift_left3A_354 : vector<16xi32>
        %or3A_356 = arith.ori %or3A_352, %shift_left3A_355 : vector<16xi32>
        %mul3A_357 = arith.constant 16 : i32
        %mul3A_358 = arith.muli %scan3A_114, %mul3A_357 : i32
        %swap3A_359 = arith.index_cast %mul3A_358 : i32 to index
        %swap3A_360 = tpu.vector_load %arg22[%swap3A_359] {strides = array<i32>} : memref<784xi32, #tpu.memory_space<vmem>>, vector<16xi32>,
        tpu.vector_store %arg22[%swap3A_359], %or3A_356 {strides = array<i32>} : memref<784xi32, #tpu.memory_space<vmem>>, vector<16xi32>,
        %scan3A_361 = arith.constant 0 : i32
        scf.yield %scan3A_361 : i32
      }
      %scan3A_95 = arith.constant 49 : i32
      %mul3A_96 = arith.constant 1568 : i32
      %mul3A_97 = arith.muli %arg1, %mul3A_96 : i32
      %mul3A_98 = arith.constant 784 : i32
      %mul3A_99 = arith.muli %scan3A_69, %mul3A_98 : i32
      %add3A_100 = arith.addi %mul3A_97, %mul3A_99 : i32
      %mul3A_101 = arith.constant 25088 : i32
      %mul3A_102 = arith.muli %arg0, %mul3A_101 : i32
      %add3A_103 = arith.addi %mul3A_102, %add3A_100 : i32
      %dma_start3A_104 = tpu.memref_slice %arg11[%add3A_103] : memref<50176xi32, #tpu.memory_space<hbm>> -> memref<784xi32, #tpu.memory_space<hbm>>
      %dma_start3A_105 = tpu.memref_slice %arg11[%add3A_103] : memref<50176xi32, #tpu.memory_space<hbm>> -> memref<784xi32, #tpu.memory_space<hbm>>
      tpu.enqueue_dma source(%arg22 : memref<784xi32, #tpu.memory_space<vmem>>) target(%dma_start3A_105 : memref<784xi32, #tpu.memory_space<hbm>>) target_semaphore(%arg30 : memref<!tpu.dma_semaphore, #tpu.memory_space<semaphore_mem>>)
      %eq3A_106 = arith.constant 0 : i32
      %eq3A_107 = arith.cmpi eq, %arg0, %eq3A_106 : i32
      %convert_element_type3A_108 = arith.extui %eq3A_107 : i1 to i32
      %cond3A_109 = arith.constant 0 : i32
      %cond3A_110 = arith.cmpi ne, %convert_element_type3A_108, %cond3A_109 : i32
      scf.if %cond3A_110 {
        %dma_start3A_114 = tpu.memref_slice %arg9[%add3A_73] : memref<100352xf32, #tpu.memory_space<hbm>> -> memref<3136xf32, #tpu.memory_space<hbm>>
        %dma_start3A_115 = tpu.memref_slice %arg9[%add3A_73] : memref<100352xf32, #tpu.memory_space<hbm>> -> memref<3136xf32, #tpu.memory_space<hbm>>
        tpu.enqueue_dma source(%arg20 : memref<3136xf32, #tpu.memory_space<vmem>>) target(%dma_start3A_115 : memref<3136xf32, #tpu.memory_space<hbm>>) target_semaphore(%arg31 : memref<!tpu.dma_semaphore, #tpu.memory_space<semaphore_mem>>)
        %dma_start3A_116 = tpu.memref_slice %arg10[%add3A_73] : memref<100352xi32, #tpu.memory_space<hbm>> -> memref<3136xi32, #tpu.memory_space<hbm>>
        %dma_start3A_117 = tpu.memref_slice %arg10[%add3A_73] : memref<100352xi32, #tpu.memory_space<hbm>> -> memref<3136xi32, #tpu.memory_space<hbm>>
        tpu.enqueue_dma source(%arg21 : memref<3136xi32, #tpu.memory_space<vmem>>) target(%dma_start3A_117 : memref<3136xi32, #tpu.memory_space<hbm>>) target_semaphore(%arg32 : memref<!tpu.dma_semaphore, #tpu.memory_space<semaphore_mem>>)
        %dma_wait3A_118 = tpu.memref_slice %arg9[%add3A_73] : memref<100352xf32, #tpu.memory_space<hbm>> -> memref<3136xf32, #tpu.memory_space<hbm>>
        %dma_wait3A_119 = tpu.memref_slice %arg9[%add3A_73] : memref<100352xf32, #tpu.memory_space<hbm>> -> memref<3136xf32, #tpu.memory_space<hbm>>
        tpu.wait_dma2 semaphore(%arg31 : memref<!tpu.dma_semaphore, #tpu.memory_space<semaphore_mem>>) src(%arg20 : memref<3136xf32, #tpu.memory_space<vmem>>) dst(%dma_wait3A_119 : memref<3136xf32, #tpu.memory_space<hbm>>)
        %dma_wait3A_120 = tpu.memref_slice %arg10[%add3A_73] : memref<100352xi32, #tpu.memory_space<hbm>> -> memref<3136xi32, #tpu.memory_space<hbm>>
        %dma_wait3A_121 = tpu.memref_slice %arg10[%add3A_73] : memref<100352xi32, #tpu.memory_space<hbm>> -> memref<3136xi32, #tpu.memory_space<hbm>>
        tpu.wait_dma2 semaphore(%arg32 : memref<!tpu.dma_semaphore, #tpu.memory_space<semaphore_mem>>) src(%arg21 : memref<3136xi32, #tpu.memory_space<vmem>>) dst(%dma_wait3A_121 : memref<3136xi32, #tpu.memory_space<hbm>>)
      } else {
      }
      %dma_wait3A_111 = tpu.memref_slice %arg11[%add3A_103] : memref<50176xi32, #tpu.memory_space<hbm>> -> memref<784xi32, #tpu.memory_space<hbm>>
      %dma_wait3A_112 = tpu.memref_slice %arg11[%add3A_103] : memref<50176xi32, #tpu.memory_space<hbm>> -> memref<784xi32, #tpu.memory_space<hbm>>
      tpu.wait_dma2 semaphore(%arg30 : memref<!tpu.dma_semaphore, #tpu.memory_space<semaphore_mem>>) src(%arg22 : memref<784xi32, #tpu.memory_space<vmem>>) dst(%dma_wait3A_112 : memref<784xi32, #tpu.memory_space<hbm>>)
      %scan3A_113 = arith.constant 0 : i32
      scf.yield %scan3A_113 : i32
    }
    %scan3A_11 = arith.constant 2 : i32
    %mul3A_12 = arith.constant 25088 : i32
    %mul3A_13 = arith.muli %arg1, %mul3A_12 : i32
    %add3A_14 = arith.constant 0 : i32
    %add3A_15 = arith.addi %mul3A_13, %add3A_14 : i32
    "tpu.region"() ({
      %run_scoped3A = tpu.sem_alloc : memref<!tpu.dma_semaphore, #tpu.memory_space<semaphore_mem>>
      %dma_start3A_69 = tpu.memref_slice %arg13[%add3A_15] : memref<401408xf32, #tpu.memory_space<vmem_shared>> -> memref<6272xf32, #tpu.memory_space<vmem_shared>>
      %dma_start3A_70 = arith.constant 0 : i32
      %dma_start3A_71 = tpu.memref_slice %arg8[%dma_start3A_70] : memref<100352xf32, #tpu.memory_space<hbm>> -> memref<6272xf32, #tpu.memory_space<hbm>>
      tpu.enqueue_dma source(%dma_start3A_71 : memref<6272xf32, #tpu.memory_space<hbm>>) target(%dma_start3A_69 : memref<6272xf32, #tpu.memory_space<vmem_shared>>) target_semaphore(%run_scoped3A : memref<!tpu.dma_semaphore, #tpu.memory_space<semaphore_mem>>)
      %dma_wait3A = tpu.memref_slice %arg13[%add3A_15] : memref<401408xf32, #tpu.memory_space<vmem_shared>> -> memref<6272xf32, #tpu.memory_space<vmem_shared>>
      %dma_wait3A_72 = arith.constant 0 : i32
      %dma_wait3A_73 = tpu.memref_slice %arg8[%dma_wait3A_72] : memref<100352xf32, #tpu.memory_space<hbm>> -> memref<6272xf32, #tpu.memory_space<hbm>>
      tpu.wait_dma2 semaphore(%run_scoped3A : memref<!tpu.dma_semaphore, #tpu.memory_space<semaphore_mem>>) src(%dma_wait3A_73 : memref<6272xf32, #tpu.memory_space<hbm>>) dst(%dma_wait3A : memref<6272xf32, #tpu.memory_space<vmem_shared>>)
      tpu.yield
    }) : () -> ()
    %mul3A_16 = arith.constant 25088 : i32
    %mul3A_17 = arith.muli %arg1, %mul3A_16 : i32
    %add3A_18 = arith.constant 6272 : i32
    %add3A_19 = arith.addi %mul3A_17, %add3A_18 : i32
    "tpu.region"() ({
      %run_scoped3A = tpu.sem_alloc : memref<!tpu.dma_semaphore, #tpu.memory_space<semaphore_mem>>
      %dma_start3A_69 = tpu.memref_slice %arg13[%add3A_19] : memref<401408xf32, #tpu.memory_space<vmem_shared>> -> memref<6272xf32, #tpu.memory_space<vmem_shared>>
      %dma_start3A_70 = arith.constant 0 : i32
      %dma_start3A_71 = tpu.memref_slice %arg8[%dma_start3A_70] : memref<100352xf32, #tpu.memory_space<hbm>> -> memref<6272xf32, #tpu.memory_space<hbm>>
      tpu.enqueue_dma source(%dma_start3A_71 : memref<6272xf32, #tpu.memory_space<hbm>>) target(%dma_start3A_69 : memref<6272xf32, #tpu.memory_space<vmem_shared>>) target_semaphore(%run_scoped3A : memref<!tpu.dma_semaphore, #tpu.memory_space<semaphore_mem>>)
      %dma_wait3A = tpu.memref_slice %arg13[%add3A_19] : memref<401408xf32, #tpu.memory_space<vmem_shared>> -> memref<6272xf32, #tpu.memory_space<vmem_shared>>
      %dma_wait3A_72 = arith.constant 0 : i32
      %dma_wait3A_73 = tpu.memref_slice %arg8[%dma_wait3A_72] : memref<100352xf32, #tpu.memory_space<hbm>> -> memref<6272xf32, #tpu.memory_space<hbm>>
      tpu.wait_dma2 semaphore(%run_scoped3A : memref<!tpu.dma_semaphore, #tpu.memory_space<semaphore_mem>>) src(%dma_wait3A_73 : memref<6272xf32, #tpu.memory_space<hbm>>) dst(%dma_wait3A : memref<6272xf32, #tpu.memory_space<vmem_shared>>)
      tpu.yield
    }) : () -> ()
    %mul3A_20 = arith.constant 25088 : i32
    %mul3A_21 = arith.muli %arg1, %mul3A_20 : i32
    %add3A_22 = arith.constant 12544 : i32
    %add3A_23 = arith.addi %mul3A_21, %add3A_22 : i32
    "tpu.region"() ({
      %run_scoped3A = tpu.sem_alloc : memref<!tpu.dma_semaphore, #tpu.memory_space<semaphore_mem>>
      %dma_start3A_69 = tpu.memref_slice %arg13[%add3A_23] : memref<401408xf32, #tpu.memory_space<vmem_shared>> -> memref<6272xf32, #tpu.memory_space<vmem_shared>>
      %dma_start3A_70 = arith.constant 0 : i32
      %dma_start3A_71 = tpu.memref_slice %arg8[%dma_start3A_70] : memref<100352xf32, #tpu.memory_space<hbm>> -> memref<6272xf32, #tpu.memory_space<hbm>>
      tpu.enqueue_dma source(%dma_start3A_71 : memref<6272xf32, #tpu.memory_space<hbm>>) target(%dma_start3A_69 : memref<6272xf32, #tpu.memory_space<vmem_shared>>) target_semaphore(%run_scoped3A : memref<!tpu.dma_semaphore, #tpu.memory_space<semaphore_mem>>)
      %dma_wait3A = tpu.memref_slice %arg13[%add3A_23] : memref<401408xf32, #tpu.memory_space<vmem_shared>> -> memref<6272xf32, #tpu.memory_space<vmem_shared>>
      %dma_wait3A_72 = arith.constant 0 : i32
      %dma_wait3A_73 = tpu.memref_slice %arg8[%dma_wait3A_72] : memref<100352xf32, #tpu.memory_space<hbm>> -> memref<6272xf32, #tpu.memory_space<hbm>>
      tpu.wait_dma2 semaphore(%run_scoped3A : memref<!tpu.dma_semaphore, #tpu.memory_space<semaphore_mem>>) src(%dma_wait3A_73 : memref<6272xf32, #tpu.memory_space<hbm>>) dst(%dma_wait3A : memref<6272xf32, #tpu.memory_space<vmem_shared>>)
      tpu.yield
    }) : () -> ()
    %mul3A_24 = arith.constant 25088 : i32
    %mul3A_25 = arith.muli %arg1, %mul3A_24 : i32
    %add3A_26 = arith.constant 18816 : i32
    %add3A_27 = arith.addi %mul3A_25, %add3A_26 : i32
    "tpu.region"() ({
      %run_scoped3A = tpu.sem_alloc : memref<!tpu.dma_semaphore, #tpu.memory_space<semaphore_mem>>
      %dma_start3A_69 = tpu.memref_slice %arg13[%add3A_27] : memref<401408xf32, #tpu.memory_space<vmem_shared>> -> memref<6272xf32, #tpu.memory_space<vmem_shared>>
      %dma_start3A_70 = arith.constant 0 : i32
      %dma_start3A_71 = tpu.memref_slice %arg8[%dma_start3A_70] : memref<100352xf32, #tpu.memory_space<hbm>> -> memref<6272xf32, #tpu.memory_space<hbm>>
      tpu.enqueue_dma source(%dma_start3A_71 : memref<6272xf32, #tpu.memory_space<hbm>>) target(%dma_start3A_69 : memref<6272xf32, #tpu.memory_space<vmem_shared>>) target_semaphore(%run_scoped3A : memref<!tpu.dma_semaphore, #tpu.memory_space<semaphore_mem>>)
      %dma_wait3A = tpu.memref_slice %arg13[%add3A_27] : memref<401408xf32, #tpu.memory_space<vmem_shared>> -> memref<6272xf32, #tpu.memory_space<vmem_shared>>
      %dma_wait3A_72 = arith.constant 0 : i32
      %dma_wait3A_73 = tpu.memref_slice %arg8[%dma_wait3A_72] : memref<100352xf32, #tpu.memory_space<hbm>> -> memref<6272xf32, #tpu.memory_space<hbm>>
      tpu.wait_dma2 semaphore(%run_scoped3A : memref<!tpu.dma_semaphore, #tpu.memory_space<semaphore_mem>>) src(%dma_wait3A_73 : memref<6272xf32, #tpu.memory_space<hbm>>) dst(%dma_wait3A : memref<6272xf32, #tpu.memory_space<vmem_shared>>)
      tpu.yield
    }) : () -> ()
    %scan3A_28 = arith.constant 0 : i32
    %scan3A_29 = arith.constant 0 : i32
    %scan3A_30 = arith.constant 128 : i32
    %scan3A_31 = arith.addi %scan3A_29, %scan3A_30 : i32
    %scan3A_32 = arith.constant 1 : i32
    %scan3A_33 = scf.for %scan3A_69 = %scan3A_29 to %scan3A_31 step %scan3A_32 iter_args(%scan3A_70 = %scan3A_28) -> (i32)  : i32 {
      %broadcast_in_dim3A = arith.constant 1.000000e+00 : f32
      %broadcast_in_dim3A_71 = vector.broadcast %broadcast_in_dim3A : f32 to vector<16xf32>
      %mul3A_72 = arith.constant 16 : i32
      %mul3A_73 = arith.muli %scan3A_69, %mul3A_72 : i32
      %swap3A = arith.index_cast %mul3A_73 : i32 to index
      %swap3A_74 = tpu.vector_load %arg29[%swap3A] {strides = array<i32>} : memref<2048xf32, #tpu.memory_space<vmem>>, vector<16xf32>,
      tpu.vector_store %arg29[%swap3A], %broadcast_in_dim3A_71 {strides = array<i32>} : memref<2048xf32, #tpu.memory_space<vmem>>, vector<16xf32>,
      %scan3A_75 = arith.constant 0 : i32
      scf.yield %scan3A_75 : i32
    }
    %scan3A_34 = arith.constant 128 : i32
    %barrier3A = arith.constant 0 : index
    tpu.barrier barrier_id(%barrier3A)
    %mul3A_35 = arith.constant 25088 : i32
    %mul3A_36 = arith.muli %arg0, %mul3A_35 : i32
    "tpu.region"() ({
      %run_scoped3A = tpu.sem_alloc : memref<!tpu.dma_semaphore, #tpu.memory_space<semaphore_mem>>
      %dma_start3A_69 = tpu.memref_slice %arg11[%mul3A_36] : memref<50176xi32, #tpu.memory_space<hbm>> -> memref<25088xi32, #tpu.memory_space<hbm>>
      %dma_start3A_70 = tpu.memref_slice %arg11[%mul3A_36] : memref<50176xi32, #tpu.memory_space<hbm>> -> memref<25088xi32, #tpu.memory_space<hbm>>
      tpu.enqueue_dma source(%dma_start3A_70 : memref<25088xi32, #tpu.memory_space<hbm>>) target(%arg14 : memref<25088xi32, #tpu.memory_space<vmem>>) target_semaphore(%run_scoped3A : memref<!tpu.dma_semaphore, #tpu.memory_space<semaphore_mem>>)
      %dma_wait3A = tpu.memref_slice %arg11[%mul3A_36] : memref<50176xi32, #tpu.memory_space<hbm>> -> memref<25088xi32, #tpu.memory_space<hbm>>
      %dma_wait3A_71 = tpu.memref_slice %arg11[%mul3A_36] : memref<50176xi32, #tpu.memory_space<hbm>> -> memref<25088xi32, #tpu.memory_space<hbm>>
      tpu.wait_dma2 semaphore(%run_scoped3A : memref<!tpu.dma_semaphore, #tpu.memory_space<semaphore_mem>>) src(%dma_wait3A_71 : memref<25088xi32, #tpu.memory_space<hbm>>) dst(%arg14 : memref<25088xi32, #tpu.memory_space<vmem>>)
      tpu.yield
    }) : () -> ()
    %mul3A_37 = arith.constant 4096 : i32
    %mul3A_38 = arith.muli %add3A, %mul3A_37 : i32
    %dma_start3A = tpu.memref_slice %arg7[%mul3A_38] : memref<6400000xi32, #tpu.memory_space<hbm>> -> memref<4096xi32, #tpu.memory_space<hbm>>
    %dma_start3A_39 = tpu.memref_slice %arg7[%mul3A_38] : memref<6400000xi32, #tpu.memory_space<hbm>> -> memref<4096xi32, #tpu.memory_space<hbm>>
    tpu.enqueue_dma source(%dma_start3A_39 : memref<4096xi32, #tpu.memory_space<hbm>>) target(%arg24 : memref<4096xi32, #tpu.memory_space<vmem>>) target_semaphore(%arg30 : memref<!tpu.dma_semaphore, #tpu.memory_space<semaphore_mem>>)
    %scan3A_40 = arith.constant 0 : i32
    %scan3A_41 = arith.constant 0 : i32
    %scan3A_42 = arith.constant 25 : i32
    %scan3A_43 = arith.addi %scan3A_41, %scan3A_42 : i32
    %scan3A_44 = arith.constant 1 : i32
    %scan3A_45 = scf.for %scan3A_69 = %scan3A_41 to %scan3A_43 step %scan3A_44 iter_args(%scan3A_70 = %scan3A_40) -> (i32)  : i32 {
      %mul3A_71 = arith.constant 2 : i32
      %mul3A_72 = arith.muli %mul3A_71, %scan3A_69 : i32
      %add3A_73 = arith.constant 0 : i32
      %add3A_74 = arith.addi %mul3A_72, %add3A_73 : i32
      %mul3A_75 = arith.constant 32 : i32
      %mul3A_76 = arith.muli %mul3A_75, %add3A_74 : i32
      %add3A_77 = arith.addi %add3A, %mul3A_76 : i32
      %lt3A_78 = arith.constant 1562 : i32
      %lt3A_79 = arith.cmpi slt, %add3A_77, %lt3A_78 : i32
      %convert_element_type3A_80 = arith.extui %lt3A_79 : i1 to i32
      %cond3A_81 = arith.constant 0 : i32
      %cond3A_82 = arith.cmpi ne, %convert_element_type3A_80, %cond3A_81 : i32
      scf.if %cond3A_82 {
        %dma_wait3A = arith.constant 0 : i32
        %dma_wait3A_96 = tpu.memref_slice %arg7[%dma_wait3A] : memref<6400000xi32, #tpu.memory_space<hbm>> -> memref<4096xi32, #tpu.memory_space<hbm>>
        %dma_wait3A_97 = arith.constant 0 : i32
        %dma_wait3A_98 = tpu.memref_slice %arg7[%dma_wait3A_97] : memref<6400000xi32, #tpu.memory_space<hbm>> -> memref<4096xi32, #tpu.memory_space<hbm>>
        tpu.wait_dma2 semaphore(%arg30 : memref<!tpu.dma_semaphore, #tpu.memory_space<semaphore_mem>>) src(%dma_wait3A_98 : memref<4096xi32, #tpu.memory_space<hbm>>) dst(%arg24 : memref<4096xi32, #tpu.memory_space<vmem>>)
        %gt3A = arith.constant 0 : i32
        %gt3A_99 = arith.cmpi sgt, %add3A_74, %gt3A : i32
        %convert_element_type3A_100 = arith.extui %gt3A_99 : i1 to i32
        %cond3A_101 = arith.constant 0 : i32
        %cond3A_102 = arith.cmpi ne, %convert_element_type3A_100, %cond3A_101 : i32
        scf.if %cond3A_102 {
          %dma_wait3A_122 = arith.constant 0 : i32
          %dma_wait3A_123 = tpu.memref_slice %arg13[%dma_wait3A_122] : memref<401408xf32, #tpu.memory_space<vmem_shared>> -> memref<401408xf32, #tpu.memory_space<vmem_shared>>
          tpu.wait_indirect_dma semaphore(%arg35 : memref<!tpu.dma_semaphore, #tpu.memory_space<semaphore_mem>>) src(%arg29 : memref<2048xf32, #tpu.memory_space<vmem>>) dst(%dma_wait3A_123 : memref<401408xf32, #tpu.memory_space<vmem_shared>>)
        } else {
        }
        %add3A_103 = arith.constant 1 : i32
        %add3A_104 = arith.addi %add3A_74, %add3A_103 : i32
        %mul3A_105 = arith.constant 32 : i32
        %mul3A_106 = arith.muli %mul3A_105, %add3A_104 : i32
        %add3A_107 = arith.addi %add3A, %mul3A_106 : i32
        %lt3A_108 = arith.constant 1562 : i32
        %lt3A_109 = arith.cmpi slt, %add3A_107, %lt3A_108 : i32
        %convert_element_type3A_110 = arith.extui %lt3A_109 : i1 to i32
        %cond3A_111 = arith.constant 0 : i32
        %cond3A_112 = arith.cmpi ne, %convert_element_type3A_110, %cond3A_111 : i32
        scf.if %cond3A_112 {
          %add3A_122 = arith.constant 1 : i32
          %add3A_123 = arith.addi %add3A_74, %add3A_122 : i32
          %mul3A_124 = arith.constant 32 : i32
          %mul3A_125 = arith.muli %mul3A_124, %add3A_123 : i32
          %add3A_126 = arith.addi %add3A, %mul3A_125 : i32
          %mul3A_127 = arith.constant 4096 : i32
          %mul3A_128 = arith.muli %add3A_126, %mul3A_127 : i32
          %dma_start3A_129 = tpu.memref_slice %arg7[%mul3A_128] : memref<6400000xi32, #tpu.memory_space<hbm>> -> memref<4096xi32, #tpu.memory_space<hbm>>
          %dma_start3A_130 = tpu.memref_slice %arg7[%mul3A_128] : memref<6400000xi32, #tpu.memory_space<hbm>> -> memref<4096xi32, #tpu.memory_space<hbm>>
          tpu.enqueue_dma source(%dma_start3A_130 : memref<4096xi32, #tpu.memory_space<hbm>>) target(%arg25 : memref<4096xi32, #tpu.memory_space<vmem>>) target_semaphore(%arg31 : memref<!tpu.dma_semaphore, #tpu.memory_space<semaphore_mem>>)
        } else {
        }
        %scan3A_113 = arith.constant 0 : i32
        %scan3A_114 = arith.constant 0 : i32
        %scan3A_115 = arith.constant 16 : i32
        %scan3A_116 = arith.addi %scan3A_114, %scan3A_115 : i32
        %scan3A_117 = arith.constant 1 : i32
        %scan3A_118 = scf.for %scan3A_122 = %scan3A_114 to %scan3A_116 step %scan3A_117 iter_args(%scan3A_123 = %scan3A_113) -> (i32)  : i32 {
          %mul3A_124 = arith.constant 256 : i32
          %mul3A_125 = arith.muli %scan3A_122, %mul3A_124 : i32
          %mul3A_126 = arith.constant 128 : i32
          %mul3A_127 = arith.muli %scan3A_122, %mul3A_126 : i32
          %add3A_128 = arith.constant 0 : i32
          %add3A_129 = arith.addi %mul3A_125, %add3A_128 : i32
          %get3A = arith.index_cast %add3A_129 : i32 to index
          %get3A_130 = tpu.vector_load %arg24[%get3A] {strides = array<i32>} : memref<4096xi32, #tpu.memory_space<vmem>>, vector<16xi32>,
          %add3A_131 = arith.constant 128 : i32
          %add3A_132 = arith.addi %mul3A_125, %add3A_131 : i32
          %add3A_133 = arith.constant 0 : i32
          %add3A_134 = arith.addi %add3A_132, %add3A_133 : i32
          %get3A_135 = arith.index_cast %add3A_134 : i32 to index
          %get3A_136 = tpu.vector_load %arg24[%get3A_135] {strides = array<i32>} : memref<4096xi32, #tpu.memory_space<vmem>>, vector<16xi32>,
          %shift_right_arithmetic3A = arith.constant 2 : i32
          %shift_right_arithmetic3A_137 = vector.broadcast %shift_right_arithmetic3A : i32 to vector<16xi32>
          %shift_right_arithmetic3A_138 = arith.shrsi %get3A_136, %shift_right_arithmetic3A_137 : vector<16xi32>
          %gather3A = tpu.vector_load_idx %arg14[%shift_right_arithmetic3A_138] : memref<25088xi32, #tpu.memory_space<vmem>>[vector<16xi32>], vector<16xi32>,
          %and3A = arith.constant 3 : i32
          %and3A_139 = vector.broadcast %and3A : i32 to vector<16xi32>
          %and3A_140 = arith.andi %get3A_136, %and3A_139 : vector<16xi32>
          %shift_left3A = arith.constant 3 : i32
          %shift_left3A_141 = vector.broadcast %shift_left3A : i32 to vector<16xi32>
          %shift_left3A_142 = arith.shli %and3A_140, %shift_left3A_141 : vector<16xi32>
          %shift_right_arithmetic3A_143 = arith.shrsi %gather3A, %shift_left3A_142 : vector<16xi32>
          %and3A_144 = arith.constant 3 : i32
          %and3A_145 = vector.broadcast %and3A_144 : i32 to vector<16xi32>
          %and3A_146 = arith.andi %shift_right_arithmetic3A_143, %and3A_145 : vector<16xi32>
          %shift_left3A_147 = arith.constant 2 : i32
          %shift_left3A_148 = vector.broadcast %shift_left3A_147 : i32 to vector<16xi32>
          %shift_left3A_149 = arith.shli %get3A_130, %shift_left3A_148 : vector<16xi32>
          %or3A = arith.ori %shift_left3A_149, %and3A_146 : vector<16xi32>
          %add3A_150 = arith.constant 0 : i32
          %add3A_151 = arith.addi %mul3A_127, %add3A_150 : i32
          %swap3A = arith.index_cast %add3A_151 : i32 to index
          %swap3A_152 = tpu.vector_load %arg26[%swap3A] {strides = array<i32>} : memref<2048xi32, #tpu.memory_space<vmem>>, vector<16xi32>,
          tpu.vector_store %arg26[%swap3A], %or3A {strides = array<i32>} : memref<2048xi32, #tpu.memory_space<vmem>>, vector<16xi32>,
          %add3A_153 = arith.constant 16 : i32
          %add3A_154 = arith.addi %mul3A_125, %add3A_153 : i32
          %get3A_155 = arith.index_cast %add3A_154 : i32 to index
          %get3A_156 = tpu.vector_load %arg24[%get3A_155] {strides = array<i32>} : memref<4096xi32, #tpu.memory_space<vmem>>, vector<16xi32>,
          %add3A_157 = arith.constant 128 : i32
          %add3A_158 = arith.addi %mul3A_125, %add3A_157 : i32
          %add3A_159 = arith.constant 16 : i32
          %add3A_160 = arith.addi %add3A_158, %add3A_159 : i32
          %get3A_161 = arith.index_cast %add3A_160 : i32 to index
          %get3A_162 = tpu.vector_load %arg24[%get3A_161] {strides = array<i32>} : memref<4096xi32, #tpu.memory_space<vmem>>, vector<16xi32>,
          %shift_right_arithmetic3A_163 = arith.constant 2 : i32
          %shift_right_arithmetic3A_164 = vector.broadcast %shift_right_arithmetic3A_163 : i32 to vector<16xi32>
          %shift_right_arithmetic3A_165 = arith.shrsi %get3A_162, %shift_right_arithmetic3A_164 : vector<16xi32>
          %gather3A_166 = tpu.vector_load_idx %arg14[%shift_right_arithmetic3A_165] : memref<25088xi32, #tpu.memory_space<vmem>>[vector<16xi32>], vector<16xi32>,
          %and3A_167 = arith.constant 3 : i32
          %and3A_168 = vector.broadcast %and3A_167 : i32 to vector<16xi32>
          %and3A_169 = arith.andi %get3A_162, %and3A_168 : vector<16xi32>
          %shift_left3A_170 = arith.constant 3 : i32
          %shift_left3A_171 = vector.broadcast %shift_left3A_170 : i32 to vector<16xi32>
          %shift_left3A_172 = arith.shli %and3A_169, %shift_left3A_171 : vector<16xi32>
          %shift_right_arithmetic3A_173 = arith.shrsi %gather3A_166, %shift_left3A_172 : vector<16xi32>
          %and3A_174 = arith.constant 3 : i32
          %and3A_175 = vector.broadcast %and3A_174 : i32 to vector<16xi32>
          %and3A_176 = arith.andi %shift_right_arithmetic3A_173, %and3A_175 : vector<16xi32>
          %shift_left3A_177 = arith.constant 2 : i32
          %shift_left3A_178 = vector.broadcast %shift_left3A_177 : i32 to vector<16xi32>
          %shift_left3A_179 = arith.shli %get3A_156, %shift_left3A_178 : vector<16xi32>
          %or3A_180 = arith.ori %shift_left3A_179, %and3A_176 : vector<16xi32>
          %add3A_181 = arith.constant 16 : i32
          %add3A_182 = arith.addi %mul3A_127, %add3A_181 : i32
          %swap3A_183 = arith.index_cast %add3A_182 : i32 to index
          %swap3A_184 = tpu.vector_load %arg26[%swap3A_183] {strides = array<i32>} : memref<2048xi32, #tpu.memory_space<vmem>>, vector<16xi32>,
          tpu.vector_store %arg26[%swap3A_183], %or3A_180 {strides = array<i32>} : memref<2048xi32, #tpu.memory_space<vmem>>, vector<16xi32>,
          %add3A_185 = arith.constant 32 : i32
          %add3A_186 = arith.addi %mul3A_125, %add3A_185 : i32
          %get3A_187 = arith.index_cast %add3A_186 : i32 to index
          %get3A_188 = tpu.vector_load %arg24[%get3A_187] {strides = array<i32>} : memref<4096xi32, #tpu.memory_space<vmem>>, vector<16xi32>,
          %add3A_189 = arith.constant 128 : i32
          %add3A_190 = arith.addi %mul3A_125, %add3A_189 : i32
          %add3A_191 = arith.constant 32 : i32
          %add3A_192 = arith.addi %add3A_190, %add3A_191 : i32
          %get3A_193 = arith.index_cast %add3A_192 : i32 to index
          %get3A_194 = tpu.vector_load %arg24[%get3A_193] {strides = array<i32>} : memref<4096xi32, #tpu.memory_space<vmem>>, vector<16xi32>,
          %shift_right_arithmetic3A_195 = arith.constant 2 : i32
          %shift_right_arithmetic3A_196 = vector.broadcast %shift_right_arithmetic3A_195 : i32 to vector<16xi32>
          %shift_right_arithmetic3A_197 = arith.shrsi %get3A_194, %shift_right_arithmetic3A_196 : vector<16xi32>
          %gather3A_198 = tpu.vector_load_idx %arg14[%shift_right_arithmetic3A_197] : memref<25088xi32, #tpu.memory_space<vmem>>[vector<16xi32>], vector<16xi32>,
          %and3A_199 = arith.constant 3 : i32
          %and3A_200 = vector.broadcast %and3A_199 : i32 to vector<16xi32>
          %and3A_201 = arith.andi %get3A_194, %and3A_200 : vector<16xi32>
          %shift_left3A_202 = arith.constant 3 : i32
          %shift_left3A_203 = vector.broadcast %shift_left3A_202 : i32 to vector<16xi32>
          %shift_left3A_204 = arith.shli %and3A_201, %shift_left3A_203 : vector<16xi32>
          %shift_right_arithmetic3A_205 = arith.shrsi %gather3A_198, %shift_left3A_204 : vector<16xi32>
          %and3A_206 = arith.constant 3 : i32
          %and3A_207 = vector.broadcast %and3A_206 : i32 to vector<16xi32>
          %and3A_208 = arith.andi %shift_right_arithmetic3A_205, %and3A_207 : vector<16xi32>
          %shift_left3A_209 = arith.constant 2 : i32
          %shift_left3A_210 = vector.broadcast %shift_left3A_209 : i32 to vector<16xi32>
          %shift_left3A_211 = arith.shli %get3A_188, %shift_left3A_210 : vector<16xi32>
          %or3A_212 = arith.ori %shift_left3A_211, %and3A_208 : vector<16xi32>
          %add3A_213 = arith.constant 32 : i32
          %add3A_214 = arith.addi %mul3A_127, %add3A_213 : i32
          %swap3A_215 = arith.index_cast %add3A_214 : i32 to index
          %swap3A_216 = tpu.vector_load %arg26[%swap3A_215] {strides = array<i32>} : memref<2048xi32, #tpu.memory_space<vmem>>, vector<16xi32>,
          tpu.vector_store %arg26[%swap3A_215], %or3A_212 {strides = array<i32>} : memref<2048xi32, #tpu.memory_space<vmem>>, vector<16xi32>,
          %add3A_217 = arith.constant 48 : i32
          %add3A_218 = arith.addi %mul3A_125, %add3A_217 : i32
          %get3A_219 = arith.index_cast %add3A_218 : i32 to index
          %get3A_220 = tpu.vector_load %arg24[%get3A_219] {strides = array<i32>} : memref<4096xi32, #tpu.memory_space<vmem>>, vector<16xi32>,
          %add3A_221 = arith.constant 128 : i32
          %add3A_222 = arith.addi %mul3A_125, %add3A_221 : i32
          %add3A_223 = arith.constant 48 : i32
          %add3A_224 = arith.addi %add3A_222, %add3A_223 : i32
          %get3A_225 = arith.index_cast %add3A_224 : i32 to index
          %get3A_226 = tpu.vector_load %arg24[%get3A_225] {strides = array<i32>} : memref<4096xi32, #tpu.memory_space<vmem>>, vector<16xi32>,
          %shift_right_arithmetic3A_227 = arith.constant 2 : i32
          %shift_right_arithmetic3A_228 = vector.broadcast %shift_right_arithmetic3A_227 : i32 to vector<16xi32>
          %shift_right_arithmetic3A_229 = arith.shrsi %get3A_226, %shift_right_arithmetic3A_228 : vector<16xi32>
          %gather3A_230 = tpu.vector_load_idx %arg14[%shift_right_arithmetic3A_229] : memref<25088xi32, #tpu.memory_space<vmem>>[vector<16xi32>], vector<16xi32>,
          %and3A_231 = arith.constant 3 : i32
          %and3A_232 = vector.broadcast %and3A_231 : i32 to vector<16xi32>
          %and3A_233 = arith.andi %get3A_226, %and3A_232 : vector<16xi32>
          %shift_left3A_234 = arith.constant 3 : i32
          %shift_left3A_235 = vector.broadcast %shift_left3A_234 : i32 to vector<16xi32>
          %shift_left3A_236 = arith.shli %and3A_233, %shift_left3A_235 : vector<16xi32>
          %shift_right_arithmetic3A_237 = arith.shrsi %gather3A_230, %shift_left3A_236 : vector<16xi32>
          %and3A_238 = arith.constant 3 : i32
          %and3A_239 = vector.broadcast %and3A_238 : i32 to vector<16xi32>
          %and3A_240 = arith.andi %shift_right_arithmetic3A_237, %and3A_239 : vector<16xi32>
          %shift_left3A_241 = arith.constant 2 : i32
          %shift_left3A_242 = vector.broadcast %shift_left3A_241 : i32 to vector<16xi32>
          %shift_left3A_243 = arith.shli %get3A_220, %shift_left3A_242 : vector<16xi32>
          %or3A_244 = arith.ori %shift_left3A_243, %and3A_240 : vector<16xi32>
          %add3A_245 = arith.constant 48 : i32
          %add3A_246 = arith.addi %mul3A_127, %add3A_245 : i32
          %swap3A_247 = arith.index_cast %add3A_246 : i32 to index
          %swap3A_248 = tpu.vector_load %arg26[%swap3A_247] {strides = array<i32>} : memref<2048xi32, #tpu.memory_space<vmem>>, vector<16xi32>,
          tpu.vector_store %arg26[%swap3A_247], %or3A_244 {strides = array<i32>} : memref<2048xi32, #tpu.memory_space<vmem>>, vector<16xi32>,
          %add3A_249 = arith.constant 64 : i32
          %add3A_250 = arith.addi %mul3A_125, %add3A_249 : i32
          %get3A_251 = arith.index_cast %add3A_250 : i32 to index
          %get3A_252 = tpu.vector_load %arg24[%get3A_251] {strides = array<i32>} : memref<4096xi32, #tpu.memory_space<vmem>>, vector<16xi32>,
          %add3A_253 = arith.constant 128 : i32
          %add3A_254 = arith.addi %mul3A_125, %add3A_253 : i32
          %add3A_255 = arith.constant 64 : i32
          %add3A_256 = arith.addi %add3A_254, %add3A_255 : i32
          %get3A_257 = arith.index_cast %add3A_256 : i32 to index
          %get3A_258 = tpu.vector_load %arg24[%get3A_257] {strides = array<i32>} : memref<4096xi32, #tpu.memory_space<vmem>>, vector<16xi32>,
          %shift_right_arithmetic3A_259 = arith.constant 2 : i32
          %shift_right_arithmetic3A_260 = vector.broadcast %shift_right_arithmetic3A_259 : i32 to vector<16xi32>
          %shift_right_arithmetic3A_261 = arith.shrsi %get3A_258, %shift_right_arithmetic3A_260 : vector<16xi32>
          %gather3A_262 = tpu.vector_load_idx %arg14[%shift_right_arithmetic3A_261] : memref<25088xi32, #tpu.memory_space<vmem>>[vector<16xi32>], vector<16xi32>,
          %and3A_263 = arith.constant 3 : i32
          %and3A_264 = vector.broadcast %and3A_263 : i32 to vector<16xi32>
          %and3A_265 = arith.andi %get3A_258, %and3A_264 : vector<16xi32>
          %shift_left3A_266 = arith.constant 3 : i32
          %shift_left3A_267 = vector.broadcast %shift_left3A_266 : i32 to vector<16xi32>
          %shift_left3A_268 = arith.shli %and3A_265, %shift_left3A_267 : vector<16xi32>
          %shift_right_arithmetic3A_269 = arith.shrsi %gather3A_262, %shift_left3A_268 : vector<16xi32>
          %and3A_270 = arith.constant 3 : i32
          %and3A_271 = vector.broadcast %and3A_270 : i32 to vector<16xi32>
          %and3A_272 = arith.andi %shift_right_arithmetic3A_269, %and3A_271 : vector<16xi32>
          %shift_left3A_273 = arith.constant 2 : i32
          %shift_left3A_274 = vector.broadcast %shift_left3A_273 : i32 to vector<16xi32>
          %shift_left3A_275 = arith.shli %get3A_252, %shift_left3A_274 : vector<16xi32>
          %or3A_276 = arith.ori %shift_left3A_275, %and3A_272 : vector<16xi32>
          %add3A_277 = arith.constant 64 : i32
          %add3A_278 = arith.addi %mul3A_127, %add3A_277 : i32
          %swap3A_279 = arith.index_cast %add3A_278 : i32 to index
          %swap3A_280 = tpu.vector_load %arg26[%swap3A_279] {strides = array<i32>} : memref<2048xi32, #tpu.memory_space<vmem>>, vector<16xi32>,
          tpu.vector_store %arg26[%swap3A_279], %or3A_276 {strides = array<i32>} : memref<2048xi32, #tpu.memory_space<vmem>>, vector<16xi32>,
          %add3A_281 = arith.constant 80 : i32
          %add3A_282 = arith.addi %mul3A_125, %add3A_281 : i32
          %get3A_283 = arith.index_cast %add3A_282 : i32 to index
          %get3A_284 = tpu.vector_load %arg24[%get3A_283] {strides = array<i32>} : memref<4096xi32, #tpu.memory_space<vmem>>, vector<16xi32>,
          %add3A_285 = arith.constant 128 : i32
          %add3A_286 = arith.addi %mul3A_125, %add3A_285 : i32
          %add3A_287 = arith.constant 80 : i32
          %add3A_288 = arith.addi %add3A_286, %add3A_287 : i32
          %get3A_289 = arith.index_cast %add3A_288 : i32 to index
          %get3A_290 = tpu.vector_load %arg24[%get3A_289] {strides = array<i32>} : memref<4096xi32, #tpu.memory_space<vmem>>, vector<16xi32>,
          %shift_right_arithmetic3A_291 = arith.constant 2 : i32
          %shift_right_arithmetic3A_292 = vector.broadcast %shift_right_arithmetic3A_291 : i32 to vector<16xi32>
          %shift_right_arithmetic3A_293 = arith.shrsi %get3A_290, %shift_right_arithmetic3A_292 : vector<16xi32>
          %gather3A_294 = tpu.vector_load_idx %arg14[%shift_right_arithmetic3A_293] : memref<25088xi32, #tpu.memory_space<vmem>>[vector<16xi32>], vector<16xi32>,
          %and3A_295 = arith.constant 3 : i32
          %and3A_296 = vector.broadcast %and3A_295 : i32 to vector<16xi32>
          %and3A_297 = arith.andi %get3A_290, %and3A_296 : vector<16xi32>
          %shift_left3A_298 = arith.constant 3 : i32
          %shift_left3A_299 = vector.broadcast %shift_left3A_298 : i32 to vector<16xi32>
          %shift_left3A_300 = arith.shli %and3A_297, %shift_left3A_299 : vector<16xi32>
          %shift_right_arithmetic3A_301 = arith.shrsi %gather3A_294, %shift_left3A_300 : vector<16xi32>
          %and3A_302 = arith.constant 3 : i32
          %and3A_303 = vector.broadcast %and3A_302 : i32 to vector<16xi32>
          %and3A_304 = arith.andi %shift_right_arithmetic3A_301, %and3A_303 : vector<16xi32>
          %shift_left3A_305 = arith.constant 2 : i32
          %shift_left3A_306 = vector.broadcast %shift_left3A_305 : i32 to vector<16xi32>
          %shift_left3A_307 = arith.shli %get3A_284, %shift_left3A_306 : vector<16xi32>
          %or3A_308 = arith.ori %shift_left3A_307, %and3A_304 : vector<16xi32>
          %add3A_309 = arith.constant 80 : i32
          %add3A_310 = arith.addi %mul3A_127, %add3A_309 : i32
          %swap3A_311 = arith.index_cast %add3A_310 : i32 to index
          %swap3A_312 = tpu.vector_load %arg26[%swap3A_311] {strides = array<i32>} : memref<2048xi32, #tpu.memory_space<vmem>>, vector<16xi32>,
          tpu.vector_store %arg26[%swap3A_311], %or3A_308 {strides = array<i32>} : memref<2048xi32, #tpu.memory_space<vmem>>, vector<16xi32>,
          %add3A_313 = arith.constant 96 : i32
          %add3A_314 = arith.addi %mul3A_125, %add3A_313 : i32
          %get3A_315 = arith.index_cast %add3A_314 : i32 to index
          %get3A_316 = tpu.vector_load %arg24[%get3A_315] {strides = array<i32>} : memref<4096xi32, #tpu.memory_space<vmem>>, vector<16xi32>,
          %add3A_317 = arith.constant 128 : i32
          %add3A_318 = arith.addi %mul3A_125, %add3A_317 : i32
          %add3A_319 = arith.constant 96 : i32
          %add3A_320 = arith.addi %add3A_318, %add3A_319 : i32
          %get3A_321 = arith.index_cast %add3A_320 : i32 to index
          %get3A_322 = tpu.vector_load %arg24[%get3A_321] {strides = array<i32>} : memref<4096xi32, #tpu.memory_space<vmem>>, vector<16xi32>,
          %shift_right_arithmetic3A_323 = arith.constant 2 : i32
          %shift_right_arithmetic3A_324 = vector.broadcast %shift_right_arithmetic3A_323 : i32 to vector<16xi32>
          %shift_right_arithmetic3A_325 = arith.shrsi %get3A_322, %shift_right_arithmetic3A_324 : vector<16xi32>
          %gather3A_326 = tpu.vector_load_idx %arg14[%shift_right_arithmetic3A_325] : memref<25088xi32, #tpu.memory_space<vmem>>[vector<16xi32>], vector<16xi32>,
          %and3A_327 = arith.constant 3 : i32
          %and3A_328 = vector.broadcast %and3A_327 : i32 to vector<16xi32>
          %and3A_329 = arith.andi %get3A_322, %and3A_328 : vector<16xi32>
          %shift_left3A_330 = arith.constant 3 : i32
          %shift_left3A_331 = vector.broadcast %shift_left3A_330 : i32 to vector<16xi32>
          %shift_left3A_332 = arith.shli %and3A_329, %shift_left3A_331 : vector<16xi32>
          %shift_right_arithmetic3A_333 = arith.shrsi %gather3A_326, %shift_left3A_332 : vector<16xi32>
          %and3A_334 = arith.constant 3 : i32
          %and3A_335 = vector.broadcast %and3A_334 : i32 to vector<16xi32>
          %and3A_336 = arith.andi %shift_right_arithmetic3A_333, %and3A_335 : vector<16xi32>
          %shift_left3A_337 = arith.constant 2 : i32
          %shift_left3A_338 = vector.broadcast %shift_left3A_337 : i32 to vector<16xi32>
          %shift_left3A_339 = arith.shli %get3A_316, %shift_left3A_338 : vector<16xi32>
          %or3A_340 = arith.ori %shift_left3A_339, %and3A_336 : vector<16xi32>
          %add3A_341 = arith.constant 96 : i32
          %add3A_342 = arith.addi %mul3A_127, %add3A_341 : i32
          %swap3A_343 = arith.index_cast %add3A_342 : i32 to index
          %swap3A_344 = tpu.vector_load %arg26[%swap3A_343] {strides = array<i32>} : memref<2048xi32, #tpu.memory_space<vmem>>, vector<16xi32>,
          tpu.vector_store %arg26[%swap3A_343], %or3A_340 {strides = array<i32>} : memref<2048xi32, #tpu.memory_space<vmem>>, vector<16xi32>,
          %add3A_345 = arith.constant 112 : i32
          %add3A_346 = arith.addi %mul3A_125, %add3A_345 : i32
          %get3A_347 = arith.index_cast %add3A_346 : i32 to index
          %get3A_348 = tpu.vector_load %arg24[%get3A_347] {strides = array<i32>} : memref<4096xi32, #tpu.memory_space<vmem>>, vector<16xi32>,
          %add3A_349 = arith.constant 128 : i32
          %add3A_350 = arith.addi %mul3A_125, %add3A_349 : i32
          %add3A_351 = arith.constant 112 : i32
          %add3A_352 = arith.addi %add3A_350, %add3A_351 : i32
          %get3A_353 = arith.index_cast %add3A_352 : i32 to index
          %get3A_354 = tpu.vector_load %arg24[%get3A_353] {strides = array<i32>} : memref<4096xi32, #tpu.memory_space<vmem>>, vector<16xi32>,
          %shift_right_arithmetic3A_355 = arith.constant 2 : i32
          %shift_right_arithmetic3A_356 = vector.broadcast %shift_right_arithmetic3A_355 : i32 to vector<16xi32>
          %shift_right_arithmetic3A_357 = arith.shrsi %get3A_354, %shift_right_arithmetic3A_356 : vector<16xi32>
          %gather3A_358 = tpu.vector_load_idx %arg14[%shift_right_arithmetic3A_357] : memref<25088xi32, #tpu.memory_space<vmem>>[vector<16xi32>], vector<16xi32>,
          %and3A_359 = arith.constant 3 : i32
          %and3A_360 = vector.broadcast %and3A_359 : i32 to vector<16xi32>
          %and3A_361 = arith.andi %get3A_354, %and3A_360 : vector<16xi32>
          %shift_left3A_362 = arith.constant 3 : i32
          %shift_left3A_363 = vector.broadcast %shift_left3A_362 : i32 to vector<16xi32>
          %shift_left3A_364 = arith.shli %and3A_361, %shift_left3A_363 : vector<16xi32>
          %shift_right_arithmetic3A_365 = arith.shrsi %gather3A_358, %shift_left3A_364 : vector<16xi32>
          %and3A_366 = arith.constant 3 : i32
          %and3A_367 = vector.broadcast %and3A_366 : i32 to vector<16xi32>
          %and3A_368 = arith.andi %shift_right_arithmetic3A_365, %and3A_367 : vector<16xi32>
          %shift_left3A_369 = arith.constant 2 : i32
          %shift_left3A_370 = vector.broadcast %shift_left3A_369 : i32 to vector<16xi32>
          %shift_left3A_371 = arith.shli %get3A_348, %shift_left3A_370 : vector<16xi32>
          %or3A_372 = arith.ori %shift_left3A_371, %and3A_368 : vector<16xi32>
          %add3A_373 = arith.constant 112 : i32
          %add3A_374 = arith.addi %mul3A_127, %add3A_373 : i32
          %swap3A_375 = arith.index_cast %add3A_374 : i32 to index
          %swap3A_376 = tpu.vector_load %arg26[%swap3A_375] {strides = array<i32>} : memref<2048xi32, #tpu.memory_space<vmem>>, vector<16xi32>,
          tpu.vector_store %arg26[%swap3A_375], %or3A_372 {strides = array<i32>} : memref<2048xi32, #tpu.memory_space<vmem>>, vector<16xi32>,
          %scan3A_377 = arith.constant 0 : i32
          scf.yield %scan3A_377 : i32
        }
        %scan3A_119 = arith.constant 16 : i32
        %dma_start3A_120 = arith.constant 0 : i32
        %dma_start3A_121 = tpu.memref_slice %arg13[%dma_start3A_120] : memref<401408xf32, #tpu.memory_space<vmem_shared>> -> memref<401408xf32, #tpu.memory_space<vmem_shared>>
        tpu.enqueue_indirect_dma source(%arg29 : memref<2048xf32, #tpu.memory_space<vmem>>) target(%dma_start3A_121 : memref<401408xf32, #tpu.memory_space<vmem_shared>>) offsets(%arg26 : memref<2048xi32, #tpu.memory_space<vmem>>) semaphore(%arg34 : memref<!tpu.dma_semaphore, #tpu.memory_space<semaphore_mem>>) {add = true}
      } else {
      }
      %mul3A_83 = arith.constant 2 : i32
      %mul3A_84 = arith.muli %mul3A_83, %scan3A_69 : i32
      %add3A_85 = arith.constant 1 : i32
      %add3A_86 = arith.addi %mul3A_84, %add3A_85 : i32
      %mul3A_87 = arith.constant 32 : i32
      %mul3A_88 = arith.muli %mul3A_87, %add3A_86 : i32
      %add3A_89 = arith.addi %add3A, %mul3A_88 : i32
      %lt3A_90 = arith.constant 1562 : i32
      %lt3A_91 = arith.cmpi slt, %add3A_89, %lt3A_90 : i32
      %convert_element_type3A_92 = arith.extui %lt3A_91 : i1 to i32
      %cond3A_93 = arith.constant 0 : i32
      %cond3A_94 = arith.cmpi ne, %convert_element_type3A_92, %cond3A_93 : i32
      scf.if %cond3A_94 {
        %dma_wait3A = arith.constant 0 : i32
        %dma_wait3A_96 = tpu.memref_slice %arg7[%dma_wait3A] : memref<6400000xi32, #tpu.memory_space<hbm>> -> memref<4096xi32, #tpu.memory_space<hbm>>
        %dma_wait3A_97 = arith.constant 0 : i32
        %dma_wait3A_98 = tpu.memref_slice %arg7[%dma_wait3A_97] : memref<6400000xi32, #tpu.memory_space<hbm>> -> memref<4096xi32, #tpu.memory_space<hbm>>
        tpu.wait_dma2 semaphore(%arg31 : memref<!tpu.dma_semaphore, #tpu.memory_space<semaphore_mem>>) src(%dma_wait3A_98 : memref<4096xi32, #tpu.memory_space<hbm>>) dst(%arg25 : memref<4096xi32, #tpu.memory_space<vmem>>)
        %gt3A = arith.constant 0 : i32
        %gt3A_99 = arith.cmpi sgt, %add3A_86, %gt3A : i32
        %convert_element_type3A_100 = arith.extui %gt3A_99 : i1 to i32
        %cond3A_101 = arith.constant 0 : i32
        %cond3A_102 = arith.cmpi ne, %convert_element_type3A_100, %cond3A_101 : i32
        scf.if %cond3A_102 {
          %dma_wait3A_122 = arith.constant 0 : i32
          %dma_wait3A_123 = tpu.memref_slice %arg13[%dma_wait3A_122] : memref<401408xf32, #tpu.memory_space<vmem_shared>> -> memref<401408xf32, #tpu.memory_space<vmem_shared>>
          tpu.wait_indirect_dma semaphore(%arg34 : memref<!tpu.dma_semaphore, #tpu.memory_space<semaphore_mem>>) src(%arg29 : memref<2048xf32, #tpu.memory_space<vmem>>) dst(%dma_wait3A_123 : memref<401408xf32, #tpu.memory_space<vmem_shared>>)
        } else {
        }
        %add3A_103 = arith.constant 1 : i32
        %add3A_104 = arith.addi %add3A_86, %add3A_103 : i32
        %mul3A_105 = arith.constant 32 : i32
        %mul3A_106 = arith.muli %mul3A_105, %add3A_104 : i32
        %add3A_107 = arith.addi %add3A, %mul3A_106 : i32
        %lt3A_108 = arith.constant 1562 : i32
        %lt3A_109 = arith.cmpi slt, %add3A_107, %lt3A_108 : i32
        %convert_element_type3A_110 = arith.extui %lt3A_109 : i1 to i32
        %cond3A_111 = arith.constant 0 : i32
        %cond3A_112 = arith.cmpi ne, %convert_element_type3A_110, %cond3A_111 : i32
        scf.if %cond3A_112 {
          %add3A_122 = arith.constant 1 : i32
          %add3A_123 = arith.addi %add3A_86, %add3A_122 : i32
          %mul3A_124 = arith.constant 32 : i32
          %mul3A_125 = arith.muli %mul3A_124, %add3A_123 : i32
          %add3A_126 = arith.addi %add3A, %mul3A_125 : i32
          %mul3A_127 = arith.constant 4096 : i32
          %mul3A_128 = arith.muli %add3A_126, %mul3A_127 : i32
          %dma_start3A_129 = tpu.memref_slice %arg7[%mul3A_128] : memref<6400000xi32, #tpu.memory_space<hbm>> -> memref<4096xi32, #tpu.memory_space<hbm>>
          %dma_start3A_130 = tpu.memref_slice %arg7[%mul3A_128] : memref<6400000xi32, #tpu.memory_space<hbm>> -> memref<4096xi32, #tpu.memory_space<hbm>>
          tpu.enqueue_dma source(%dma_start3A_130 : memref<4096xi32, #tpu.memory_space<hbm>>) target(%arg24 : memref<4096xi32, #tpu.memory_space<vmem>>) target_semaphore(%arg30 : memref<!tpu.dma_semaphore, #tpu.memory_space<semaphore_mem>>)
        } else {
        }
        %scan3A_113 = arith.constant 0 : i32
        %scan3A_114 = arith.constant 0 : i32
        %scan3A_115 = arith.constant 16 : i32
        %scan3A_116 = arith.addi %scan3A_114, %scan3A_115 : i32
        %scan3A_117 = arith.constant 1 : i32
        %scan3A_118 = scf.for %scan3A_122 = %scan3A_114 to %scan3A_116 step %scan3A_117 iter_args(%scan3A_123 = %scan3A_113) -> (i32)  : i32 {
          %mul3A_124 = arith.constant 256 : i32
          %mul3A_125 = arith.muli %scan3A_122, %mul3A_124 : i32
          %mul3A_126 = arith.constant 128 : i32
          %mul3A_127 = arith.muli %scan3A_122, %mul3A_126 : i32
          %add3A_128 = arith.constant 0 : i32
          %add3A_129 = arith.addi %mul3A_125, %add3A_128 : i32
          %get3A = arith.index_cast %add3A_129 : i32 to index
          %get3A_130 = tpu.vector_load %arg25[%get3A] {strides = array<i32>} : memref<4096xi32, #tpu.memory_space<vmem>>, vector<16xi32>,
          %add3A_131 = arith.constant 128 : i32
          %add3A_132 = arith.addi %mul3A_125, %add3A_131 : i32
          %add3A_133 = arith.constant 0 : i32
          %add3A_134 = arith.addi %add3A_132, %add3A_133 : i32
          %get3A_135 = arith.index_cast %add3A_134 : i32 to index
          %get3A_136 = tpu.vector_load %arg25[%get3A_135] {strides = array<i32>} : memref<4096xi32, #tpu.memory_space<vmem>>, vector<16xi32>,
          %shift_right_arithmetic3A = arith.constant 2 : i32
          %shift_right_arithmetic3A_137 = vector.broadcast %shift_right_arithmetic3A : i32 to vector<16xi32>
          %shift_right_arithmetic3A_138 = arith.shrsi %get3A_136, %shift_right_arithmetic3A_137 : vector<16xi32>
          %gather3A = tpu.vector_load_idx %arg14[%shift_right_arithmetic3A_138] : memref<25088xi32, #tpu.memory_space<vmem>>[vector<16xi32>], vector<16xi32>,
          %and3A = arith.constant 3 : i32
          %and3A_139 = vector.broadcast %and3A : i32 to vector<16xi32>
          %and3A_140 = arith.andi %get3A_136, %and3A_139 : vector<16xi32>
          %shift_left3A = arith.constant 3 : i32
          %shift_left3A_141 = vector.broadcast %shift_left3A : i32 to vector<16xi32>
          %shift_left3A_142 = arith.shli %and3A_140, %shift_left3A_141 : vector<16xi32>
          %shift_right_arithmetic3A_143 = arith.shrsi %gather3A, %shift_left3A_142 : vector<16xi32>
          %and3A_144 = arith.constant 3 : i32
          %and3A_145 = vector.broadcast %and3A_144 : i32 to vector<16xi32>
          %and3A_146 = arith.andi %shift_right_arithmetic3A_143, %and3A_145 : vector<16xi32>
          %shift_left3A_147 = arith.constant 2 : i32
          %shift_left3A_148 = vector.broadcast %shift_left3A_147 : i32 to vector<16xi32>
          %shift_left3A_149 = arith.shli %get3A_130, %shift_left3A_148 : vector<16xi32>
          %or3A = arith.ori %shift_left3A_149, %and3A_146 : vector<16xi32>
          %add3A_150 = arith.constant 0 : i32
          %add3A_151 = arith.addi %mul3A_127, %add3A_150 : i32
          %swap3A = arith.index_cast %add3A_151 : i32 to index
          %swap3A_152 = tpu.vector_load %arg27[%swap3A] {strides = array<i32>} : memref<2048xi32, #tpu.memory_space<vmem>>, vector<16xi32>,
          tpu.vector_store %arg27[%swap3A], %or3A {strides = array<i32>} : memref<2048xi32, #tpu.memory_space<vmem>>, vector<16xi32>,
          %add3A_153 = arith.constant 16 : i32
          %add3A_154 = arith.addi %mul3A_125, %add3A_153 : i32
          %get3A_155 = arith.index_cast %add3A_154 : i32 to index
          %get3A_156 = tpu.vector_load %arg25[%get3A_155] {strides = array<i32>} : memref<4096xi32, #tpu.memory_space<vmem>>, vector<16xi32>,
          %add3A_157 = arith.constant 128 : i32
          %add3A_158 = arith.addi %mul3A_125, %add3A_157 : i32
          %add3A_159 = arith.constant 16 : i32
          %add3A_160 = arith.addi %add3A_158, %add3A_159 : i32
          %get3A_161 = arith.index_cast %add3A_160 : i32 to index
          %get3A_162 = tpu.vector_load %arg25[%get3A_161] {strides = array<i32>} : memref<4096xi32, #tpu.memory_space<vmem>>, vector<16xi32>,
          %shift_right_arithmetic3A_163 = arith.constant 2 : i32
          %shift_right_arithmetic3A_164 = vector.broadcast %shift_right_arithmetic3A_163 : i32 to vector<16xi32>
          %shift_right_arithmetic3A_165 = arith.shrsi %get3A_162, %shift_right_arithmetic3A_164 : vector<16xi32>
          %gather3A_166 = tpu.vector_load_idx %arg14[%shift_right_arithmetic3A_165] : memref<25088xi32, #tpu.memory_space<vmem>>[vector<16xi32>], vector<16xi32>,
          %and3A_167 = arith.constant 3 : i32
          %and3A_168 = vector.broadcast %and3A_167 : i32 to vector<16xi32>
          %and3A_169 = arith.andi %get3A_162, %and3A_168 : vector<16xi32>
          %shift_left3A_170 = arith.constant 3 : i32
          %shift_left3A_171 = vector.broadcast %shift_left3A_170 : i32 to vector<16xi32>
          %shift_left3A_172 = arith.shli %and3A_169, %shift_left3A_171 : vector<16xi32>
          %shift_right_arithmetic3A_173 = arith.shrsi %gather3A_166, %shift_left3A_172 : vector<16xi32>
          %and3A_174 = arith.constant 3 : i32
          %and3A_175 = vector.broadcast %and3A_174 : i32 to vector<16xi32>
          %and3A_176 = arith.andi %shift_right_arithmetic3A_173, %and3A_175 : vector<16xi32>
          %shift_left3A_177 = arith.constant 2 : i32
          %shift_left3A_178 = vector.broadcast %shift_left3A_177 : i32 to vector<16xi32>
          %shift_left3A_179 = arith.shli %get3A_156, %shift_left3A_178 : vector<16xi32>
          %or3A_180 = arith.ori %shift_left3A_179, %and3A_176 : vector<16xi32>
          %add3A_181 = arith.constant 16 : i32
          %add3A_182 = arith.addi %mul3A_127, %add3A_181 : i32
          %swap3A_183 = arith.index_cast %add3A_182 : i32 to index
          %swap3A_184 = tpu.vector_load %arg27[%swap3A_183] {strides = array<i32>} : memref<2048xi32, #tpu.memory_space<vmem>>, vector<16xi32>,
          tpu.vector_store %arg27[%swap3A_183], %or3A_180 {strides = array<i32>} : memref<2048xi32, #tpu.memory_space<vmem>>, vector<16xi32>,
          %add3A_185 = arith.constant 32 : i32
          %add3A_186 = arith.addi %mul3A_125, %add3A_185 : i32
          %get3A_187 = arith.index_cast %add3A_186 : i32 to index
          %get3A_188 = tpu.vector_load %arg25[%get3A_187] {strides = array<i32>} : memref<4096xi32, #tpu.memory_space<vmem>>, vector<16xi32>,
          %add3A_189 = arith.constant 128 : i32
          %add3A_190 = arith.addi %mul3A_125, %add3A_189 : i32
          %add3A_191 = arith.constant 32 : i32
          %add3A_192 = arith.addi %add3A_190, %add3A_191 : i32
          %get3A_193 = arith.index_cast %add3A_192 : i32 to index
          %get3A_194 = tpu.vector_load %arg25[%get3A_193] {strides = array<i32>} : memref<4096xi32, #tpu.memory_space<vmem>>, vector<16xi32>,
          %shift_right_arithmetic3A_195 = arith.constant 2 : i32
          %shift_right_arithmetic3A_196 = vector.broadcast %shift_right_arithmetic3A_195 : i32 to vector<16xi32>
          %shift_right_arithmetic3A_197 = arith.shrsi %get3A_194, %shift_right_arithmetic3A_196 : vector<16xi32>
          %gather3A_198 = tpu.vector_load_idx %arg14[%shift_right_arithmetic3A_197] : memref<25088xi32, #tpu.memory_space<vmem>>[vector<16xi32>], vector<16xi32>,
          %and3A_199 = arith.constant 3 : i32
          %and3A_200 = vector.broadcast %and3A_199 : i32 to vector<16xi32>
          %and3A_201 = arith.andi %get3A_194, %and3A_200 : vector<16xi32>
          %shift_left3A_202 = arith.constant 3 : i32
          %shift_left3A_203 = vector.broadcast %shift_left3A_202 : i32 to vector<16xi32>
          %shift_left3A_204 = arith.shli %and3A_201, %shift_left3A_203 : vector<16xi32>
          %shift_right_arithmetic3A_205 = arith.shrsi %gather3A_198, %shift_left3A_204 : vector<16xi32>
          %and3A_206 = arith.constant 3 : i32
          %and3A_207 = vector.broadcast %and3A_206 : i32 to vector<16xi32>
          %and3A_208 = arith.andi %shift_right_arithmetic3A_205, %and3A_207 : vector<16xi32>
          %shift_left3A_209 = arith.constant 2 : i32
          %shift_left3A_210 = vector.broadcast %shift_left3A_209 : i32 to vector<16xi32>
          %shift_left3A_211 = arith.shli %get3A_188, %shift_left3A_210 : vector<16xi32>
          %or3A_212 = arith.ori %shift_left3A_211, %and3A_208 : vector<16xi32>
          %add3A_213 = arith.constant 32 : i32
          %add3A_214 = arith.addi %mul3A_127, %add3A_213 : i32
          %swap3A_215 = arith.index_cast %add3A_214 : i32 to index
          %swap3A_216 = tpu.vector_load %arg27[%swap3A_215] {strides = array<i32>} : memref<2048xi32, #tpu.memory_space<vmem>>, vector<16xi32>,
          tpu.vector_store %arg27[%swap3A_215], %or3A_212 {strides = array<i32>} : memref<2048xi32, #tpu.memory_space<vmem>>, vector<16xi32>,
          %add3A_217 = arith.constant 48 : i32
          %add3A_218 = arith.addi %mul3A_125, %add3A_217 : i32
          %get3A_219 = arith.index_cast %add3A_218 : i32 to index
          %get3A_220 = tpu.vector_load %arg25[%get3A_219] {strides = array<i32>} : memref<4096xi32, #tpu.memory_space<vmem>>, vector<16xi32>,
          %add3A_221 = arith.constant 128 : i32
          %add3A_222 = arith.addi %mul3A_125, %add3A_221 : i32
          %add3A_223 = arith.constant 48 : i32
          %add3A_224 = arith.addi %add3A_222, %add3A_223 : i32
          %get3A_225 = arith.index_cast %add3A_224 : i32 to index
          %get3A_226 = tpu.vector_load %arg25[%get3A_225] {strides = array<i32>} : memref<4096xi32, #tpu.memory_space<vmem>>, vector<16xi32>,
          %shift_right_arithmetic3A_227 = arith.constant 2 : i32
          %shift_right_arithmetic3A_228 = vector.broadcast %shift_right_arithmetic3A_227 : i32 to vector<16xi32>
          %shift_right_arithmetic3A_229 = arith.shrsi %get3A_226, %shift_right_arithmetic3A_228 : vector<16xi32>
          %gather3A_230 = tpu.vector_load_idx %arg14[%shift_right_arithmetic3A_229] : memref<25088xi32, #tpu.memory_space<vmem>>[vector<16xi32>], vector<16xi32>,
          %and3A_231 = arith.constant 3 : i32
          %and3A_232 = vector.broadcast %and3A_231 : i32 to vector<16xi32>
          %and3A_233 = arith.andi %get3A_226, %and3A_232 : vector<16xi32>
          %shift_left3A_234 = arith.constant 3 : i32
          %shift_left3A_235 = vector.broadcast %shift_left3A_234 : i32 to vector<16xi32>
          %shift_left3A_236 = arith.shli %and3A_233, %shift_left3A_235 : vector<16xi32>
          %shift_right_arithmetic3A_237 = arith.shrsi %gather3A_230, %shift_left3A_236 : vector<16xi32>
          %and3A_238 = arith.constant 3 : i32
          %and3A_239 = vector.broadcast %and3A_238 : i32 to vector<16xi32>
          %and3A_240 = arith.andi %shift_right_arithmetic3A_237, %and3A_239 : vector<16xi32>
          %shift_left3A_241 = arith.constant 2 : i32
          %shift_left3A_242 = vector.broadcast %shift_left3A_241 : i32 to vector<16xi32>
          %shift_left3A_243 = arith.shli %get3A_220, %shift_left3A_242 : vector<16xi32>
          %or3A_244 = arith.ori %shift_left3A_243, %and3A_240 : vector<16xi32>
          %add3A_245 = arith.constant 48 : i32
          %add3A_246 = arith.addi %mul3A_127, %add3A_245 : i32
          %swap3A_247 = arith.index_cast %add3A_246 : i32 to index
          %swap3A_248 = tpu.vector_load %arg27[%swap3A_247] {strides = array<i32>} : memref<2048xi32, #tpu.memory_space<vmem>>, vector<16xi32>,
          tpu.vector_store %arg27[%swap3A_247], %or3A_244 {strides = array<i32>} : memref<2048xi32, #tpu.memory_space<vmem>>, vector<16xi32>,
          %add3A_249 = arith.constant 64 : i32
          %add3A_250 = arith.addi %mul3A_125, %add3A_249 : i32
          %get3A_251 = arith.index_cast %add3A_250 : i32 to index
          %get3A_252 = tpu.vector_load %arg25[%get3A_251] {strides = array<i32>} : memref<4096xi32, #tpu.memory_space<vmem>>, vector<16xi32>,
          %add3A_253 = arith.constant 128 : i32
          %add3A_254 = arith.addi %mul3A_125, %add3A_253 : i32
          %add3A_255 = arith.constant 64 : i32
          %add3A_256 = arith.addi %add3A_254, %add3A_255 : i32
          %get3A_257 = arith.index_cast %add3A_256 : i32 to index
          %get3A_258 = tpu.vector_load %arg25[%get3A_257] {strides = array<i32>} : memref<4096xi32, #tpu.memory_space<vmem>>, vector<16xi32>,
          %shift_right_arithmetic3A_259 = arith.constant 2 : i32
          %shift_right_arithmetic3A_260 = vector.broadcast %shift_right_arithmetic3A_259 : i32 to vector<16xi32>
          %shift_right_arithmetic3A_261 = arith.shrsi %get3A_258, %shift_right_arithmetic3A_260 : vector<16xi32>
          %gather3A_262 = tpu.vector_load_idx %arg14[%shift_right_arithmetic3A_261] : memref<25088xi32, #tpu.memory_space<vmem>>[vector<16xi32>], vector<16xi32>,
          %and3A_263 = arith.constant 3 : i32
          %and3A_264 = vector.broadcast %and3A_263 : i32 to vector<16xi32>
          %and3A_265 = arith.andi %get3A_258, %and3A_264 : vector<16xi32>
          %shift_left3A_266 = arith.constant 3 : i32
          %shift_left3A_267 = vector.broadcast %shift_left3A_266 : i32 to vector<16xi32>
          %shift_left3A_268 = arith.shli %and3A_265, %shift_left3A_267 : vector<16xi32>
          %shift_right_arithmetic3A_269 = arith.shrsi %gather3A_262, %shift_left3A_268 : vector<16xi32>
          %and3A_270 = arith.constant 3 : i32
          %and3A_271 = vector.broadcast %and3A_270 : i32 to vector<16xi32>
          %and3A_272 = arith.andi %shift_right_arithmetic3A_269, %and3A_271 : vector<16xi32>
          %shift_left3A_273 = arith.constant 2 : i32
          %shift_left3A_274 = vector.broadcast %shift_left3A_273 : i32 to vector<16xi32>
          %shift_left3A_275 = arith.shli %get3A_252, %shift_left3A_274 : vector<16xi32>
          %or3A_276 = arith.ori %shift_left3A_275, %and3A_272 : vector<16xi32>
          %add3A_277 = arith.constant 64 : i32
          %add3A_278 = arith.addi %mul3A_127, %add3A_277 : i32
          %swap3A_279 = arith.index_cast %add3A_278 : i32 to index
          %swap3A_280 = tpu.vector_load %arg27[%swap3A_279] {strides = array<i32>} : memref<2048xi32, #tpu.memory_space<vmem>>, vector<16xi32>,
          tpu.vector_store %arg27[%swap3A_279], %or3A_276 {strides = array<i32>} : memref<2048xi32, #tpu.memory_space<vmem>>, vector<16xi32>,
          %add3A_281 = arith.constant 80 : i32
          %add3A_282 = arith.addi %mul3A_125, %add3A_281 : i32
          %get3A_283 = arith.index_cast %add3A_282 : i32 to index
          %get3A_284 = tpu.vector_load %arg25[%get3A_283] {strides = array<i32>} : memref<4096xi32, #tpu.memory_space<vmem>>, vector<16xi32>,
          %add3A_285 = arith.constant 128 : i32
          %add3A_286 = arith.addi %mul3A_125, %add3A_285 : i32
          %add3A_287 = arith.constant 80 : i32
          %add3A_288 = arith.addi %add3A_286, %add3A_287 : i32
          %get3A_289 = arith.index_cast %add3A_288 : i32 to index
          %get3A_290 = tpu.vector_load %arg25[%get3A_289] {strides = array<i32>} : memref<4096xi32, #tpu.memory_space<vmem>>, vector<16xi32>,
          %shift_right_arithmetic3A_291 = arith.constant 2 : i32
          %shift_right_arithmetic3A_292 = vector.broadcast %shift_right_arithmetic3A_291 : i32 to vector<16xi32>
          %shift_right_arithmetic3A_293 = arith.shrsi %get3A_290, %shift_right_arithmetic3A_292 : vector<16xi32>
          %gather3A_294 = tpu.vector_load_idx %arg14[%shift_right_arithmetic3A_293] : memref<25088xi32, #tpu.memory_space<vmem>>[vector<16xi32>], vector<16xi32>,
          %and3A_295 = arith.constant 3 : i32
          %and3A_296 = vector.broadcast %and3A_295 : i32 to vector<16xi32>
          %and3A_297 = arith.andi %get3A_290, %and3A_296 : vector<16xi32>
          %shift_left3A_298 = arith.constant 3 : i32
          %shift_left3A_299 = vector.broadcast %shift_left3A_298 : i32 to vector<16xi32>
          %shift_left3A_300 = arith.shli %and3A_297, %shift_left3A_299 : vector<16xi32>
          %shift_right_arithmetic3A_301 = arith.shrsi %gather3A_294, %shift_left3A_300 : vector<16xi32>
          %and3A_302 = arith.constant 3 : i32
          %and3A_303 = vector.broadcast %and3A_302 : i32 to vector<16xi32>
          %and3A_304 = arith.andi %shift_right_arithmetic3A_301, %and3A_303 : vector<16xi32>
          %shift_left3A_305 = arith.constant 2 : i32
          %shift_left3A_306 = vector.broadcast %shift_left3A_305 : i32 to vector<16xi32>
          %shift_left3A_307 = arith.shli %get3A_284, %shift_left3A_306 : vector<16xi32>
          %or3A_308 = arith.ori %shift_left3A_307, %and3A_304 : vector<16xi32>
          %add3A_309 = arith.constant 80 : i32
          %add3A_310 = arith.addi %mul3A_127, %add3A_309 : i32
          %swap3A_311 = arith.index_cast %add3A_310 : i32 to index
          %swap3A_312 = tpu.vector_load %arg27[%swap3A_311] {strides = array<i32>} : memref<2048xi32, #tpu.memory_space<vmem>>, vector<16xi32>,
          tpu.vector_store %arg27[%swap3A_311], %or3A_308 {strides = array<i32>} : memref<2048xi32, #tpu.memory_space<vmem>>, vector<16xi32>,
          %add3A_313 = arith.constant 96 : i32
          %add3A_314 = arith.addi %mul3A_125, %add3A_313 : i32
          %get3A_315 = arith.index_cast %add3A_314 : i32 to index
          %get3A_316 = tpu.vector_load %arg25[%get3A_315] {strides = array<i32>} : memref<4096xi32, #tpu.memory_space<vmem>>, vector<16xi32>,
          %add3A_317 = arith.constant 128 : i32
          %add3A_318 = arith.addi %mul3A_125, %add3A_317 : i32
          %add3A_319 = arith.constant 96 : i32
          %add3A_320 = arith.addi %add3A_318, %add3A_319 : i32
          %get3A_321 = arith.index_cast %add3A_320 : i32 to index
          %get3A_322 = tpu.vector_load %arg25[%get3A_321] {strides = array<i32>} : memref<4096xi32, #tpu.memory_space<vmem>>, vector<16xi32>,
          %shift_right_arithmetic3A_323 = arith.constant 2 : i32
          %shift_right_arithmetic3A_324 = vector.broadcast %shift_right_arithmetic3A_323 : i32 to vector<16xi32>
          %shift_right_arithmetic3A_325 = arith.shrsi %get3A_322, %shift_right_arithmetic3A_324 : vector<16xi32>
          %gather3A_326 = tpu.vector_load_idx %arg14[%shift_right_arithmetic3A_325] : memref<25088xi32, #tpu.memory_space<vmem>>[vector<16xi32>], vector<16xi32>,
          %and3A_327 = arith.constant 3 : i32
          %and3A_328 = vector.broadcast %and3A_327 : i32 to vector<16xi32>
          %and3A_329 = arith.andi %get3A_322, %and3A_328 : vector<16xi32>
          %shift_left3A_330 = arith.constant 3 : i32
          %shift_left3A_331 = vector.broadcast %shift_left3A_330 : i32 to vector<16xi32>
          %shift_left3A_332 = arith.shli %and3A_329, %shift_left3A_331 : vector<16xi32>
          %shift_right_arithmetic3A_333 = arith.shrsi %gather3A_326, %shift_left3A_332 : vector<16xi32>
          %and3A_334 = arith.constant 3 : i32
          %and3A_335 = vector.broadcast %and3A_334 : i32 to vector<16xi32>
          %and3A_336 = arith.andi %shift_right_arithmetic3A_333, %and3A_335 : vector<16xi32>
          %shift_left3A_337 = arith.constant 2 : i32
          %shift_left3A_338 = vector.broadcast %shift_left3A_337 : i32 to vector<16xi32>
          %shift_left3A_339 = arith.shli %get3A_316, %shift_left3A_338 : vector<16xi32>
          %or3A_340 = arith.ori %shift_left3A_339, %and3A_336 : vector<16xi32>
          %add3A_341 = arith.constant 96 : i32
          %add3A_342 = arith.addi %mul3A_127, %add3A_341 : i32
          %swap3A_343 = arith.index_cast %add3A_342 : i32 to index
          %swap3A_344 = tpu.vector_load %arg27[%swap3A_343] {strides = array<i32>} : memref<2048xi32, #tpu.memory_space<vmem>>, vector<16xi32>,
          tpu.vector_store %arg27[%swap3A_343], %or3A_340 {strides = array<i32>} : memref<2048xi32, #tpu.memory_space<vmem>>, vector<16xi32>,
          %add3A_345 = arith.constant 112 : i32
          %add3A_346 = arith.addi %mul3A_125, %add3A_345 : i32
          %get3A_347 = arith.index_cast %add3A_346 : i32 to index
          %get3A_348 = tpu.vector_load %arg25[%get3A_347] {strides = array<i32>} : memref<4096xi32, #tpu.memory_space<vmem>>, vector<16xi32>,
          %add3A_349 = arith.constant 128 : i32
          %add3A_350 = arith.addi %mul3A_125, %add3A_349 : i32
          %add3A_351 = arith.constant 112 : i32
          %add3A_352 = arith.addi %add3A_350, %add3A_351 : i32
          %get3A_353 = arith.index_cast %add3A_352 : i32 to index
          %get3A_354 = tpu.vector_load %arg25[%get3A_353] {strides = array<i32>} : memref<4096xi32, #tpu.memory_space<vmem>>, vector<16xi32>,
          %shift_right_arithmetic3A_355 = arith.constant 2 : i32
          %shift_right_arithmetic3A_356 = vector.broadcast %shift_right_arithmetic3A_355 : i32 to vector<16xi32>
          %shift_right_arithmetic3A_357 = arith.shrsi %get3A_354, %shift_right_arithmetic3A_356 : vector<16xi32>
          %gather3A_358 = tpu.vector_load_idx %arg14[%shift_right_arithmetic3A_357] : memref<25088xi32, #tpu.memory_space<vmem>>[vector<16xi32>], vector<16xi32>,
          %and3A_359 = arith.constant 3 : i32
          %and3A_360 = vector.broadcast %and3A_359 : i32 to vector<16xi32>
          %and3A_361 = arith.andi %get3A_354, %and3A_360 : vector<16xi32>
          %shift_left3A_362 = arith.constant 3 : i32
          %shift_left3A_363 = vector.broadcast %shift_left3A_362 : i32 to vector<16xi32>
          %shift_left3A_364 = arith.shli %and3A_361, %shift_left3A_363 : vector<16xi32>
          %shift_right_arithmetic3A_365 = arith.shrsi %gather3A_358, %shift_left3A_364 : vector<16xi32>
          %and3A_366 = arith.constant 3 : i32
          %and3A_367 = vector.broadcast %and3A_366 : i32 to vector<16xi32>
          %and3A_368 = arith.andi %shift_right_arithmetic3A_365, %and3A_367 : vector<16xi32>
          %shift_left3A_369 = arith.constant 2 : i32
          %shift_left3A_370 = vector.broadcast %shift_left3A_369 : i32 to vector<16xi32>
          %shift_left3A_371 = arith.shli %get3A_348, %shift_left3A_370 : vector<16xi32>
          %or3A_372 = arith.ori %shift_left3A_371, %and3A_368 : vector<16xi32>
          %add3A_373 = arith.constant 112 : i32
          %add3A_374 = arith.addi %mul3A_127, %add3A_373 : i32
          %swap3A_375 = arith.index_cast %add3A_374 : i32 to index
          %swap3A_376 = tpu.vector_load %arg27[%swap3A_375] {strides = array<i32>} : memref<2048xi32, #tpu.memory_space<vmem>>, vector<16xi32>,
          tpu.vector_store %arg27[%swap3A_375], %or3A_372 {strides = array<i32>} : memref<2048xi32, #tpu.memory_space<vmem>>, vector<16xi32>,
          %scan3A_377 = arith.constant 0 : i32
          scf.yield %scan3A_377 : i32
        }
        %scan3A_119 = arith.constant 16 : i32
        %dma_start3A_120 = arith.constant 0 : i32
        %dma_start3A_121 = tpu.memref_slice %arg13[%dma_start3A_120] : memref<401408xf32, #tpu.memory_space<vmem_shared>> -> memref<401408xf32, #tpu.memory_space<vmem_shared>>
        tpu.enqueue_indirect_dma source(%arg29 : memref<2048xf32, #tpu.memory_space<vmem>>) target(%dma_start3A_121 : memref<401408xf32, #tpu.memory_space<vmem_shared>>) offsets(%arg27 : memref<2048xi32, #tpu.memory_space<vmem>>) semaphore(%arg35 : memref<!tpu.dma_semaphore, #tpu.memory_space<semaphore_mem>>) {add = true}
      } else {
      }
      %scan3A_95 = arith.constant 0 : i32
      scf.yield %scan3A_95 : i32
    }
    %scan3A_46 = arith.constant 25 : i32
    %add3A_47 = arith.constant 1536 : i32
    %add3A_48 = arith.addi %add3A, %add3A_47 : i32
    %lt3A = arith.constant 1562 : i32
    %lt3A_49 = arith.cmpi slt, %add3A_48, %lt3A : i32
    %convert_element_type3A = arith.extui %lt3A_49 : i1 to i32
    %cond3A = arith.constant 0 : i32
    %cond3A_50 = arith.cmpi ne, %convert_element_type3A, %cond3A : i32
    scf.if %cond3A_50 {
      %dma_wait3A = arith.constant 0 : i32
      %dma_wait3A_69 = tpu.memref_slice %arg13[%dma_wait3A] : memref<401408xf32, #tpu.memory_space<vmem_shared>> -> memref<401408xf32, #tpu.memory_space<vmem_shared>>
      tpu.wait_indirect_dma semaphore(%arg34 : memref<!tpu.dma_semaphore, #tpu.memory_space<semaphore_mem>>) src(%arg29 : memref<2048xf32, #tpu.memory_space<vmem>>) dst(%dma_wait3A_69 : memref<401408xf32, #tpu.memory_space<vmem_shared>>)
    } else {
    }
    %add3A_51 = arith.constant 1536 : i32
    %add3A_52 = arith.addi %add3A, %add3A_51 : i32
    %ge3A = arith.constant 1562 : i32
    %ge3A_53 = arith.cmpi sge, %add3A_52, %ge3A : i32
    %convert_element_type3A_54 = arith.extui %ge3A_53 : i1 to i32
    %cond3A_55 = arith.constant 0 : i32
    %cond3A_56 = arith.cmpi ne, %convert_element_type3A_54, %cond3A_55 : i32
    scf.if %cond3A_56 {
      %dma_wait3A = arith.constant 0 : i32
      %dma_wait3A_69 = tpu.memref_slice %arg13[%dma_wait3A] : memref<401408xf32, #tpu.memory_space<vmem_shared>> -> memref<401408xf32, #tpu.memory_space<vmem_shared>>
      tpu.wait_indirect_dma semaphore(%arg35 : memref<!tpu.dma_semaphore, #tpu.memory_space<semaphore_mem>>) src(%arg29 : memref<2048xf32, #tpu.memory_space<vmem>>) dst(%dma_wait3A_69 : memref<401408xf32, #tpu.memory_space<vmem_shared>>)
    } else {
    }
    %eq3A = arith.constant 26 : i32
    %eq3A_57 = arith.cmpi eq, %add3A, %eq3A : i32
    %convert_element_type3A_58 = arith.extui %eq3A_57 : i1 to i32
    %cond3A_59 = arith.constant 0 : i32
    %cond3A_60 = arith.cmpi ne, %convert_element_type3A_58, %cond3A_59 : i32
    scf.if %cond3A_60 {
      "tpu.region"() ({
        %run_scoped3A = tpu.sem_alloc : memref<!tpu.dma_semaphore, #tpu.memory_space<semaphore_mem>>
        %dma_start3A_76 = arith.constant 0 : i32
        %dma_start3A_77 = tpu.memref_slice %arg24[%dma_start3A_76] : memref<4096xi32, #tpu.memory_space<vmem>> -> memref<2048xi32, #tpu.memory_space<vmem>>
        %dma_start3A_78 = arith.constant 6397952 : i32
        %dma_start3A_79 = tpu.memref_slice %arg7[%dma_start3A_78] : memref<6400000xi32, #tpu.memory_space<hbm>> -> memref<2048xi32, #tpu.memory_space<hbm>>
        %dma_start3A_80 = arith.constant 0 : i32
        %dma_start3A_81 = tpu.memref_slice %arg24[%dma_start3A_80] : memref<4096xi32, #tpu.memory_space<vmem>> -> memref<2048xi32, #tpu.memory_space<vmem>>
        %dma_start3A_82 = arith.constant 6397952 : i32
        %dma_start3A_83 = tpu.memref_slice %arg7[%dma_start3A_82] : memref<6400000xi32, #tpu.memory_space<hbm>> -> memref<2048xi32, #tpu.memory_space<hbm>>
        tpu.enqueue_dma source(%dma_start3A_83 : memref<2048xi32, #tpu.memory_space<hbm>>) target(%dma_start3A_81 : memref<2048xi32, #tpu.memory_space<vmem>>) target_semaphore(%run_scoped3A : memref<!tpu.dma_semaphore, #tpu.memory_space<semaphore_mem>>)
        %dma_wait3A = arith.constant 0 : i32
        %dma_wait3A_84 = tpu.memref_slice %arg24[%dma_wait3A] : memref<4096xi32, #tpu.memory_space<vmem>> -> memref<2048xi32, #tpu.memory_space<vmem>>
        %dma_wait3A_85 = arith.constant 6397952 : i32
        %dma_wait3A_86 = tpu.memref_slice %arg7[%dma_wait3A_85] : memref<6400000xi32, #tpu.memory_space<hbm>> -> memref<2048xi32, #tpu.memory_space<hbm>>
        %dma_wait3A_87 = arith.constant 0 : i32
        %dma_wait3A_88 = tpu.memref_slice %arg24[%dma_wait3A_87] : memref<4096xi32, #tpu.memory_space<vmem>> -> memref<2048xi32, #tpu.memory_space<vmem>>
        %dma_wait3A_89 = arith.constant 6397952 : i32
        %dma_wait3A_90 = tpu.memref_slice %arg7[%dma_wait3A_89] : memref<6400000xi32, #tpu.memory_space<hbm>> -> memref<2048xi32, #tpu.memory_space<hbm>>
        tpu.wait_dma2 semaphore(%run_scoped3A : memref<!tpu.dma_semaphore, #tpu.memory_space<semaphore_mem>>) src(%dma_wait3A_90 : memref<2048xi32, #tpu.memory_space<hbm>>) dst(%dma_wait3A_88 : memref<2048xi32, #tpu.memory_space<vmem>>)
        tpu.yield
      }) : () -> ()
      %scan3A_69 = arith.constant 0 : i32
      %scan3A_70 = arith.constant 0 : i32
      %scan3A_71 = arith.constant 8 : i32
      %scan3A_72 = arith.addi %scan3A_70, %scan3A_71 : i32
      %scan3A_73 = arith.constant 1 : i32
      %scan3A_74 = scf.for %scan3A_76 = %scan3A_70 to %scan3A_72 step %scan3A_73 iter_args(%scan3A_77 = %scan3A_69) -> (i32)  : i32 {
        %mul3A_78 = arith.constant 256 : i32
        %mul3A_79 = arith.muli %scan3A_76, %mul3A_78 : i32
        %mul3A_80 = arith.constant 128 : i32
        %mul3A_81 = arith.muli %scan3A_76, %mul3A_80 : i32
        %add3A_82 = arith.constant 0 : i32
        %add3A_83 = arith.addi %mul3A_79, %add3A_82 : i32
        %get3A = arith.index_cast %add3A_83 : i32 to index
        %get3A_84 = tpu.vector_load %arg24[%get3A] {strides = array<i32>} : memref<4096xi32, #tpu.memory_space<vmem>>, vector<16xi32>,
        %add3A_85 = arith.constant 128 : i32
        %add3A_86 = arith.addi %mul3A_79, %add3A_85 : i32
        %add3A_87 = arith.constant 0 : i32
        %add3A_88 = arith.addi %add3A_86, %add3A_87 : i32
        %get3A_89 = arith.index_cast %add3A_88 : i32 to index
        %get3A_90 = tpu.vector_load %arg24[%get3A_89] {strides = array<i32>} : memref<4096xi32, #tpu.memory_space<vmem>>, vector<16xi32>,
        %shift_right_arithmetic3A = arith.constant 2 : i32
        %shift_right_arithmetic3A_91 = vector.broadcast %shift_right_arithmetic3A : i32 to vector<16xi32>
        %shift_right_arithmetic3A_92 = arith.shrsi %get3A_90, %shift_right_arithmetic3A_91 : vector<16xi32>
        %gather3A = tpu.vector_load_idx %arg14[%shift_right_arithmetic3A_92] : memref<25088xi32, #tpu.memory_space<vmem>>[vector<16xi32>], vector<16xi32>,
        %and3A = arith.constant 3 : i32
        %and3A_93 = vector.broadcast %and3A : i32 to vector<16xi32>
        %and3A_94 = arith.andi %get3A_90, %and3A_93 : vector<16xi32>
        %shift_left3A = arith.constant 3 : i32
        %shift_left3A_95 = vector.broadcast %shift_left3A : i32 to vector<16xi32>
        %shift_left3A_96 = arith.shli %and3A_94, %shift_left3A_95 : vector<16xi32>
        %shift_right_arithmetic3A_97 = arith.shrsi %gather3A, %shift_left3A_96 : vector<16xi32>
        %and3A_98 = arith.constant 3 : i32
        %and3A_99 = vector.broadcast %and3A_98 : i32 to vector<16xi32>
        %and3A_100 = arith.andi %shift_right_arithmetic3A_97, %and3A_99 : vector<16xi32>
        %shift_left3A_101 = arith.constant 2 : i32
        %shift_left3A_102 = vector.broadcast %shift_left3A_101 : i32 to vector<16xi32>
        %shift_left3A_103 = arith.shli %get3A_84, %shift_left3A_102 : vector<16xi32>
        %or3A = arith.ori %shift_left3A_103, %and3A_100 : vector<16xi32>
        %add3A_104 = arith.constant 0 : i32
        %add3A_105 = arith.addi %mul3A_81, %add3A_104 : i32
        %swap3A = arith.index_cast %add3A_105 : i32 to index
        %swap3A_106 = tpu.vector_load %arg28[%swap3A] {strides = array<i32>} : memref<1024xi32, #tpu.memory_space<vmem>>, vector<16xi32>,
        tpu.vector_store %arg28[%swap3A], %or3A {strides = array<i32>} : memref<1024xi32, #tpu.memory_space<vmem>>, vector<16xi32>,
        %add3A_107 = arith.constant 16 : i32
        %add3A_108 = arith.addi %mul3A_79, %add3A_107 : i32
        %get3A_109 = arith.index_cast %add3A_108 : i32 to index
        %get3A_110 = tpu.vector_load %arg24[%get3A_109] {strides = array<i32>} : memref<4096xi32, #tpu.memory_space<vmem>>, vector<16xi32>,
        %add3A_111 = arith.constant 128 : i32
        %add3A_112 = arith.addi %mul3A_79, %add3A_111 : i32
        %add3A_113 = arith.constant 16 : i32
        %add3A_114 = arith.addi %add3A_112, %add3A_113 : i32
        %get3A_115 = arith.index_cast %add3A_114 : i32 to index
        %get3A_116 = tpu.vector_load %arg24[%get3A_115] {strides = array<i32>} : memref<4096xi32, #tpu.memory_space<vmem>>, vector<16xi32>,
        %shift_right_arithmetic3A_117 = arith.constant 2 : i32
        %shift_right_arithmetic3A_118 = vector.broadcast %shift_right_arithmetic3A_117 : i32 to vector<16xi32>
        %shift_right_arithmetic3A_119 = arith.shrsi %get3A_116, %shift_right_arithmetic3A_118 : vector<16xi32>
        %gather3A_120 = tpu.vector_load_idx %arg14[%shift_right_arithmetic3A_119] : memref<25088xi32, #tpu.memory_space<vmem>>[vector<16xi32>], vector<16xi32>,
        %and3A_121 = arith.constant 3 : i32
        %and3A_122 = vector.broadcast %and3A_121 : i32 to vector<16xi32>
        %and3A_123 = arith.andi %get3A_116, %and3A_122 : vector<16xi32>
        %shift_left3A_124 = arith.constant 3 : i32
        %shift_left3A_125 = vector.broadcast %shift_left3A_124 : i32 to vector<16xi32>
        %shift_left3A_126 = arith.shli %and3A_123, %shift_left3A_125 : vector<16xi32>
        %shift_right_arithmetic3A_127 = arith.shrsi %gather3A_120, %shift_left3A_126 : vector<16xi32>
        %and3A_128 = arith.constant 3 : i32
        %and3A_129 = vector.broadcast %and3A_128 : i32 to vector<16xi32>
        %and3A_130 = arith.andi %shift_right_arithmetic3A_127, %and3A_129 : vector<16xi32>
        %shift_left3A_131 = arith.constant 2 : i32
        %shift_left3A_132 = vector.broadcast %shift_left3A_131 : i32 to vector<16xi32>
        %shift_left3A_133 = arith.shli %get3A_110, %shift_left3A_132 : vector<16xi32>
        %or3A_134 = arith.ori %shift_left3A_133, %and3A_130 : vector<16xi32>
        %add3A_135 = arith.constant 16 : i32
        %add3A_136 = arith.addi %mul3A_81, %add3A_135 : i32
        %swap3A_137 = arith.index_cast %add3A_136 : i32 to index
        %swap3A_138 = tpu.vector_load %arg28[%swap3A_137] {strides = array<i32>} : memref<1024xi32, #tpu.memory_space<vmem>>, vector<16xi32>,
        tpu.vector_store %arg28[%swap3A_137], %or3A_134 {strides = array<i32>} : memref<1024xi32, #tpu.memory_space<vmem>>, vector<16xi32>,
        %add3A_139 = arith.constant 32 : i32
        %add3A_140 = arith.addi %mul3A_79, %add3A_139 : i32
        %get3A_141 = arith.index_cast %add3A_140 : i32 to index
        %get3A_142 = tpu.vector_load %arg24[%get3A_141] {strides = array<i32>} : memref<4096xi32, #tpu.memory_space<vmem>>, vector<16xi32>,
        %add3A_143 = arith.constant 128 : i32
        %add3A_144 = arith.addi %mul3A_79, %add3A_143 : i32
        %add3A_145 = arith.constant 32 : i32
        %add3A_146 = arith.addi %add3A_144, %add3A_145 : i32
        %get3A_147 = arith.index_cast %add3A_146 : i32 to index
        %get3A_148 = tpu.vector_load %arg24[%get3A_147] {strides = array<i32>} : memref<4096xi32, #tpu.memory_space<vmem>>, vector<16xi32>,
        %shift_right_arithmetic3A_149 = arith.constant 2 : i32
        %shift_right_arithmetic3A_150 = vector.broadcast %shift_right_arithmetic3A_149 : i32 to vector<16xi32>
        %shift_right_arithmetic3A_151 = arith.shrsi %get3A_148, %shift_right_arithmetic3A_150 : vector<16xi32>
        %gather3A_152 = tpu.vector_load_idx %arg14[%shift_right_arithmetic3A_151] : memref<25088xi32, #tpu.memory_space<vmem>>[vector<16xi32>], vector<16xi32>,
        %and3A_153 = arith.constant 3 : i32
        %and3A_154 = vector.broadcast %and3A_153 : i32 to vector<16xi32>
        %and3A_155 = arith.andi %get3A_148, %and3A_154 : vector<16xi32>
        %shift_left3A_156 = arith.constant 3 : i32
        %shift_left3A_157 = vector.broadcast %shift_left3A_156 : i32 to vector<16xi32>
        %shift_left3A_158 = arith.shli %and3A_155, %shift_left3A_157 : vector<16xi32>
        %shift_right_arithmetic3A_159 = arith.shrsi %gather3A_152, %shift_left3A_158 : vector<16xi32>
        %and3A_160 = arith.constant 3 : i32
        %and3A_161 = vector.broadcast %and3A_160 : i32 to vector<16xi32>
        %and3A_162 = arith.andi %shift_right_arithmetic3A_159, %and3A_161 : vector<16xi32>
        %shift_left3A_163 = arith.constant 2 : i32
        %shift_left3A_164 = vector.broadcast %shift_left3A_163 : i32 to vector<16xi32>
        %shift_left3A_165 = arith.shli %get3A_142, %shift_left3A_164 : vector<16xi32>
        %or3A_166 = arith.ori %shift_left3A_165, %and3A_162 : vector<16xi32>
        %add3A_167 = arith.constant 32 : i32
        %add3A_168 = arith.addi %mul3A_81, %add3A_167 : i32
        %swap3A_169 = arith.index_cast %add3A_168 : i32 to index
        %swap3A_170 = tpu.vector_load %arg28[%swap3A_169] {strides = array<i32>} : memref<1024xi32, #tpu.memory_space<vmem>>, vector<16xi32>,
        tpu.vector_store %arg28[%swap3A_169], %or3A_166 {strides = array<i32>} : memref<1024xi32, #tpu.memory_space<vmem>>, vector<16xi32>,
        %add3A_171 = arith.constant 48 : i32
        %add3A_172 = arith.addi %mul3A_79, %add3A_171 : i32
        %get3A_173 = arith.index_cast %add3A_172 : i32 to index
        %get3A_174 = tpu.vector_load %arg24[%get3A_173] {strides = array<i32>} : memref<4096xi32, #tpu.memory_space<vmem>>, vector<16xi32>,
        %add3A_175 = arith.constant 128 : i32
        %add3A_176 = arith.addi %mul3A_79, %add3A_175 : i32
        %add3A_177 = arith.constant 48 : i32
        %add3A_178 = arith.addi %add3A_176, %add3A_177 : i32
        %get3A_179 = arith.index_cast %add3A_178 : i32 to index
        %get3A_180 = tpu.vector_load %arg24[%get3A_179] {strides = array<i32>} : memref<4096xi32, #tpu.memory_space<vmem>>, vector<16xi32>,
        %shift_right_arithmetic3A_181 = arith.constant 2 : i32
        %shift_right_arithmetic3A_182 = vector.broadcast %shift_right_arithmetic3A_181 : i32 to vector<16xi32>
        %shift_right_arithmetic3A_183 = arith.shrsi %get3A_180, %shift_right_arithmetic3A_182 : vector<16xi32>
        %gather3A_184 = tpu.vector_load_idx %arg14[%shift_right_arithmetic3A_183] : memref<25088xi32, #tpu.memory_space<vmem>>[vector<16xi32>], vector<16xi32>,
        %and3A_185 = arith.constant 3 : i32
        %and3A_186 = vector.broadcast %and3A_185 : i32 to vector<16xi32>
        %and3A_187 = arith.andi %get3A_180, %and3A_186 : vector<16xi32>
        %shift_left3A_188 = arith.constant 3 : i32
        %shift_left3A_189 = vector.broadcast %shift_left3A_188 : i32 to vector<16xi32>
        %shift_left3A_190 = arith.shli %and3A_187, %shift_left3A_189 : vector<16xi32>
        %shift_right_arithmetic3A_191 = arith.shrsi %gather3A_184, %shift_left3A_190 : vector<16xi32>
        %and3A_192 = arith.constant 3 : i32
        %and3A_193 = vector.broadcast %and3A_192 : i32 to vector<16xi32>
        %and3A_194 = arith.andi %shift_right_arithmetic3A_191, %and3A_193 : vector<16xi32>
        %shift_left3A_195 = arith.constant 2 : i32
        %shift_left3A_196 = vector.broadcast %shift_left3A_195 : i32 to vector<16xi32>
        %shift_left3A_197 = arith.shli %get3A_174, %shift_left3A_196 : vector<16xi32>
        %or3A_198 = arith.ori %shift_left3A_197, %and3A_194 : vector<16xi32>
        %add3A_199 = arith.constant 48 : i32
        %add3A_200 = arith.addi %mul3A_81, %add3A_199 : i32
        %swap3A_201 = arith.index_cast %add3A_200 : i32 to index
        %swap3A_202 = tpu.vector_load %arg28[%swap3A_201] {strides = array<i32>} : memref<1024xi32, #tpu.memory_space<vmem>>, vector<16xi32>,
        tpu.vector_store %arg28[%swap3A_201], %or3A_198 {strides = array<i32>} : memref<1024xi32, #tpu.memory_space<vmem>>, vector<16xi32>,
        %add3A_203 = arith.constant 64 : i32
        %add3A_204 = arith.addi %mul3A_79, %add3A_203 : i32
        %get3A_205 = arith.index_cast %add3A_204 : i32 to index
        %get3A_206 = tpu.vector_load %arg24[%get3A_205] {strides = array<i32>} : memref<4096xi32, #tpu.memory_space<vmem>>, vector<16xi32>,
        %add3A_207 = arith.constant 128 : i32
        %add3A_208 = arith.addi %mul3A_79, %add3A_207 : i32
        %add3A_209 = arith.constant 64 : i32
        %add3A_210 = arith.addi %add3A_208, %add3A_209 : i32
        %get3A_211 = arith.index_cast %add3A_210 : i32 to index
        %get3A_212 = tpu.vector_load %arg24[%get3A_211] {strides = array<i32>} : memref<4096xi32, #tpu.memory_space<vmem>>, vector<16xi32>,
        %shift_right_arithmetic3A_213 = arith.constant 2 : i32
        %shift_right_arithmetic3A_214 = vector.broadcast %shift_right_arithmetic3A_213 : i32 to vector<16xi32>
        %shift_right_arithmetic3A_215 = arith.shrsi %get3A_212, %shift_right_arithmetic3A_214 : vector<16xi32>
        %gather3A_216 = tpu.vector_load_idx %arg14[%shift_right_arithmetic3A_215] : memref<25088xi32, #tpu.memory_space<vmem>>[vector<16xi32>], vector<16xi32>,
        %and3A_217 = arith.constant 3 : i32
        %and3A_218 = vector.broadcast %and3A_217 : i32 to vector<16xi32>
        %and3A_219 = arith.andi %get3A_212, %and3A_218 : vector<16xi32>
        %shift_left3A_220 = arith.constant 3 : i32
        %shift_left3A_221 = vector.broadcast %shift_left3A_220 : i32 to vector<16xi32>
        %shift_left3A_222 = arith.shli %and3A_219, %shift_left3A_221 : vector<16xi32>
        %shift_right_arithmetic3A_223 = arith.shrsi %gather3A_216, %shift_left3A_222 : vector<16xi32>
        %and3A_224 = arith.constant 3 : i32
        %and3A_225 = vector.broadcast %and3A_224 : i32 to vector<16xi32>
        %and3A_226 = arith.andi %shift_right_arithmetic3A_223, %and3A_225 : vector<16xi32>
        %shift_left3A_227 = arith.constant 2 : i32
        %shift_left3A_228 = vector.broadcast %shift_left3A_227 : i32 to vector<16xi32>
        %shift_left3A_229 = arith.shli %get3A_206, %shift_left3A_228 : vector<16xi32>
        %or3A_230 = arith.ori %shift_left3A_229, %and3A_226 : vector<16xi32>
        %add3A_231 = arith.constant 64 : i32
        %add3A_232 = arith.addi %mul3A_81, %add3A_231 : i32
        %swap3A_233 = arith.index_cast %add3A_232 : i32 to index
        %swap3A_234 = tpu.vector_load %arg28[%swap3A_233] {strides = array<i32>} : memref<1024xi32, #tpu.memory_space<vmem>>, vector<16xi32>,
        tpu.vector_store %arg28[%swap3A_233], %or3A_230 {strides = array<i32>} : memref<1024xi32, #tpu.memory_space<vmem>>, vector<16xi32>,
        %add3A_235 = arith.constant 80 : i32
        %add3A_236 = arith.addi %mul3A_79, %add3A_235 : i32
        %get3A_237 = arith.index_cast %add3A_236 : i32 to index
        %get3A_238 = tpu.vector_load %arg24[%get3A_237] {strides = array<i32>} : memref<4096xi32, #tpu.memory_space<vmem>>, vector<16xi32>,
        %add3A_239 = arith.constant 128 : i32
        %add3A_240 = arith.addi %mul3A_79, %add3A_239 : i32
        %add3A_241 = arith.constant 80 : i32
        %add3A_242 = arith.addi %add3A_240, %add3A_241 : i32
        %get3A_243 = arith.index_cast %add3A_242 : i32 to index
        %get3A_244 = tpu.vector_load %arg24[%get3A_243] {strides = array<i32>} : memref<4096xi32, #tpu.memory_space<vmem>>, vector<16xi32>,
        %shift_right_arithmetic3A_245 = arith.constant 2 : i32
        %shift_right_arithmetic3A_246 = vector.broadcast %shift_right_arithmetic3A_245 : i32 to vector<16xi32>
        %shift_right_arithmetic3A_247 = arith.shrsi %get3A_244, %shift_right_arithmetic3A_246 : vector<16xi32>
        %gather3A_248 = tpu.vector_load_idx %arg14[%shift_right_arithmetic3A_247] : memref<25088xi32, #tpu.memory_space<vmem>>[vector<16xi32>], vector<16xi32>,
        %and3A_249 = arith.constant 3 : i32
        %and3A_250 = vector.broadcast %and3A_249 : i32 to vector<16xi32>
        %and3A_251 = arith.andi %get3A_244, %and3A_250 : vector<16xi32>
        %shift_left3A_252 = arith.constant 3 : i32
        %shift_left3A_253 = vector.broadcast %shift_left3A_252 : i32 to vector<16xi32>
        %shift_left3A_254 = arith.shli %and3A_251, %shift_left3A_253 : vector<16xi32>
        %shift_right_arithmetic3A_255 = arith.shrsi %gather3A_248, %shift_left3A_254 : vector<16xi32>
        %and3A_256 = arith.constant 3 : i32
        %and3A_257 = vector.broadcast %and3A_256 : i32 to vector<16xi32>
        %and3A_258 = arith.andi %shift_right_arithmetic3A_255, %and3A_257 : vector<16xi32>
        %shift_left3A_259 = arith.constant 2 : i32
        %shift_left3A_260 = vector.broadcast %shift_left3A_259 : i32 to vector<16xi32>
        %shift_left3A_261 = arith.shli %get3A_238, %shift_left3A_260 : vector<16xi32>
        %or3A_262 = arith.ori %shift_left3A_261, %and3A_258 : vector<16xi32>
        %add3A_263 = arith.constant 80 : i32
        %add3A_264 = arith.addi %mul3A_81, %add3A_263 : i32
        %swap3A_265 = arith.index_cast %add3A_264 : i32 to index
        %swap3A_266 = tpu.vector_load %arg28[%swap3A_265] {strides = array<i32>} : memref<1024xi32, #tpu.memory_space<vmem>>, vector<16xi32>,
        tpu.vector_store %arg28[%swap3A_265], %or3A_262 {strides = array<i32>} : memref<1024xi32, #tpu.memory_space<vmem>>, vector<16xi32>,
        %add3A_267 = arith.constant 96 : i32
        %add3A_268 = arith.addi %mul3A_79, %add3A_267 : i32
        %get3A_269 = arith.index_cast %add3A_268 : i32 to index
        %get3A_270 = tpu.vector_load %arg24[%get3A_269] {strides = array<i32>} : memref<4096xi32, #tpu.memory_space<vmem>>, vector<16xi32>,
        %add3A_271 = arith.constant 128 : i32
        %add3A_272 = arith.addi %mul3A_79, %add3A_271 : i32
        %add3A_273 = arith.constant 96 : i32
        %add3A_274 = arith.addi %add3A_272, %add3A_273 : i32
        %get3A_275 = arith.index_cast %add3A_274 : i32 to index
        %get3A_276 = tpu.vector_load %arg24[%get3A_275] {strides = array<i32>} : memref<4096xi32, #tpu.memory_space<vmem>>, vector<16xi32>,
        %shift_right_arithmetic3A_277 = arith.constant 2 : i32
        %shift_right_arithmetic3A_278 = vector.broadcast %shift_right_arithmetic3A_277 : i32 to vector<16xi32>
        %shift_right_arithmetic3A_279 = arith.shrsi %get3A_276, %shift_right_arithmetic3A_278 : vector<16xi32>
        %gather3A_280 = tpu.vector_load_idx %arg14[%shift_right_arithmetic3A_279] : memref<25088xi32, #tpu.memory_space<vmem>>[vector<16xi32>], vector<16xi32>,
        %and3A_281 = arith.constant 3 : i32
        %and3A_282 = vector.broadcast %and3A_281 : i32 to vector<16xi32>
        %and3A_283 = arith.andi %get3A_276, %and3A_282 : vector<16xi32>
        %shift_left3A_284 = arith.constant 3 : i32
        %shift_left3A_285 = vector.broadcast %shift_left3A_284 : i32 to vector<16xi32>
        %shift_left3A_286 = arith.shli %and3A_283, %shift_left3A_285 : vector<16xi32>
        %shift_right_arithmetic3A_287 = arith.shrsi %gather3A_280, %shift_left3A_286 : vector<16xi32>
        %and3A_288 = arith.constant 3 : i32
        %and3A_289 = vector.broadcast %and3A_288 : i32 to vector<16xi32>
        %and3A_290 = arith.andi %shift_right_arithmetic3A_287, %and3A_289 : vector<16xi32>
        %shift_left3A_291 = arith.constant 2 : i32
        %shift_left3A_292 = vector.broadcast %shift_left3A_291 : i32 to vector<16xi32>
        %shift_left3A_293 = arith.shli %get3A_270, %shift_left3A_292 : vector<16xi32>
        %or3A_294 = arith.ori %shift_left3A_293, %and3A_290 : vector<16xi32>
        %add3A_295 = arith.constant 96 : i32
        %add3A_296 = arith.addi %mul3A_81, %add3A_295 : i32
        %swap3A_297 = arith.index_cast %add3A_296 : i32 to index
        %swap3A_298 = tpu.vector_load %arg28[%swap3A_297] {strides = array<i32>} : memref<1024xi32, #tpu.memory_space<vmem>>, vector<16xi32>,
        tpu.vector_store %arg28[%swap3A_297], %or3A_294 {strides = array<i32>} : memref<1024xi32, #tpu.memory_space<vmem>>, vector<16xi32>,
        %add3A_299 = arith.constant 112 : i32
        %add3A_300 = arith.addi %mul3A_79, %add3A_299 : i32
        %get3A_301 = arith.index_cast %add3A_300 : i32 to index
        %get3A_302 = tpu.vector_load %arg24[%get3A_301] {strides = array<i32>} : memref<4096xi32, #tpu.memory_space<vmem>>, vector<16xi32>,
        %add3A_303 = arith.constant 128 : i32
        %add3A_304 = arith.addi %mul3A_79, %add3A_303 : i32
        %add3A_305 = arith.constant 112 : i32
        %add3A_306 = arith.addi %add3A_304, %add3A_305 : i32
        %get3A_307 = arith.index_cast %add3A_306 : i32 to index
        %get3A_308 = tpu.vector_load %arg24[%get3A_307] {strides = array<i32>} : memref<4096xi32, #tpu.memory_space<vmem>>, vector<16xi32>,
        %shift_right_arithmetic3A_309 = arith.constant 2 : i32
        %shift_right_arithmetic3A_310 = vector.broadcast %shift_right_arithmetic3A_309 : i32 to vector<16xi32>
        %shift_right_arithmetic3A_311 = arith.shrsi %get3A_308, %shift_right_arithmetic3A_310 : vector<16xi32>
        %gather3A_312 = tpu.vector_load_idx %arg14[%shift_right_arithmetic3A_311] : memref<25088xi32, #tpu.memory_space<vmem>>[vector<16xi32>], vector<16xi32>,
        %and3A_313 = arith.constant 3 : i32
        %and3A_314 = vector.broadcast %and3A_313 : i32 to vector<16xi32>
        %and3A_315 = arith.andi %get3A_308, %and3A_314 : vector<16xi32>
        %shift_left3A_316 = arith.constant 3 : i32
        %shift_left3A_317 = vector.broadcast %shift_left3A_316 : i32 to vector<16xi32>
        %shift_left3A_318 = arith.shli %and3A_315, %shift_left3A_317 : vector<16xi32>
        %shift_right_arithmetic3A_319 = arith.shrsi %gather3A_312, %shift_left3A_318 : vector<16xi32>
        %and3A_320 = arith.constant 3 : i32
        %and3A_321 = vector.broadcast %and3A_320 : i32 to vector<16xi32>
        %and3A_322 = arith.andi %shift_right_arithmetic3A_319, %and3A_321 : vector<16xi32>
        %shift_left3A_323 = arith.constant 2 : i32
        %shift_left3A_324 = vector.broadcast %shift_left3A_323 : i32 to vector<16xi32>
        %shift_left3A_325 = arith.shli %get3A_302, %shift_left3A_324 : vector<16xi32>
        %or3A_326 = arith.ori %shift_left3A_325, %and3A_322 : vector<16xi32>
        %add3A_327 = arith.constant 112 : i32
        %add3A_328 = arith.addi %mul3A_81, %add3A_327 : i32
        %swap3A_329 = arith.index_cast %add3A_328 : i32 to index
        %swap3A_330 = tpu.vector_load %arg28[%swap3A_329] {strides = array<i32>} : memref<1024xi32, #tpu.memory_space<vmem>>, vector<16xi32>,
        tpu.vector_store %arg28[%swap3A_329], %or3A_326 {strides = array<i32>} : memref<1024xi32, #tpu.memory_space<vmem>>, vector<16xi32>,
        %scan3A_331 = arith.constant 0 : i32
        scf.yield %scan3A_331 : i32
      }
      %scan3A_75 = arith.constant 8 : i32
      "tpu.region"() ({
        %run_scoped3A = tpu.sem_alloc : memref<!tpu.dma_semaphore, #tpu.memory_space<semaphore_mem>>
        %dma_start3A_76 = arith.constant 0 : i32
        %dma_start3A_77 = tpu.memref_slice %arg29[%dma_start3A_76] : memref<2048xf32, #tpu.memory_space<vmem>> -> memref<1024xf32, #tpu.memory_space<vmem>>
        %dma_start3A_78 = arith.constant 0 : i32
        %dma_start3A_79 = tpu.memref_slice %arg13[%dma_start3A_78] : memref<401408xf32, #tpu.memory_space<vmem_shared>> -> memref<401408xf32, #tpu.memory_space<vmem_shared>>
        tpu.enqueue_indirect_dma source(%dma_start3A_77 : memref<1024xf32, #tpu.memory_space<vmem>>) target(%dma_start3A_79 : memref<401408xf32, #tpu.memory_space<vmem_shared>>) offsets(%arg28 : memref<1024xi32, #tpu.memory_space<vmem>>) semaphore(%run_scoped3A : memref<!tpu.dma_semaphore, #tpu.memory_space<semaphore_mem>>) {add = true}
        %dma_wait3A = arith.constant 0 : i32
        %dma_wait3A_80 = tpu.memref_slice %arg29[%dma_wait3A] : memref<2048xf32, #tpu.memory_space<vmem>> -> memref<1024xf32, #tpu.memory_space<vmem>>
        %dma_wait3A_81 = arith.constant 0 : i32
        %dma_wait3A_82 = tpu.memref_slice %arg13[%dma_wait3A_81] : memref<401408xf32, #tpu.memory_space<vmem_shared>> -> memref<401408xf32, #tpu.memory_space<vmem_shared>>
        tpu.wait_indirect_dma semaphore(%run_scoped3A : memref<!tpu.dma_semaphore, #tpu.memory_space<semaphore_mem>>) src(%dma_wait3A_80 : memref<1024xf32, #tpu.memory_space<vmem>>) dst(%dma_wait3A_82 : memref<401408xf32, #tpu.memory_space<vmem_shared>>)
        tpu.yield
      }) : () -> ()
    } else {
    }
    %barrier3A_61 = arith.constant 0 : index
    tpu.barrier barrier_id(%barrier3A_61)
    %mul3A_62 = arith.constant 25088 : i32
    %mul3A_63 = arith.muli %arg1, %mul3A_62 : i32
    %mul3A_64 = arith.constant 401408 : i32
    %mul3A_65 = arith.muli %arg0, %mul3A_64 : i32
    %mul3A_66 = arith.constant 25088 : i32
    %mul3A_67 = arith.muli %arg1, %mul3A_66 : i32
    %add3A_68 = arith.addi %mul3A_65, %mul3A_67 : i32
    "tpu.region"() ({
      %run_scoped3A = tpu.sem_alloc : memref<!tpu.dma_semaphore, #tpu.memory_space<semaphore_mem>>
      %dma_start3A_69 = tpu.memref_slice %arg12[%add3A_68] : memref<802816xf32, #tpu.memory_space<hbm>> -> memref<25088xf32, #tpu.memory_space<hbm>>
      %dma_start3A_70 = tpu.memref_slice %arg13[%mul3A_63] : memref<401408xf32, #tpu.memory_space<vmem_shared>> -> memref<25088xf32, #tpu.memory_space<vmem_shared>>
      tpu.enqueue_dma source(%dma_start3A_70 : memref<25088xf32, #tpu.memory_space<vmem_shared>>) target(%dma_start3A_69 : memref<25088xf32, #tpu.memory_space<hbm>>) target_semaphore(%run_scoped3A : memref<!tpu.dma_semaphore, #tpu.memory_space<semaphore_mem>>)
      %dma_wait3A = tpu.memref_slice %arg12[%add3A_68] : memref<802816xf32, #tpu.memory_space<hbm>> -> memref<25088xf32, #tpu.memory_space<hbm>>
      %dma_wait3A_71 = tpu.memref_slice %arg13[%mul3A_63] : memref<401408xf32, #tpu.memory_space<vmem_shared>> -> memref<25088xf32, #tpu.memory_space<vmem_shared>>
      tpu.wait_dma2 semaphore(%run_scoped3A : memref<!tpu.dma_semaphore, #tpu.memory_space<semaphore_mem>>) src(%dma_wait3A_71 : memref<25088xf32, #tpu.memory_space<vmem_shared>>) dst(%dma_wait3A : memref<25088xf32, #tpu.memory_space<hbm>>)
      tpu.yield
    }) : () -> ()
    return
  }
}

#map = affine_map<(d0, d1) -> (0)>
module attributes {stable_mosaic.version = 14 : i64} {
  func.func @_final_body(%arg0: i32, %arg1: i32, %arg2: memref<802816xf32, #tpu.memory_space<hbm>>, %arg3: memref<100352xi32, #tpu.memory_space<hbm>>, %arg4: memref<100352xi32, #tpu.memory_space<hbm>>, %arg5: memref<12544xf32, #tpu.memory_space<vmem>>, %arg6: memref<12544xf32, #tpu.memory_space<vmem>>, %arg7: memref<3136xi32, #tpu.memory_space<vmem>>, %arg8: memref<3136xi32, #tpu.memory_space<vmem>>, %arg9: memref<!tpu.dma_semaphore, #tpu.memory_space<semaphore_mem>>, %arg10: memref<!tpu.dma_semaphore, #tpu.memory_space<semaphore_mem>>) attributes {dimension_semantics = [#tpu.dimension_semantics<core_parallel>, #tpu.dimension_semantics<subcore_parallel>], iteration_bounds = array<i64: 2, 16>, scalar_prefetch = 0 : i64, scratch_operands = 6 : i64, tpu.core_type = #tpu.core_type<sc_vector_subcore>, window_params = [{transform_indices = #map}, {transform_indices = #map}, {transform_indices = #map}]} {
    %mul3A = arith.constant 16 : i32
    %mul3A_0 = arith.muli %arg0, %mul3A : i32
    %add3A = arith.addi %mul3A_0, %arg1 : i32
    %mul3A_1 = arith.constant 3136 : i32
    %mul3A_2 = arith.muli %add3A, %mul3A_1 : i32
    %iota3A = tpu.iota {dimensions = array<i32: 0>} : vector<16xi32>
    %mul3A_3 = arith.constant 4 : i32
    %mul3A_4 = vector.broadcast %mul3A_3 : i32 to vector<16xi32>
    %mul3A_5 = arith.muli %iota3A, %mul3A_4 : vector<16xi32>
    %mul3A_6 = arith.constant 4 : i32
    %mul3A_7 = arith.muli %mul3A_6, %mul3A_2 : i32
    %dma_start3A = tpu.memref_slice %arg2[%mul3A_7] : memref<802816xf32, #tpu.memory_space<hbm>> -> memref<12544xf32, #tpu.memory_space<hbm>>
    %dma_start3A_8 = tpu.memref_slice %arg2[%mul3A_7] : memref<802816xf32, #tpu.memory_space<hbm>> -> memref<12544xf32, #tpu.memory_space<hbm>>
    tpu.enqueue_dma source(%dma_start3A_8 : memref<12544xf32, #tpu.memory_space<hbm>>) target(%arg5 : memref<12544xf32, #tpu.memory_space<vmem>>) target_semaphore(%arg9 : memref<!tpu.dma_semaphore, #tpu.memory_space<semaphore_mem>>)
    %mul3A_9 = arith.constant 4 : i32
    %mul3A_10 = arith.muli %mul3A_9, %mul3A_2 : i32
    %add3A_11 = arith.constant 401408 : i32
    %add3A_12 = arith.addi %add3A_11, %mul3A_10 : i32
    %dma_start3A_13 = tpu.memref_slice %arg2[%add3A_12] : memref<802816xf32, #tpu.memory_space<hbm>> -> memref<12544xf32, #tpu.memory_space<hbm>>
    %dma_start3A_14 = tpu.memref_slice %arg2[%add3A_12] : memref<802816xf32, #tpu.memory_space<hbm>> -> memref<12544xf32, #tpu.memory_space<hbm>>
    tpu.enqueue_dma source(%dma_start3A_14 : memref<12544xf32, #tpu.memory_space<hbm>>) target(%arg6 : memref<12544xf32, #tpu.memory_space<vmem>>) target_semaphore(%arg9 : memref<!tpu.dma_semaphore, #tpu.memory_space<semaphore_mem>>)
    %dma_start3A_15 = tpu.memref_slice %arg3[%mul3A_2] : memref<100352xi32, #tpu.memory_space<hbm>> -> memref<3136xi32, #tpu.memory_space<hbm>>
    %dma_start3A_16 = tpu.memref_slice %arg3[%mul3A_2] : memref<100352xi32, #tpu.memory_space<hbm>> -> memref<3136xi32, #tpu.memory_space<hbm>>
    tpu.enqueue_dma source(%dma_start3A_16 : memref<3136xi32, #tpu.memory_space<hbm>>) target(%arg7 : memref<3136xi32, #tpu.memory_space<vmem>>) target_semaphore(%arg10 : memref<!tpu.dma_semaphore, #tpu.memory_space<semaphore_mem>>)
    %dma_wait3A = tpu.memref_slice %arg2[%mul3A_7] : memref<802816xf32, #tpu.memory_space<hbm>> -> memref<12544xf32, #tpu.memory_space<hbm>>
    %dma_wait3A_17 = tpu.memref_slice %arg2[%mul3A_7] : memref<802816xf32, #tpu.memory_space<hbm>> -> memref<12544xf32, #tpu.memory_space<hbm>>
    tpu.wait_dma2 semaphore(%arg9 : memref<!tpu.dma_semaphore, #tpu.memory_space<semaphore_mem>>) src(%dma_wait3A_17 : memref<12544xf32, #tpu.memory_space<hbm>>) dst(%arg5 : memref<12544xf32, #tpu.memory_space<vmem>>)
    %dma_wait3A_18 = tpu.memref_slice %arg2[%add3A_12] : memref<802816xf32, #tpu.memory_space<hbm>> -> memref<12544xf32, #tpu.memory_space<hbm>>
    %dma_wait3A_19 = tpu.memref_slice %arg2[%add3A_12] : memref<802816xf32, #tpu.memory_space<hbm>> -> memref<12544xf32, #tpu.memory_space<hbm>>
    tpu.wait_dma2 semaphore(%arg9 : memref<!tpu.dma_semaphore, #tpu.memory_space<semaphore_mem>>) src(%dma_wait3A_19 : memref<12544xf32, #tpu.memory_space<hbm>>) dst(%arg6 : memref<12544xf32, #tpu.memory_space<vmem>>)
    %dma_wait3A_20 = tpu.memref_slice %arg3[%mul3A_2] : memref<100352xi32, #tpu.memory_space<hbm>> -> memref<3136xi32, #tpu.memory_space<hbm>>
    %dma_wait3A_21 = tpu.memref_slice %arg3[%mul3A_2] : memref<100352xi32, #tpu.memory_space<hbm>> -> memref<3136xi32, #tpu.memory_space<hbm>>
    tpu.wait_dma2 semaphore(%arg10 : memref<!tpu.dma_semaphore, #tpu.memory_space<semaphore_mem>>) src(%dma_wait3A_21 : memref<3136xi32, #tpu.memory_space<hbm>>) dst(%arg7 : memref<3136xi32, #tpu.memory_space<vmem>>)
    %scan3A = arith.constant 0 : i32
    %scan3A_22 = arith.constant 0 : i32
    %scan3A_23 = arith.constant 196 : i32
    %scan3A_24 = arith.addi %scan3A_22, %scan3A_23 : i32
    %scan3A_25 = arith.constant 1 : i32
    %scan3A_26 = scf.for %scan3A_28 = %scan3A_22 to %scan3A_24 step %scan3A_25 iter_args(%scan3A_29 = %scan3A) -> (i32)  : i32 {
      %mul3A_30 = arith.constant 16 : i32
      %mul3A_31 = arith.muli %scan3A_28, %mul3A_30 : i32
      %mul3A_32 = arith.constant 64 : i32
      %mul3A_33 = arith.muli %scan3A_28, %mul3A_32 : i32
      %add3A_34 = vector.broadcast %mul3A_33 : i32 to vector<16xi32>
      %add3A_35 = arith.addi %mul3A_5, %add3A_34 : vector<16xi32>
      %gather3A = tpu.vector_load_idx %arg5[%add3A_35] : memref<12544xf32, #tpu.memory_space<vmem>>[vector<16xi32>], vector<16xf32>,
      %gather3A_36 = tpu.vector_load_idx %arg6[%add3A_35] : memref<12544xf32, #tpu.memory_space<vmem>>[vector<16xi32>], vector<16xf32>,
      %add3A_37 = arith.addf %gather3A, %gather3A_36 : vector<16xf32>
      %add3A_38 = arith.constant 1 : i32
      %add3A_39 = vector.broadcast %add3A_38 : i32 to vector<16xi32>
      %add3A_40 = arith.addi %add3A_35, %add3A_39 : vector<16xi32>
      %gather3A_41 = tpu.vector_load_idx %arg5[%add3A_40] : memref<12544xf32, #tpu.memory_space<vmem>>[vector<16xi32>], vector<16xf32>,
      %add3A_42 = arith.constant 1 : i32
      %add3A_43 = vector.broadcast %add3A_42 : i32 to vector<16xi32>
      %add3A_44 = arith.addi %add3A_35, %add3A_43 : vector<16xi32>
      %gather3A_45 = tpu.vector_load_idx %arg6[%add3A_44] : memref<12544xf32, #tpu.memory_space<vmem>>[vector<16xi32>], vector<16xf32>,
      %add3A_46 = arith.addf %gather3A_41, %gather3A_45 : vector<16xf32>
      %add3A_47 = arith.constant 2 : i32
      %add3A_48 = vector.broadcast %add3A_47 : i32 to vector<16xi32>
      %add3A_49 = arith.addi %add3A_35, %add3A_48 : vector<16xi32>
      %gather3A_50 = tpu.vector_load_idx %arg5[%add3A_49] : memref<12544xf32, #tpu.memory_space<vmem>>[vector<16xi32>], vector<16xf32>,
      %add3A_51 = arith.constant 2 : i32
      %add3A_52 = vector.broadcast %add3A_51 : i32 to vector<16xi32>
      %add3A_53 = arith.addi %add3A_35, %add3A_52 : vector<16xi32>
      %gather3A_54 = tpu.vector_load_idx %arg6[%add3A_53] : memref<12544xf32, #tpu.memory_space<vmem>>[vector<16xi32>], vector<16xf32>,
      %add3A_55 = arith.addf %gather3A_50, %gather3A_54 : vector<16xf32>
      %add3A_56 = arith.constant 3 : i32
      %add3A_57 = vector.broadcast %add3A_56 : i32 to vector<16xi32>
      %add3A_58 = arith.addi %add3A_35, %add3A_57 : vector<16xi32>
      %gather3A_59 = tpu.vector_load_idx %arg5[%add3A_58] : memref<12544xf32, #tpu.memory_space<vmem>>[vector<16xi32>], vector<16xf32>,
      %add3A_60 = arith.constant 3 : i32
      %add3A_61 = vector.broadcast %add3A_60 : i32 to vector<16xi32>
      %add3A_62 = arith.addi %add3A_35, %add3A_61 : vector<16xi32>
      %gather3A_63 = tpu.vector_load_idx %arg6[%add3A_62] : memref<12544xf32, #tpu.memory_space<vmem>>[vector<16xi32>], vector<16xf32>,
      %add3A_64 = arith.addf %gather3A_59, %gather3A_63 : vector<16xf32>
      %add3A_65 = arith.addf %add3A_37, %add3A_46 : vector<16xf32>
      %add3A_66 = arith.addf %add3A_55, %add3A_64 : vector<16xf32>
      %add3A_67 = arith.addf %add3A_65, %add3A_66 : vector<16xf32>
      %add3A_68 = arith.addf %add3A_37, %add3A_55 : vector<16xf32>
      %add3A_69 = arith.addf %add3A_55, %add3A_64 : vector<16xf32>
      %gt3A = arith.constant 0.000000e+00 : f32
      %gt3A_70 = vector.broadcast %gt3A : f32 to vector<16xf32>
      %gt3A_71 = arith.cmpf ogt, %add3A_67, %gt3A_70 : vector<16xf32>
      %jit3A = arith.constant 1.000000e+00 : f32
      %broadcast_in_dim3A = vector.broadcast %jit3A : f32 to vector<16xf32>
      %select_n3A = arith.select %gt3A_71, %add3A_67, %broadcast_in_dim3A : vector<16xi1>, vector<16xf32>
      %div3A = arith.divf %add3A_68, %select_n3A : vector<16xf32>
      %sub3A = arith.constant 1.000000e+00 : f32
      %sub3A_72 = vector.broadcast %sub3A : f32 to vector<16xf32>
      %sub3A_73 = arith.subf %sub3A_72, %div3A : vector<16xf32>
      %jit3A_74 = arith.constant 0.000000e+00 : f32
      %broadcast_in_dim3A_75 = vector.broadcast %jit3A_74 : f32 to vector<16xf32>
      %select_n3A_76 = arith.select %gt3A_71, %sub3A_73, %broadcast_in_dim3A_75 : vector<16xi1>, vector<16xf32>
      %get3A = arith.index_cast %mul3A_31 : i32 to index
      %get3A_77 = tpu.vector_load %arg7[%get3A] {strides = array<i32>} : memref<3136xi32, #tpu.memory_space<vmem>>, vector<16xi32>,
      %ne3A = arith.constant 0 : i32
      %ne3A_78 = vector.broadcast %ne3A : i32 to vector<16xi32>
      %ne3A_79 = arith.cmpi ne, %get3A_77, %ne3A_78 : vector<16xi32>
      %le3A = arith.constant 0.899999976 : f32
      %le3A_80 = vector.broadcast %le3A : f32 to vector<16xf32>
      %le3A_81 = arith.cmpf ole, %select_n3A_76, %le3A_80 : vector<16xf32>
      %gt3A_82 = arith.constant 0.000000e+00 : f32
      %gt3A_83 = vector.broadcast %gt3A_82 : f32 to vector<16xf32>
      %gt3A_84 = arith.cmpf ogt, %add3A_69, %gt3A_83 : vector<16xf32>
      %or3A = arith.ori %le3A_81, %gt3A_84 : vector<16xi1>
      %and3A = arith.andi %ne3A_79, %or3A : vector<16xi1>
      %jit3A_85 = arith.constant 1 : i32
      %jit3A_86 = arith.constant 0 : i32
      %broadcast_in_dim3A_87 = vector.broadcast %jit3A_85 : i32 to vector<16xi32>
      %broadcast_in_dim3A_88 = vector.broadcast %jit3A_86 : i32 to vector<16xi32>
      %select_n3A_89 = arith.select %and3A, %broadcast_in_dim3A_87, %broadcast_in_dim3A_88 : vector<16xi1>, vector<16xi32>
      %swap3A = arith.index_cast %mul3A_31 : i32 to index
      %swap3A_90 = tpu.vector_load %arg8[%swap3A] {strides = array<i32>} : memref<3136xi32, #tpu.memory_space<vmem>>, vector<16xi32>,
      tpu.vector_store %arg8[%swap3A], %select_n3A_89 {strides = array<i32>} : memref<3136xi32, #tpu.memory_space<vmem>>, vector<16xi32>,
      %scan3A_91 = arith.constant 0 : i32
      scf.yield %scan3A_91 : i32
    }
    %scan3A_27 = arith.constant 196 : i32
    "tpu.region"() ({
      %run_scoped3A = tpu.sem_alloc : memref<!tpu.dma_semaphore, #tpu.memory_space<semaphore_mem>>
      %dma_start3A_28 = tpu.memref_slice %arg4[%mul3A_2] : memref<100352xi32, #tpu.memory_space<hbm>> -> memref<3136xi32, #tpu.memory_space<hbm>>
      %dma_start3A_29 = tpu.memref_slice %arg4[%mul3A_2] : memref<100352xi32, #tpu.memory_space<hbm>> -> memref<3136xi32, #tpu.memory_space<hbm>>
      tpu.enqueue_dma source(%arg8 : memref<3136xi32, #tpu.memory_space<vmem>>) target(%dma_start3A_29 : memref<3136xi32, #tpu.memory_space<hbm>>) target_semaphore(%run_scoped3A : memref<!tpu.dma_semaphore, #tpu.memory_space<semaphore_mem>>)
      %dma_wait3A_30 = tpu.memref_slice %arg4[%mul3A_2] : memref<100352xi32, #tpu.memory_space<hbm>> -> memref<3136xi32, #tpu.memory_space<hbm>>
      %dma_wait3A_31 = tpu.memref_slice %arg4[%mul3A_2] : memref<100352xi32, #tpu.memory_space<hbm>> -> memref<3136xi32, #tpu.memory_space<hbm>>
      tpu.wait_dma2 semaphore(%run_scoped3A : memref<!tpu.dma_semaphore, #tpu.memory_space<semaphore_mem>>) src(%arg8 : memref<3136xi32, #tpu.memory_space<vmem>>) dst(%dma_wait3A_31 : memref<3136xi32, #tpu.memory_space<hbm>>)
      tpu.yield
    }) : () -> ()
    return
  }
}

</mosaic_0001>

<sc_bundles>
// kernel: kernel.4.cloned.1.call-start
scs
__scs_entry_jumppad:
0x0: {  	(pc) =	sbr.rel $0x88, $3  }
0x1: {  	(tag) =	ssettag $0x0;
	lr =	simm.s32 $0x1  }
0x2: {  	[smem:$0x3F9A] =	sst lr;
	_ =	strace $0xD0000000  }
0x3: {  	_ = 	snop  }
0x4: {  	_ = 	snop  }
0x5: {  	_ = 	snop  }
0x6: {  	_ = 	snop  }
0x7: {  	_ = 	snop  }
__scs_overlays_trampoline_lowered:
0x8: {  	[smem:$0x3FA9] =	sst s0  }
0x9: {  	[smem:$0x3FAA] =	sst s1  }
0xa: {  	[smem:$0x3FAB] =	sst s2  }
0xb: {  	[smem:$0x3FAC] =	sst s3  }
0xc: {  	[smem:$0x3FAD] =	sst s4  }
0xd: {  	[smem:$0x3FAE] =	sst s5  }
0xe: {  	[smem:$0x3FAF] =	sst s6  }
0xf: {  	[smem:$0x3FB0] =	sst s7  }
0x10: {  	[smem:$0x3FB1] =	sst s8  }
0x11: {  	[smem:$0x3FB2] =	sst s9;
	s0 =	simm.s32 @!p0 $0x0  }
0x12: {  	s1 =	sld [smem:$0x3F98];
	s0 =	simm.s32 @p0 $0x1  }
0x13: {  	[smem:$0x3FB3] =	sst s0;
	s0 =	simm.s32 @!p1 $0x0  }
0x14: {  	s2 =	sld [smem:$0x3F97];
	s0 =	simm.s32 @p1 $0x1  }
0x15: {  	[smem:$0x3FB4] =	sst s0;
	s0 =	simm.s32 @!p2 $0x0  }
0x16: {  	s3 =	sld [smem:$0x3FDB];
	s0 =	simm.s32 @p2 $0x1  }
0x17: {  	s4 =	simm.s32 $0x1BF5;
	[smem:$0x3FB6] =	sst s0  }
0x18: {  	s0 =	sld [smem:$0x3F99];
	_ =	swait.ge [sflag:s4], $0x0  }
0x19: {  	s7 =	sld [smem:$0x3F9A]  }
0x1a: {  	s8 =	sadd.s32 $0xFFFFE003, lr  }
0x1b: {  	s9 =	sadd.s32 $0xFFFFFEF7, lr;
	s5 =	simm.s32 $0xFFFFFFFF;
	p2 =	slt.u32 s8, $0xFFFFF086  }
0x1c: {  	p1 =	slt.u32 s9, $0xF7A;
	s5 =	simm.s32 @!p2 $0x0  }
0x1d: {  	s5 =	simm.s32 @p1 $0x1;
	p0 =	seq.s32 s7, s2  }
0x1e: {  	s7 =	smul.u32 @!p0 $0xF7A, s2;
	p2 =	seq.s32 @!p0 s5, $0x0  }
0x1f: {  	s9 =	smul.u32 $0xF7A, s1;
	s8 =	simm.s32 @!p0 $0x1BF5;
	p2 =	por !p2, p0  }
0x20: {  	[sflag:s8] =	ssyncset.s32 @!p0 $0xFFFFF086;
	s6 =	sadd.s32 @!p0 s3, s7;
	s7 =	simm.s32 @!p0 $0x108  }
0x21: {  	s3 =	sadd.s32 s3, s9;
	s6 =	sadd.s32 @!p0 $0x88, s6;
	s7 =	simm.s32 @p2 $0x1082  }
0x22: {  	[simem:s7], [sflag:s8] =	dma.local @!p0 [hbm:s6], $0xF7A  }
0x23: {  	s9 =	sor.u32 $0xD0000000, s2;
	s6 =	simm.s32 $0x108;
	_ =	swait.ge @!p0 [sflag:s8], $0x0  }
0x24: {  	s3 =	sadd.s32 $0x88, s3;
	s6 =	simm.s32 @!p1 $0x1082;
	[sflag:s4] =	ssyncset.s32 $0xFFFFF086  }
0x25: {  	[simem:s6], [sflag:s4] =	dma.local [hbm:s3], $0xF7A  }
0x26: {  	[smem:$0x3F9A] =	sst s1;
	(tag) =	ssettag s2;
	_ =	strace s9  }
0x27: {  	s1 =	sld [smem:$0x3FAA]  }
0x28: {  	s2 =	sld [smem:$0x3FAB]  }
0x29: {  	s4 =	sld [smem:$0x3FAD]  }
0x2a: {  	p0 =	seq.s32 s5, $0x0;
	s5 =	sld [smem:$0x3FAE]  }
0x2b: {  	s6 =	sld [smem:$0x3FAF]  }
0x2c: {  	s7 =	sld [smem:$0x3FB0]  }
0x2d: {  	s3 =	simm.s32 $0x108;
	s8 =	sld [smem:$0x3FB1]  }
0x2e: {  	s3 =	simm.s32 @!p0 $0x1082;
	s9 =	sld [smem:$0x3FB2]  }
0x2f: {  	lr =	sadd.s32 s0, s3;
	s0 =	sld [smem:$0x3FA9]  }
0x30: {  	s3 =	sld [smem:$0x3FAC]  }
0x31: {  	[smem:$0x3FB5] =	sst s10  }
0x32: {  	s10 =	sld [smem:$0x3FB3];
	_ =	sdelay $0x3  }
0x33: {  	p0 =	seq.s32 s10, $0x1;
	s10 =	sld [smem:$0x3FB5];
	_ =	sdelay $0x3  }
0x34: {  	[smem:$0x3FB5] =	sst s10  }
0x35: {  	s10 =	sld [smem:$0x3FB4];
	_ =	sdelay $0x3  }
0x36: {  	p1 =	seq.s32 s10, $0x1;
	s10 =	sld [smem:$0x3FB5];
	_ =	sdelay $0x3  }
0x37: {  	[smem:$0x3FB5] =	sst s10  }
0x38: {  	s10 =	sld [smem:$0x3FB6]  }
0x39: {  	_ = 	snop;
	(pc) =	sbr.ind lr, $3  }
0x3a: {  	_ = 	snop  }
0x3b: {  	_ = 	snop  }
0x3c: {  	p2 =	seq.s32 s10, $0x1;
	s10 =	sld [smem:$0x3FB5]  }
0x3d: {  	_ =	shalt  }
0x3e: {  	_ =	shalt  }
0x3f: {  	_ =	shalt  }
0x40: {  	_ =	shalt  }
0x41: {  	_ =	shalt  }
0x42: {  	_ =	shalt  }
0x43: {  	_ =	shalt  }
0x44: {  	_ =	shalt  }
0x45: {  	_ =	shalt  }
0x46: {  	_ =	shalt  }
0x47: {  	_ =	shalt  }
0x48: {  	_ =	shalt  }
0x49: {  	_ =	shalt  }
0x4a: {  	_ =	shalt  }
0x4b: {  	_ =	shalt  }
0x4c: {  	_ =	shalt  }
0x4d: {  	_ =	shalt  }
0x4e: {  	_ =	shalt  }
0x4f: {  	_ =	shalt  }
0x50: {  	_ =	shalt  }
0x51: {  	_ =	shalt  }
0x52: {  	_ =	shalt  }
0x53: {  	_ =	shalt  }
0x54: {  	_ =	shalt  }
0x55: {  	_ =	shalt  }
0x56: {  	_ =	shalt  }
0x57: {  	_ =	shalt  }
0x58: {  	_ =	shalt  }
0x59: {  	_ =	shalt  }
0x5a: {  	_ =	shalt  }
0x5b: {  	_ =	shalt  }
0x5c: {  	_ =	shalt  }
0x5d: {  	_ =	shalt  }
0x5e: {  	_ =	shalt  }
0x5f: {  	_ =	shalt  }
0x60: {  	_ =	shalt  }
0x61: {  	_ =	shalt  }
0x62: {  	_ =	shalt  }
0x63: {  	_ =	shalt  }
0x64: {  	_ =	shalt  }
0x65: {  	_ =	shalt  }
0x66: {  	_ =	shalt  }
0x67: {  	_ =	shalt  }
0x68: {  	_ =	shalt  }
0x69: {  	_ =	shalt  }
0x6a: {  	_ =	shalt  }
0x6b: {  	_ =	shalt  }
0x6c: {  	_ =	shalt  }
0x6d: {  	_ =	shalt  }
0x6e: {  	_ =	shalt  }
0x6f: {  	_ =	shalt  }
0x70: {  	_ =	shalt  }
0x71: {  	_ =	shalt  }
0x72: {  	_ =	shalt  }
0x73: {  	_ =	shalt  }
0x74: {  	_ =	shalt  }
0x75: {  	_ =	shalt  }
0x76: {  	_ =	shalt  }
0x77: {  	_ =	shalt  }
0x78: {  	_ =	shalt  }
0x79: {  	_ =	shalt  }
0x7a: {  	_ =	shalt  }
0x7b: {  	_ =	shalt  }
0x7c: {  	_ =	shalt  }
0x7d: {  	_ =	shalt  }
0x7e: {  	_ =	shalt  }
0x7f: {  	_ =	shalt  }
0x80: {  	_ =	shalt  }
0x81: {  	_ =	shalt  }
0x82: {  	_ =	shalt  }
0x83: {  	_ =	shalt  }
0x84: {  	_ =	shalt  }
0x85: {  	_ =	shalt  }
0x86: {  	_ =	shalt  }
0x87: {  	_ =	shalt  }
.Lfunc_end0:
.L_simem_size_0:
called_computation_lowered:
.L_overlay_start_0:
0x88: {  	s2 =	sld [smem:$0x3FD9]  }
0x89: {  	s3 =	sld [smem:$0x3FFE];
	_ =	sdelay $0x1  }
0x8a: {  	s1 =	srdreg.scid  }
0x8b: {  	s0 =	sand.u32 $0x1, s1  }
0x8c: {  	s14 =	sshll.u32 s0, $0xA;
	s2 =	sadd.s32 s3, s2  }
0x8d: {  	s2 =	sadd.s32 s2, s14  }
0x8e: {  	[smem:$0x3FC1] =	sst s2  }
0x8f: {  	_ = 	snop  }
0x90: {  	s2 =	sld [smem:$0x3FD0];
	_ =	sdelay $0x2  }
0x91: {  	s4 =	simm.s32 $0xA;
	s5 =	simm.s32 $0x10;
	s15 =	sld [smem:$0x3FC7]  }
0x92: {  	[smem:s5], [sflag:s4] =	dma.local [hbm:s2], $0x1  }
0x93: {  	_ =	swait.eq [sflag:s4], $0x1  }
0x94: {  	[sflag:s4] =	ssyncset.done $0x0  }
0x95: {  	s16 =	sld [smem:$0x10];
	[sflag:s4] =	ssyncadd.s32 $0xFFFFFFFF  }
0x96: {  	s17 =	sld [smem:$0x12];
	(tm) =	ssettm $0x1  }
0x97: {  	s18 =	sld [smem:$0x3FFB];
	_ =	sdelay $0x3  }
0x98: {  	_ =	strace s18  }
0x99: {  	s5 =	sld [smem:$0x3FFC];
	_ =	sdelay $0x3  }
0x9a: {  	_ =	strace s5  }
0x9b: {  	s5 =	sld [smem:$0x3FFD];
	_ =	sdelay $0x3  }
0x9c: {  	_ =	strace s5  }
0x9d: {  	_ =	strace $0x8FFFFFFF  }
0x9e: {  	s19 =	sld [smem:$0x3FDB];
	_ =	sdelay $0x1  }
0x9f: {  	s6 =	simm.s32 $_scs_section_size  }
0xa0: {  	s7 =	simm.s32 $_size__tile_overlayer_lowered;
	s8 =	simm.s32 $_tile_overlayer_lowered  }
0xa1: {  	s22 =	simm.s32 $0x1BFF;
	s21 =	sshll.u32 s8, $0x1;
	s5 =	sadd.s32 s6, s19  }
0xa2: {  	s9 =	simm.s32 $0x0;
	s20 =	sshll.u32 s7, $0x1;
	s7 =	sadd.s32 s21, s5  }
0xa3: {  	[timem:s9], [sflag:s22] =	dma.local [hbm:s7], s20  }
0xa4: {  	_ =	swait.ge [sflag:s22], s20  }
0xa5: {  	s6 =	ssub.s32 $0x0, s20;
	[sflag:s22] =	ssyncset.done $0x0  }
0xa6: {  	[sflag:s22] =	ssyncadd.s32 s6;
	_ =	sdelay $0x1  }
0xa7: {  	s23 =	simm.s32 $0x1B8B  }
0xa8: {  	_ =	swait.ge [sflag:s23], $0x1  }
0xa9: {  	[sflag:s23] =	ssyncset.done $0x0  }
0xaa: {  	s25 =	simm.s32 $0x1B8E;
	s24 =	sld [smem:$0x3FFE];
	[sflag:s23] =	ssyncadd.s32 $0xFFFFFFFF  }
0xab: {  	s26 =	simm.s32 $execute0_lowered;
	[smem:$0x3FD2] =	sst s25  }
0xac: {  	s7 =	sshll.u32 s26, $0x1;
	_ =	strace $0x80000046;
	[dreg:$0x1] =	wrdreg $0xFFFFFFFF  }
0xad: {  	s28 =	simm.s32 $_size_execute0_lowered;
	s5 =	sadd.s32 s5, s7;
	[dreg:$0x0] =	wrdreg $0x0  }
0xae: {  	s7 =	sshll.u32 s28, $0x1;
	[dreg:$0x2] =	wrdreg s5  }
0xaf: {  	[dreg:$0x3] =	wrdreg s7  }
0xb0: {  	[dreg:$0x4] =	wrdreg $0xC0  }
0xb1: {  	_ =	task [dreg:s9], $0x5FFFF  }
0xb2: {  	[dreg:$0x1] =	wrdreg $0xFFFFFFFF  }
0xb3: {  	[dreg:$0x0] =	wrdreg $0x60  }
0xb4: {  	[dreg:$0x2] =	wrdreg s16  }
0xb5: {  	[dreg:$0x3] =	wrdreg s24  }
0xb6: {  	[dreg:$0x4] =	wrdreg s15  }
0xb7: {  	[dreg:$0x5] =	wrdreg s17  }
0xb8: {  	[dreg:$0x6] =	wrdreg $0x0  }
0xb9: {  	[dreg:$0x7] =	wrdreg $0x9  }
0xba: {  	_ =	task.clear_ibuf [dreg:s9], $0x8FFFF;
	_ =	strace $0x90000046  }
0xbb: {  	s29 =	simm.s32 $0x9;
	_ =	strace $0x80000048  }
0xbc: {  	_ =	swait.ge [sflag:s29], $0x1  }
0xbd: {  	[sflag:s29] =	ssyncadd.s32 $0xFFFFFFFF  }
0xbe: {  	_ =	strace $0x90000048  }
0xbf: {  	_ =	sfence  }
0xc0: {  	s30 =	sld [smem:$0x0];
	_ =	sdelay $0x2  }
0xc1: {  	s31 =	sshll.u32 s1, $0xD;
	s1 =	sshrl.u32 s1, $0x2  }
0xc2: {  	s3 =	sand.u32 $0x4000, s31;
	s1 =	sadd.s32 s1, s30  }
0xc3: {  	s0 =	sor.u32 s3, s0;
	s1 =	sshll.u32 s1, $0x11  }
0xc4: {  	s0 =	sor.u32 s1, s0  }
0xc5: {  	s0 =	sadd.s32 $0x8F2B, s0  }
0xc6: {  	[sflag:s0] =	ssyncadd.remote.s32 $0x1  }
0xc7: {  	_ =	sfence.sel $0xFFFF  }
0xc8: {  	[dreg:$0x0] =	wrdreg $0xFFFFFFFF;
	(pc) =	sbr.abs _section_cstart, $3  }
0xc9: {  	[dreg:$0x1] =	wrdreg $0xFFFFFFFF  }
0xca: {  	_ =	task.clear_ibuf [dreg:s9], $0x2FFFF;
	_ =	strace $0x9FFFFFFF  }
0xcb: {  	(tm) =	ssettm $0x7FFFFFFF  }
tec
execute0_lowered:
.L_overlay_start_1:
0x0: {  	(tag) =	ssettag $0x1  }
0x1: {  	s0 =	rddreg [dreg:$0x1]  }
0x2: {  	s11 =	rddreg [dreg:$0x2]  }
0x3: {  	s14 =	rddreg [dreg:$0x4]  }
0x4: {  	s1 =	simm.s32 $0x0;
	s22 =	srdreg.scid;
	s16 =	stileid.u32  }
0x5: {  	s29 =	simm.s32 $0xD100;
	s30 =	simm.s32 $0xEA00;
	[smem:$0x7FF] =	sst s1  }
0x6: {  	s7 =	sadd.s32 $0x7400, s0;
	s1 =	sand.u32 $0x1, s22;
	s2 =	smul.u32 $0x6200, s16  }
0x7: {  	s8 =	sadd.s32 $0xA600, s0;
	s9 =	sadd.s32 $0x4200, s0;
	s25 =	smul.u32 $0x620, s16  }
0x8: {  	s10 =	sadd.s32 $0x1000, s0;
	s4 =	sadd.s32 $0xD800, s0;
	s28 =	smul.u32 $0x1880, s16  }
0x9: {  	s12 =	sadd.s32 $0x12400, s0;
	s13 =	sadd.s32 $0x10A00, s0;
	s3 =	smul.u32 $0x62000, s1  }
0xa: {  	_ =	strace $0x80000047;
	[dreg:$0x6] =	wrdreg s4;
	s6 =	smul.u32 $0x6200, s1  }
0xb: {  	s23 =	ssub.s32 $0x2, s1;
	s26 =	sshll.u32 s1, $0x4;
	s31 =	smul.u32 $0xC40, s1  }
0xc: {  	p0 =	sne.s32 s1, $0x0;
	s1 =	simm.s32 $0xDD80;
	s5 =	sshrl.u32 s23, $0x1  }
0xd: {  	s14 =	sadd.s32 s2, s14;
	s3 =	sadd.s32 s2, s3;
	s24 =	ssub.s32 s23, s5  }
0xe: {  	s5 =	sor.u32 s16, s26;
	s15 =	sadd.s32 s25, s6;
	s17 =	sadd.s32 $0x1880, s14  }
0xf: {  	s19 =	sadd.s32 $0x3100, s14;
	s2 =	sadd.s32 s13, s31;
	[dreg:$0x7] =	wrdreg s14  }
0x10: {  	s25 =	sadd.s32 $0x4980, s14;
	s31 =	sadd.s32 $0xC3400, s11;
	s6 =	simm.s32 $0x7  }
0x11: {  	s16 =	simm.s32 $0x2;
	s14 =	simm.s32 $0x5;
	s3 =	sshrl.u32 s3, $0x3  }
0x12: {  	[dreg:$0x8] =	wrdreg s2;
	s20 =	sshll.u32 s5, $0x9;
	s18 =	ssub.s32 $0x61A, s5  }
0x13: {  	s21 =	sor.u32 $0x40, s5;
	s22 =	smax.u32 s24, $0x1;
	[dreg:$0x11] =	wrdreg s31  }
0x14: {  	p1 =	sgt.u32 s5, $0x19;
	p2 =	sne.s32 s5, $0x1A;
	[dreg:$0xa] =	wrdreg s21  }
0x15: {  	s23 =	sor.u32 $0x20, s5;
	s24 =	sshrl.u32 s17, $0x3;
	[dreg:$0xc] =	wrdreg s22  }
0x16: {  	s26 =	sshrl.u32 s19, $0x3;
	s17 =	simm.s32 $0x3;
	[dreg:$0xd] =	wrdreg s23  }
0x17: {  	s0 =	sadd.s32 s3, s0;
	s2 =	sadd.s32 s11, s20;
	[dreg:$0xe] =	wrdreg s24  }
0x18: {  	s20 =	ssub.s32 $0x5FA, s5;
	[dreg:$0xf] =	wrdreg s26;
	s23 =	smov.u32 s11  }
.Ltmp0:
0x19: {  	s5 =	simm.s32 $0x1;
	s21 =	simm.s32 $0x4;
	(pc) =	sbr.rel .LBB2_1-.Ltmp0, $4  }
0x1a: {  	v0 =	vlaneseq.u32;
	s22 =	simm.s32 $0x11300;
	s24 =	simm.s32 $0x10F80;
	s26 =	simm.s32 $0x800  }
0x1b: {  	v0 =	vmul.u32 $0x4, v0;
	s11 =	simm.s32 $0x14780;
	[dreg:$0x9] =	wrdreg s2;
	s0 =	sadd.s32 $0x15600, s0  }
0x1c: {  	v1 =	vimm.s32 $0x0;
	v5 =	vimm.f32 $1.000000000e+00;
	s3 =	simm.s32 $0x0;
	[dreg:$0xb] =	wrdreg s0;
	s0 =	sshrl.u32 s25, $0x3  }
0x1d: {  	v2 =	vor.u32 $0x1, v0;
	v3 =	vor.u32 $0x2, v0;
	v4 =	vor.u32 $0x3, v0;
	s25 =	simm.s32 $0x6200;
	[dreg:$0x10] =	wrdreg s0;
	s0 =	simm.s32 $0xC480  }
.LBB2_18:
0x1e: {  	_ =	swait.ge [sflag:s14], $0x800  }
0x1f: {  	[sflag:s14] =	ssyncset.done $0x0  }
0x20: {  	s3 =	rddreg [dreg:$0x12];
	[sflag:s14] =	ssyncadd.s32 $0xFFFFF800  }
.LBB2_23:
0x21: {  	[bflag:$0x0] =	sbarrier.arrive $0xFFFF  }
0x22: {  	s2 =	rddreg [dreg:$0xb]  }
0x23: {  	s6 =	simm.s32 $0x7;
	s4 =	rddreg [dreg:$0x13]  }
0x24: {  	[hbm:s2], [sflag:s31] =	dma.local [spmem:s4], $0xC40  }
0x25: {  	_ =	swait.ge [sflag:s6], $0xC40  }
0x26: {  	s3 =	sadd.s32 $0x1, s3;
	s31 =	rddreg [dreg:$0xc]  }
0x27: {  	p3 =	sne.s32 s3, s31  }
.Ltmp1:
0x28: {  	_ = 	snop;
	(pc) =	sbr.rel @!p3 .LBB2_24-.Ltmp1, $3  }
0x29: {  	_ =	sdelay $0x1  }
0x2a: {  	[sflag:s6] =	ssyncset.done $0x0  }
0x2b: {  	[sflag:s6] =	ssyncadd.s32 $0xFFFFF3C0  }
.LBB2_1:
0x2c: {  	[dreg:$0x12] =	wrdreg s3  }
0x2d: {  	s2 =	rddreg [dreg:$0x0];
	s31 =	simm.s32 $0x0;
	s4 =	simm.s32 $0xC400  }
0x2e: {  	[tilespmem:s4], [sflag:$0x7] =	stream.linear.gather [hbm4b:s2+s31], $0x80, $0x38;
	[tilespmem:$0x14F80] =	vst v63  }
0x2f: {  	_ =	swait.ge [sflag:s6], $0x80  }
0x30: {  	[sflag:s6] =	ssyncset.done $0x0  }
0x31: {  	p4 =	por $0x1, $0x1;
	s3 =	simm.s32 $0x0;
	[sflag:s6] =	ssyncadd.s32 $0xFFFFFF80  }
.LBB2_2:
0x32: {  	s2 =	smul.u32 $0xC40, s3;
	_ =	sdelay $0x1  }
0x33: {  	s2 =	sadd.s32 s28, s2  }
0x34: {  	s31 =	sshrl.u32 s2, $0x3  }
0x35: {  	s4 =	simm.s32 $0x0;
	s2 =	sadd.s32 s7, s31  }
0x36: {  	[tilespmem:s0], [sflag:$0x1] =	stream.linear.gather [hbm4b:s2+s4], $0xC40, $0x38;
	[tilespmem:$0x14F80] =	vst v63  }
0x37: {  	s6 =	sadd.s32 s8, s31  }
0x38: {  	[tilespmem:s29], [sflag:$0x2] =	stream.linear.gather [hbm4b:s6+s4], $0xC40, $0x38;
	[tilespmem:$0x14F80] =	vst v63  }
0x39: {  	s19 =	sadd.s32 s9, s31  }
0x3a: {  	[tilespmem:s1], [sflag:$0x3] =	stream.linear.gather [hbm4b:s19+s4], $0xC40, $0x38;
	[tilespmem:$0x14F80] =	vst v63  }
0x3b: {  	s6 =	sadd.s32 s10, s31  }
0x3c: {  	[tilespmem:s30], [sflag:$0x4] =	stream.linear.gather [hbm4b:s6+s4], $0xC40, $0x38;
	[tilespmem:$0x14F80] =	vst v63  }
0x3d: {  	_ =	swait.ge [sflag:s5], $0xC40  }
0x3e: {  	[sflag:s5] =	ssyncset.done $0x0  }
0x3f: {  	[sflag:s5] =	ssyncadd.s32 $0xFFFFF3C0  }
0x40: {  	_ =	swait.ge [sflag:s16], $0xC40  }
0x41: {  	[sflag:s16] =	ssyncset.done $0x0  }
0x42: {  	[sflag:s16] =	ssyncadd.s32 $0xFFFFF3C0  }
0x43: {  	_ =	swait.ge [sflag:s17], $0xC40  }
0x44: {  	[sflag:s17] =	ssyncset.done $0x0  }
0x45: {  	[sflag:s17] =	ssyncadd.s32 $0xFFFFF3C0  }
0x46: {  	_ =	swait.ge [sflag:s21], $0xC40  }
0x47: {  	[sflag:s21] =	ssyncset.done $0x0  }
0x48: {  	[sflag:s21] =	ssyncadd.s32 $0xFFFFF3C0  }
0x49: {  	s19 =	simm.s32 $0x0;
	v6 =	vld [tilespmem:$0xC400]  }
0x4a: {  	v7 =	vld [tilespmem:s19+$0xC480];
	_ =	sdelay $0x1  }
0x4b: {  	v8 =	vld [tilespmem:s19+$0xD100];
	_ =	sdelay $0x1  }
0x4c: {  	v9 =	vld [tilespmem:s19+$0xDD80]  }
0x4d: {  	v6 =	vsub.f32 v7, v6;
	v7 =	vld [tilespmem:s19+$0xEA00];
	_ =	sdelay $0x1  }
0x4e: {  	v8 =	vadd.s32 $0x1, v8;
	vm0 =	vle.f32 v6, $0.0e+00  }
0x4f: {  	vm1 =	vlt.s32 v8, $0xA;
	vm0 =	vmneg vm0  }
0x50: {  	vm2 =	vne.s32 v9, $0x0;
	vm0 =	vmor vm0, vm1  }
0x51: {  	vm15 =	vne.s32 v7, $0x0;
	vm0 =	vmor vm2, vm0  }
0x52: {  	vm0 =	vmand vm15, vm0  }
0x53: {  	vm1 =	vmneg vm0  }
0x54: {  	v8 =	vsel vm2, $0x2, v1;
	[tilespmem:s19+$0xF680] =	vst v6;
	v7 =	vsel vm0, $0x1, v1;
	v6 =	vsel vm1, $0x1, v1  }
0x55: {  	[tilespmem:s19+$0x10300] =	vst v7;
	v6 =	vor.u32 v6, v8  }
0x56: {  	[tilespmem:$0x11300] =	vst v6;
	v6 =	vld [tilespmem:$0xC400]  }
0x57: {  	v7 =	vld [tilespmem:s19+$0xC490];
	_ =	sdelay $0x1  }
0x58: {  	v8 =	vld [tilespmem:s19+$0xD110];
	_ =	sdelay $0x1  }
0x59: {  	v60 =	vld [tilespmem:s19+$0xDD90]  }
0x5a: {  	v6 =	vsub.f32 v7, v6;
	v7 =	vld [tilespmem:s19+$0xEA10];
	_ =	sdelay $0x1  }
0x5b: {  	v8 =	vadd.s32 $0x1, v8;
	vm4 =	vle.f32 v6, $0.0e+00  }
0x5c: {  	vm5 =	vlt.s32 v8, $0xA;
	vm0 =	vmneg vm4  }
0x5d: {  	vm6 =	vne.s32 v60, $0x0;
	vm0 =	vmor vm0, vm5  }
0x5e: {  	vm7 =	vne.s32 v7, $0x0;
	vm0 =	vmor vm6, vm0  }
0x5f: {  	vm0 =	vmand vm7, vm0  }
0x60: {  	vm1 =	vmneg vm0  }
0x61: {  	v8 =	vsel vm6, $0x2, v1;
	[tilespmem:s19+$0xF690] =	vst v6;
	v7 =	vsel vm0, $0x1, v1;
	v6 =	vsel vm1, $0x1, v1  }
0x62: {  	[tilespmem:s19+$0x10310] =	vst v7;
	v6 =	vor.u32 v6, v8  }
0x63: {  	[tilespmem:$0x11310] =	vst v6;
	v6 =	vld [tilespmem:$0xC400]  }
0x64: {  	v7 =	vld [tilespmem:s19+$0xC4A0];
	_ =	sdelay $0x1  }
0x65: {  	v8 =	vld [tilespmem:s19+$0xD120];
	_ =	sdelay $0x1  }
0x66: {  	v61 =	vld [tilespmem:s19+$0xDDA0]  }
0x67: {  	v6 =	vsub.f32 v7, v6;
	v7 =	vld [tilespmem:s19+$0xEA20];
	_ =	sdelay $0x1  }
0x68: {  	v8 =	vadd.s32 $0x1, v8;
	vm8 =	vle.f32 v6, $0.0e+00  }
0x69: {  	vm9 =	vlt.s32 v8, $0xA;
	vm0 =	vmneg vm8  }
0x6a: {  	vm10 =	vne.s32 v61, $0x0;
	vm0 =	vmor vm0, vm9  }
0x6b: {  	vm11 =	vne.s32 v7, $0x0;
	vm0 =	vmor vm10, vm0  }
0x6c: {  	vm0 =	vmand vm11, vm0  }
0x6d: {  	vm1 =	vmneg vm0  }
0x6e: {  	v8 =	vsel vm10, $0x2, v1;
	[tilespmem:s19+$0xF6A0] =	vst v6;
	v7 =	vsel vm0, $0x1, v1;
	v6 =	vsel vm1, $0x1, v1  }
0x6f: {  	[tilespmem:s19+$0x10320] =	vst v7;
	v6 =	vor.u32 v6, v8  }
0x70: {  	[tilespmem:$0x11320] =	vst v6;
	v6 =	vld [tilespmem:$0xC400]  }
0x71: {  	v7 =	vld [tilespmem:s19+$0xC4B0];
	_ =	sdelay $0x1  }
0x72: {  	v8 =	vld [tilespmem:s19+$0xD130];
	_ =	sdelay $0x1  }
0x73: {  	v62 =	vld [tilespmem:s19+$0xDDB0]  }
0x74: {  	v10 =	vld [tilespmem:s19+$0xEA30];
	v6 =	vsub.f32 v7, v6;
	_ =	sdelay $0x1  }
0x75: {  	v7 =	vadd.s32 $0x1, v8;
	vm12 =	vle.f32 v6, $0.0e+00  }
0x76: {  	vm13 =	vlt.s32 v7, $0xA;
	vm0 =	vmneg vm12  }
0x77: {  	vm14 =	vne.s32 v62, $0x0;
	vm0 =	vmor vm0, vm13  }
0x78: {  	vm15 =	vne.s32 v10, $0x0;
	vm0 =	vmor vm14, vm0  }
0x79: {  	vm0 =	vmand vm15, vm0  }
0x7a: {  	vm1 =	vmneg vm0  }
0x7b: {  	v8 =	vsel vm14, $0x2, v1;
	[tilespmem:s19+$0xF6B0] =	vst v6;
	v6 =	vsel vm0, $0x1, v1;
	v7 =	vsel vm1, $0x1, v1  }
0x7c: {  	[tilespmem:s19+$0x10330] =	vst v6;
	v6 =	vor.u32 v7, v8  }
0x7d: {  	[tilespmem:$0x11330] =	vst v6  }
0x7e: {  	v6 =	vld.idx.msk [tilespmem:v0+s22+$0x0], $0xffff  }
0x7f: {  	v7 =	vld.idx.msk [tilespmem:v2+s22+$0x0], $0xffff  }
0x80: {  	v8 =	vld.idx.msk [tilespmem:v3+s22+$0x0], $0xffff  }
0x81: {  	v63 =	vld.idx.msk [tilespmem:v4+s22+$0x0], $0xffff;
	_ =	sdelay $0x2  }
0x82: {  	v7 =	vshll.u32 v7, $0x8  }
0x83: {  	p3 =	por p4, p4;
	v6 =	vor.u32 v6, v7;
	v7 =	vshll.u32 v8, $0x10  }
0x84: {  	s2 =	simm.s32 $0x10F80;
	s4 =	simm.s32 $0x10F80;
	s6 =	simm.s32 $0x100;
	v6 =	vor.u32 v7, v6;
	v7 =	vshll.u32 v63, $0x18  }
.LBB2_3:
0x85: {  	p4 =	sne.s32 s6, $0x3000  }
0x86: {  	v6 =	vor.u32 v7, v6;
	s4 =	sadd.s32 $0x10, s4;
	s19 =	smov.u32 s6;
	s6 =	sadd.s32 $0x100, s6  }
0x87: {  	[tilespmem:s2+$0x0] =	vst v6;
	s2 =	smov.u32 s4  }
0x88: {  	s19 =	sshra.s32 s19, $0x2;
	v6 =	vld [tilespmem:$0xC400]  }
0x89: {  	v7 =	vld [tilespmem:s19+$0xC480];
	_ =	sdelay $0x1  }
0x8a: {  	v8 =	vld [tilespmem:s19+$0xD100];
	_ =	sdelay $0x1  }
0x8b: {  	v9 =	vld [tilespmem:s19+$0xDD80]  }
0x8c: {  	v6 =	vsub.f32 v7, v6;
	v7 =	vld [tilespmem:s19+$0xEA00];
	_ =	sdelay $0x1  }
0x8d: {  	vm0 =	vle.f32 v6, $0.0e+00;
	v8 =	vadd.s32 $0x1, v8  }
0x8e: {  	vm0 =	vmneg vm0;
	vm1 =	vlt.s32 v8, $0xA  }
0x8f: {  	vm2 =	vne.s32 v9, $0x0;
	vm0 =	vmor vm0, vm1  }
0x90: {  	vm1 =	vne.s32 v7, $0x0;
	vm0 =	vmor vm2, vm0  }
0x91: {  	vm0 =	vmand vm1, vm0  }
0x92: {  	v7 =	vsel vm0, $0x1, v1;
	vm0 =	vmneg vm0  }
0x93: {  	v8 =	vsel vm2, $0x2, v1;
	[tilespmem:s19+$0xF680] =	vst v6;
	v6 =	vsel vm0, $0x1, v1  }
0x94: {  	[tilespmem:s19+$0x10300] =	vst v7;
	v6 =	vor.u32 v6, v8  }
0x95: {  	[tilespmem:$0x11300] =	vst v6;
	v6 =	vld [tilespmem:$0xC400]  }
0x96: {  	v7 =	vld [tilespmem:s19+$0xC490];
	_ =	sdelay $0x1  }
0x97: {  	v8 =	vld [tilespmem:s19+$0xD110];
	_ =	sdelay $0x1  }
0x98: {  	v9 =	vld [tilespmem:s19+$0xDD90]  }
0x99: {  	v6 =	vsub.f32 v7, v6;
	v7 =	vld [tilespmem:s19+$0xEA10];
	_ =	sdelay $0x1  }
0x9a: {  	vm0 =	vle.f32 v6, $0.0e+00;
	v8 =	vadd.s32 $0x1, v8  }
0x9b: {  	vm0 =	vmneg vm0;
	vm1 =	vlt.s32 v8, $0xA  }
0x9c: {  	vm2 =	vne.s32 v9, $0x0;
	vm0 =	vmor vm0, vm1  }
0x9d: {  	vm1 =	vne.s32 v7, $0x0;
	vm0 =	vmor vm2, vm0  }
0x9e: {  	vm0 =	vmand vm1, vm0  }
0x9f: {  	v7 =	vsel vm0, $0x1, v1;
	vm0 =	vmneg vm0  }
0xa0: {  	v8 =	vsel vm2, $0x2, v1;
	[tilespmem:s19+$0xF690] =	vst v6;
	v6 =	vsel vm0, $0x1, v1  }
0xa1: {  	[tilespmem:s19+$0x10310] =	vst v7;
	v6 =	vor.u32 v6, v8  }
0xa2: {  	[tilespmem:$0x11310] =	vst v6;
	v6 =	vld [tilespmem:$0xC400]  }
0xa3: {  	v7 =	vld [tilespmem:s19+$0xC4A0];
	_ =	sdelay $0x1  }
0xa4: {  	v8 =	vld [tilespmem:s19+$0xD120];
	_ =	sdelay $0x1  }
0xa5: {  	v9 =	vld [tilespmem:s19+$0xDDA0]  }
0xa6: {  	v6 =	vsub.f32 v7, v6;
	v7 =	vld [tilespmem:s19+$0xEA20];
	_ =	sdelay $0x1  }
0xa7: {  	vm0 =	vle.f32 v6, $0.0e+00;
	v8 =	vadd.s32 $0x1, v8  }
0xa8: {  	vm0 =	vmneg vm0;
	vm1 =	vlt.s32 v8, $0xA  }
0xa9: {  	vm2 =	vne.s32 v9, $0x0;
	vm0 =	vmor vm0, vm1  }
0xaa: {  	vm1 =	vne.s32 v7, $0x0;
	vm0 =	vmor vm2, vm0  }
0xab: {  	vm0 =	vmand vm1, vm0  }
0xac: {  	v7 =	vsel vm0, $0x1, v1;
	vm0 =	vmneg vm0  }
0xad: {  	v8 =	vsel vm2, $0x2, v1;
	[tilespmem:s19+$0xF6A0] =	vst v6;
	v6 =	vsel vm0, $0x1, v1  }
0xae: {  	[tilespmem:s19+$0x10320] =	vst v7;
	v6 =	vor.u32 v6, v8  }
0xaf: {  	[tilespmem:$0x11320] =	vst v6;
	v6 =	vld [tilespmem:$0xC400]  }
0xb0: {  	v7 =	vld [tilespmem:s19+$0xC4B0]  }
0xb1: {  	v8 =	vld [tilespmem:s19+$0xD130]  }
0xb2: {  	v9 =	vld [tilespmem:s19+$0xDDB0]  }
0xb3: {  	v10 =	vld [tilespmem:s19+$0xEA30];
	_ =	sdelay $0x1  }
0xb4: {  	v6 =	vsub.f32 v7, v6  }
0xb5: {  	v7 =	vadd.s32 $0x1, v8  }
0xb6: {  	vm0 =	vle.f32 v6, $0.0e+00;
	[tilespmem:s19+$0xF6B0] =	vst v6  }
0xb7: {  	vm1 =	vlt.s32 v7, $0xA;
	vm0 =	vmneg vm0  }
0xb8: {  	vm2 =	vne.s32 v9, $0x0;
	vm0 =	vmor vm0, vm1  }
0xb9: {  	vm1 =	vne.s32 v10, $0x0;
	vm0 =	vmor vm2, vm0  }
0xba: {  	vm0 =	vmand vm1, vm0  }
0xbb: {  	v6 =	vsel vm0, $0x1, v1;
	vm0 =	vmneg vm0  }
0xbc: {  	v7 =	vsel vm2, $0x2, v1;
	[tilespmem:s19+$0x10330] =	vst v6;
	v6 =	vsel vm0, $0x1, v1  }
0xbd: {  	v6 =	vor.u32 v6, v7  }
0xbe: {  	[tilespmem:$0x11330] =	vst v6  }
0xbf: {  	v6 =	vld.idx.msk [tilespmem:v0+s22+$0x0], $0xffff  }
0xc0: {  	v7 =	vld.idx.msk [tilespmem:v2+s22+$0x0], $0xffff  }
0xc1: {  	v8 =	vld.idx.msk [tilespmem:v3+s22+$0x0], $0xffff  }
0xc2: {  	v9 =	vld.idx.msk [tilespmem:v4+s22+$0x0], $0xffff;
	_ =	sdelay $0x1  }
.Ltmp2:
0xc3: {  	(pc) =	sbr.rel @p4 .LBB2_3-.Ltmp2, $4  }
0xc4: {  	_ = 	snop  }
0xc5: {  	v7 =	vshll.u32 v7, $0x8  }
0xc6: {  	v6 =	vor.u32 v6, v7;
	v7 =	vshll.u32 v8, $0x10  }
0xc7: {  	v6 =	vor.u32 v7, v6;
	v7 =	vshll.u32 v9, $0x18  }
0xc8: {  	s3 =	smul.u32 $0x310, s3;
	_ =	sdelay $0x1  }
0xc9: {  	s3 =	sadd.s32 s3, s15  }
0xca: {  	v6 =	vor.u32 v7, v6;
	s3 =	sshrl.u32 s3, $0x3  }
0xcb: {  	s19 =	simm.s32 $0x0;
	[tilespmem:s2+$0x0] =	vst v6;
	s2 =	rddreg [dreg:$0x3];
	s6 =	sadd.s32 s13, s3  }
0xcc: {  	[hbm4b:s6+s19] =	stream.linear.scatter [tilespmem:s24], [sflag:$0x1], $0x310, $0x38;
	[tilespmem:$0x14F80] =	vst v63  }
0xcd: {  	s4 =	simm.s32 @!p0 $0xF680;
	s2 =	sadd.s32 @!p0 s2, s31;
	s3 =	simm.s32 @!p0 $0x0  }
0xce: {  	[hbm4b:s2+s3] =	stream.linear.scatter @!p0 [tilespmem:s4], [sflag:$0x2], $0xC40, $0x38;
	[tilespmem:$0x14F80] =	vst v63  }
0xcf: {  	s2 =	sadd.s32 @!p0 s12, s31;
	s4 =	simm.s32 @!p0 $0x10300  }
0xd0: {  	[hbm4b:s2+s3] =	stream.linear.scatter @!p0 [tilespmem:s4], [sflag:$0x3], $0xC40, $0x38;
	[tilespmem:$0x14F80] =	vst v63  }
0xd1: {  	s2 =	simm.s32 @!p0 $0x2  }
0xd2: {  	_ =	swait.ge @!p0 [sflag:s2], $0xC40  }
0xd3: {  	[sflag:s2] =	ssyncset.done @!p0 $0x0  }
0xd4: {  	[sflag:s2] =	ssyncadd.s32 @!p0 $0xFFFFF3C0;
	s2 =	simm.s32 @!p0 $0x3  }
0xd5: {  	_ =	swait.ge @!p0 [sflag:s2], $0xC40  }
.Ltmp3:
0xd6: {  	[sflag:s2] =	ssyncset.done @!p0 $0x0;
	(pc) =	sbr.rel @p3 .LBB2_2-.Ltmp3, $4  }
0xd7: {  	s3 =	simm.s32 $0x1;
	[sflag:s2] =	ssyncadd.s32 @!p0 $0xFFFFF3C0  }
0xd8: {  	_ =	swait.ge [sflag:s3], $0x310  }
0xd9: {  	[sflag:s3] =	ssyncset.done $0x0  }
0xda: {  	p4 =	por $0x0, $0x0;
	[sflag:s3] =	ssyncadd.s32 $0xFFFFFCF0  }
0xdb: {  	s2 =	stileid.u32  }
0xdc: {  	s6 =	rddreg [dreg:$0x7];
	s2 =	sshll.u32 s2, $0x6  }
0xdd: {  	s3 =	sshrl.u32 s6, $0x3;
	s31 =	sor.u32 $0x1C07, s2;
	s2 =	rddreg [dreg:$0x6]  }
0xde: {  	s4 =	simm.s32 $0x7;
	[dreg:$0x13] =	wrdreg s3  }
0xdf: {  	[spmem:s3], [sflag:s31] =	dma.local [hbm:s2], $0x310  }
0xe0: {  	_ =	swait.ge [sflag:s4], $0x310  }
0xe1: {  	[sflag:s4] =	ssyncset.done $0x0  }
0xe2: {  	s19 =	rddreg [dreg:$0xe];
	[sflag:s4] =	ssyncadd.s32 $0xFFFFFCF0  }
0xe3: {  	[spmem:s19], [sflag:s31] =	dma.local [hbm:s2], $0x310  }
0xe4: {  	_ =	swait.ge [sflag:s4], $0x310  }
0xe5: {  	[sflag:s4] =	ssyncset.done $0x0  }
0xe6: {  	s6 =	rddreg [dreg:$0xf];
	[sflag:s4] =	ssyncadd.s32 $0xFFFFFCF0  }
0xe7: {  	[spmem:s6], [sflag:s31] =	dma.local [hbm:s2], $0x310  }
0xe8: {  	_ =	swait.ge [sflag:s4], $0x310  }
0xe9: {  	[sflag:s4] =	ssyncset.done $0x0  }
0xea: {  	s19 =	rddreg [dreg:$0x10];
	[sflag:s4] =	ssyncadd.s32 $0xFFFFFCF0  }
0xeb: {  	[spmem:s19], [sflag:s31] =	dma.local [hbm:s2], $0x310  }
0xec: {  	_ =	swait.ge [sflag:s4], $0x310  }
0xed: {  	[sflag:s4] =	ssyncset.done $0x0  }
0xee: {  	s3 =	simm.s32 $0x0;
	s2 =	simm.s32 $0x40;
	[sflag:s4] =	ssyncadd.s32 $0xFFFFFCF0  }
.LBB2_6:
0xef: {  	p3 =	sne.s32 s2, $0x1FC0;
	[tilespmem:s3+$0x14780] =	vst v5;
	s3 =	smov.u32 s2;
	s2 =	sadd.s32 $0x40, s2  }
.Ltmp4:
0xf0: {  	(pc) =	sbr.rel @p3 .LBB2_6-.Ltmp4, $2  }
0xf1: {  	_ =	sdelay $0x2  }
0xf2: {  	s3 =	sshra.s32 s3, $0x2  }
0xf3: {  	[tilespmem:s3+$0x14780] =	vst v5  }
0xf4: {  	[bflag:$0x0] =	sbarrier.arrive $0xFFFF  }
0xf5: {  	s3 =	simm.s32 $0x0;
	s2 =	rddreg [dreg:$0x8]  }
0xf6: {  	[tilespmem:s25], [sflag:$0x7] =	stream.linear.gather [hbm4b:s2+s3], $0x6200, $0x38;
	[tilespmem:$0x14F80] =	vst v63  }
.Ltmp5:
0xf7: {  	s6 =	simm.s32 $0x7;
	(pc) =	sbr.rel .LBB2_8-.Ltmp5, $4  }
0xf8: {  	_ =	swait.ge [sflag:s6], $0x6200  }
0xf9: {  	[sflag:s6] =	ssyncset.done $0x0  }
0xfa: {  	s4 =	simm.s32 $0x11380;
	s19 =	rddreg [dreg:$0x9];
	[sflag:s6] =	ssyncadd.s32 $0xFFFF9E00  }
0xfb: {  	[tilespmem:s4], [sflag:$0x1] =	stream.linear.gather [hbm4b:s19+s3], $0x1000, $0x38;
	[tilespmem:$0x14F80] =	vst v63  }
.LBB2_16:
0xfc: {  	s3 =	sadd.s32 $0x1, s3  }
0xfd: {  	p3 =	sne.s32 s3, $0x19  }
.Ltmp6:
0xfe: {  	_ = 	snop;
	(pc) =	sbr.rel @!p3 .LBB2_17-.Ltmp6, $1  }
0xff: {  	_ =	sdelay $0x3  }
.LBB2_8:
0x100: {  	s2 =	sshll.u32 s3, $0x6  }
0x101: {  	p3 =	sge.u32 s2, s18  }
.Ltmp7:
0x102: {  	_ = 	snop;
	(pc) =	sbr.rel @p3 .LBB2_12-.Ltmp7, $1  }
0x103: {  	_ =	sdelay $0x3  }
0x104: {  	_ =	swait.ge [sflag:s5], $0x1000  }
0x105: {  	p3 =	seq.s32 s3, $0x0;
	[sflag:s5] =	ssyncset.done $0x0  }
0x106: {  	s4 =	simm.s32 @!p3 $0x6;
	[sflag:s5] =	ssyncadd.s32 $0xFFFFF000  }
0x107: {  	_ =	swait.ge @!p3 [sflag:s4], $0x800  }
0x108: {  	s6 =	rddreg [dreg:$0xd]  }
0x109: {  	s6 =	sor.u32 s6, s2  }
0x10a: {  	[sflag:s4] =	ssyncset.done @!p3 $0x0;
	p4 =	sgt.u32 s6, $0x619  }
0x10b: {  	[sflag:s4] =	ssyncadd.s32 @!p3 $0xFFFFF800;
	s4 =	sshll.u32 @!p4 s6, $0x9  }
0x10c: {  	s6 =	simm.s32 @!p4 $0x0;
	s19 =	simm.s32 @!p4 $0x12380;
	s4 =	sadd.s32 @!p4 s23, s4  }
0x10d: {  	[tilespmem:s19], [sflag:$0x2] =	stream.linear.gather @!p4 [hbm4b:s4+s6], $0x1000, $0x38;
	[tilespmem:$0x14F80] =	vst v63  }
0x10e: {  	s4 =	simm.s32 $0x0;
	s6 =	simm.s32 $0x11400  }
.LBB2_10:
0x10f: {  	v6 =	vld [tilespmem:s6+$0x0];
	_ =	sdelay $0x4  }
0x110: {  	v7 =	vshra.s32 v6, $0x2;
	_ =	sdelay $0x4  }
0x111: {  	v7 =	vld.idx.msk [tilespmem:v7+s25+$0x0], $0xffff  }
0x112: {  	v8 =	vld [tilespmem:s6+$0xFFFFFF80];
	_ =	sdelay $0x1  }
0x113: {  	v6 =	vshll.u32 v6, $0x3  }
0x114: {  	v6 =	vand.u32 $0x18, v6  }
0x115: {  	v6 =	vshra.s32 v7, v6  }
0x116: {  	v7 =	vshll.u32 v8, $0x2;
	v6 =	vand.u32 $0x3, v6  }
0x117: {  	s19 =	sshra.s32 s4, $0x2;
	v6 =	vor.u32 v7, v6  }
0x118: {  	[tilespmem:s19+$0x13380] =	vst v6  }
0x119: {  	v6 =	vld [tilespmem:s6+$0x10];
	_ =	sdelay $0x4  }
0x11a: {  	v7 =	vshra.s32 v6, $0x2;
	_ =	sdelay $0x4  }
0x11b: {  	v7 =	vld.idx.msk [tilespmem:v7+s25+$0x0], $0xffff  }
0x11c: {  	v57 =	vld [tilespmem:s6+$0xFFFFFF90];
	_ =	sdelay $0x1  }
0x11d: {  	v6 =	vshll.u32 v6, $0x3  }
0x11e: {  	v6 =	vand.u32 $0x18, v6  }
0x11f: {  	v6 =	vshra.s32 v7, v6  }
0x120: {  	v7 =	vshll.u32 v57, $0x2;
	v6 =	vand.u32 $0x3, v6  }
0x121: {  	v6 =	vor.u32 v7, v6  }
0x122: {  	[tilespmem:s19+$0x13390] =	vst v6  }
0x123: {  	v6 =	vld [tilespmem:s6+$0x20];
	_ =	sdelay $0x4  }
0x124: {  	v7 =	vshra.s32 v6, $0x2;
	_ =	sdelay $0x4  }
0x125: {  	v7 =	vld.idx.msk [tilespmem:v7+s25+$0x0], $0xffff  }
0x126: {  	v58 =	vld [tilespmem:s6+$0xFFFFFFA0];
	_ =	sdelay $0x1  }
0x127: {  	v6 =	vshll.u32 v6, $0x3  }
0x128: {  	v6 =	vand.u32 $0x18, v6  }
0x129: {  	v6 =	vshra.s32 v7, v6  }
0x12a: {  	v7 =	vshll.u32 v58, $0x2;
	v6 =	vand.u32 $0x3, v6  }
0x12b: {  	v6 =	vor.u32 v7, v6  }
0x12c: {  	[tilespmem:s19+$0x133A0] =	vst v6  }
0x12d: {  	v6 =	vld [tilespmem:s6+$0x30];
	_ =	sdelay $0x4  }
0x12e: {  	v7 =	vshra.s32 v6, $0x2;
	_ =	sdelay $0x4  }
0x12f: {  	v7 =	vld.idx.msk [tilespmem:v7+s25+$0x0], $0xffff  }
0x130: {  	v59 =	vld [tilespmem:s6+$0xFFFFFFB0];
	_ =	sdelay $0x1  }
0x131: {  	v6 =	vshll.u32 v6, $0x3  }
0x132: {  	v6 =	vand.u32 $0x18, v6  }
0x133: {  	v6 =	vshra.s32 v7, v6  }
0x134: {  	v7 =	vshll.u32 v59, $0x2;
	v6 =	vand.u32 $0x3, v6  }
0x135: {  	v6 =	vor.u32 v7, v6  }
0x136: {  	[tilespmem:s19+$0x133B0] =	vst v6  }
0x137: {  	v6 =	vld [tilespmem:s6+$0x40];
	_ =	sdelay $0x4  }
0x138: {  	v7 =	vshra.s32 v6, $0x2;
	_ =	sdelay $0x4  }
0x139: {  	v7 =	vld.idx.msk [tilespmem:v7+s25+$0x0], $0xffff  }
0x13a: {  	v60 =	vld [tilespmem:s6+$0xFFFFFFC0];
	_ =	sdelay $0x1  }
0x13b: {  	v6 =	vshll.u32 v6, $0x3  }
0x13c: {  	v6 =	vand.u32 $0x18, v6  }
0x13d: {  	v6 =	vshra.s32 v7, v6  }
0x13e: {  	v7 =	vshll.u32 v60, $0x2;
	v6 =	vand.u32 $0x3, v6  }
0x13f: {  	v6 =	vor.u32 v7, v6  }
0x140: {  	[tilespmem:s19+$0x133C0] =	vst v6  }
0x141: {  	v6 =	vld [tilespmem:s6+$0x50];
	_ =	sdelay $0x4  }
0x142: {  	v7 =	vshra.s32 v6, $0x2;
	_ =	sdelay $0x4  }
0x143: {  	v7 =	vld.idx.msk [tilespmem:v7+s25+$0x0], $0xffff  }
0x144: {  	v61 =	vld [tilespmem:s6+$0xFFFFFFD0];
	_ =	sdelay $0x1  }
0x145: {  	v6 =	vshll.u32 v6, $0x3  }
0x146: {  	v6 =	vand.u32 $0x18, v6  }
0x147: {  	v6 =	vshra.s32 v7, v6  }
0x148: {  	v7 =	vshll.u32 v61, $0x2;
	v6 =	vand.u32 $0x3, v6  }
0x149: {  	v6 =	vor.u32 v7, v6  }
0x14a: {  	[tilespmem:s19+$0x133D0] =	vst v6  }
0x14b: {  	v6 =	vld [tilespmem:s6+$0x60];
	_ =	sdelay $0x4  }
0x14c: {  	v7 =	vshra.s32 v6, $0x2;
	_ =	sdelay $0x4  }
0x14d: {  	v7 =	vld.idx.msk [tilespmem:v7+s25+$0x0], $0xffff  }
0x14e: {  	v62 =	vld [tilespmem:s6+$0xFFFFFFE0];
	_ =	sdelay $0x1  }
0x14f: {  	v6 =	vshll.u32 v6, $0x3  }
0x150: {  	v6 =	vand.u32 $0x18, v6  }
0x151: {  	v6 =	vshra.s32 v7, v6  }
0x152: {  	v7 =	vshll.u32 v62, $0x2;
	v6 =	vand.u32 $0x3, v6  }
0x153: {  	v6 =	vor.u32 v7, v6  }
0x154: {  	[tilespmem:s19+$0x133E0] =	vst v6  }
0x155: {  	v6 =	vld [tilespmem:s6+$0x70];
	_ =	sdelay $0x4  }
0x156: {  	v7 =	vshra.s32 v6, $0x2;
	_ =	sdelay $0x4  }
0x157: {  	v7 =	vld.idx.msk [tilespmem:v7+s25+$0x0], $0xffff  }
0x158: {  	v63 =	vld [tilespmem:s6+$0xFFFFFFF0];
	_ =	sdelay $0x1  }
0x159: {  	p3 =	sne.s32 s4, $0x1E00;
	v6 =	vshll.u32 v6, $0x3  }
.Ltmp8:
0x15a: {  	v6 =	vand.u32 $0x18, v6;
	(pc) =	sbr.rel @p3 .LBB2_10-.Ltmp8, $4  }
0x15b: {  	v6 =	vshra.s32 v7, v6  }
0x15c: {  	v7 =	vshll.u32 v63, $0x2;
	v6 =	vand.u32 $0x3, v6  }
0x15d: {  	v6 =	vor.u32 v7, v6  }
0x15e: {  	s4 =	sadd.s32 $0x200, s4;
	s6 =	sadd.s32 $0x100, s6;
	[tilespmem:s19+$0x133F0] =	vst v6  }
0x15f: {  	s4 =	rddreg [dreg:$0x4];
	s6 =	simm.s32 $0x13380  }
0x160: {  	[spmem:s4] =	stream.indirect.scatter.add.f32 [tilespmem:s11], [sflag:$0x5], $0x1, s6, s26, $0xb8;
	[tilespmem:$0x14F80] =	vst v63  }
.LBB2_12:
0x161: {  	p3 =	sge.u32 s2, s20  }
.Ltmp9:
0x162: {  	_ = 	snop;
	(pc) =	sbr.rel @p3 .LBB2_16-.Ltmp9, $1  }
0x163: {  	_ =	sdelay $0x3  }
0x164: {  	_ =	swait.ge [sflag:s16], $0x1000  }
0x165: {  	[sflag:s16] =	ssyncset.done $0x0  }
0x166: {  	[sflag:s16] =	ssyncadd.s32 $0xFFFFF000  }
0x167: {  	_ =	swait.ge [sflag:s14], $0x800  }
0x168: {  	s4 =	rddreg [dreg:$0xa]  }
0x169: {  	s2 =	sadd.s32 s4, s2  }
0x16a: {  	[sflag:s14] =	ssyncset.done $0x0;
	p3 =	sgt.u32 s2, $0x619  }
0x16b: {  	[sflag:s14] =	ssyncadd.s32 $0xFFFFF800;
	s2 =	sshll.u32 @!p3 s2, $0x9  }
0x16c: {  	s4 =	simm.s32 @!p3 $0x0;
	s6 =	simm.s32 @!p3 $0x11380;
	s2 =	sadd.s32 @!p3 s23, s2  }
0x16d: {  	[tilespmem:s6], [sflag:$0x1] =	stream.linear.gather @!p3 [hbm4b:s2+s4], $0x1000, $0x38;
	[tilespmem:$0x14F80] =	vst v63  }
0x16e: {  	s2 =	simm.s32 $0x0;
	s4 =	simm.s32 $0x12400  }
.LBB2_14:
0x16f: {  	v6 =	vld [tilespmem:s4+$0x0];
	_ =	sdelay $0x4  }
0x170: {  	v7 =	vshra.s32 v6, $0x2;
	_ =	sdelay $0x4  }
0x171: {  	v7 =	vld.idx.msk [tilespmem:v7+s25+$0x0], $0xffff  }
0x172: {  	v8 =	vld [tilespmem:s4+$0xFFFFFF80];
	_ =	sdelay $0x1  }
0x173: {  	v6 =	vshll.u32 v6, $0x3  }
0x174: {  	v6 =	vand.u32 $0x18, v6  }
0x175: {  	v6 =	vshra.s32 v7, v6  }
0x176: {  	v7 =	vshll.u32 v8, $0x2;
	v6 =	vand.u32 $0x3, v6  }
0x177: {  	s6 =	sshra.s32 s2, $0x2;
	v6 =	vor.u32 v7, v6  }
0x178: {  	[tilespmem:s6+$0x13B80] =	vst v6  }
0x179: {  	v6 =	vld [tilespmem:s4+$0x10];
	_ =	sdelay $0x4  }
0x17a: {  	v7 =	vshra.s32 v6, $0x2;
	_ =	sdelay $0x4  }
0x17b: {  	v7 =	vld.idx.msk [tilespmem:v7+s25+$0x0], $0xffff  }
0x17c: {  	v57 =	vld [tilespmem:s4+$0xFFFFFF90];
	_ =	sdelay $0x1  }
0x17d: {  	v6 =	vshll.u32 v6, $0x3  }
0x17e: {  	v6 =	vand.u32 $0x18, v6  }
0x17f: {  	v6 =	vshra.s32 v7, v6  }
0x180: {  	v7 =	vshll.u32 v57, $0x2;
	v6 =	vand.u32 $0x3, v6  }
0x181: {  	v6 =	vor.u32 v7, v6  }
0x182: {  	[tilespmem:s6+$0x13B90] =	vst v6  }
0x183: {  	v6 =	vld [tilespmem:s4+$0x20];
	_ =	sdelay $0x4  }
0x184: {  	v7 =	vshra.s32 v6, $0x2;
	_ =	sdelay $0x4  }
0x185: {  	v7 =	vld.idx.msk [tilespmem:v7+s25+$0x0], $0xffff  }
0x186: {  	v58 =	vld [tilespmem:s4+$0xFFFFFFA0];
	_ =	sdelay $0x1  }
0x187: {  	v6 =	vshll.u32 v6, $0x3  }
0x188: {  	v6 =	vand.u32 $0x18, v6  }
0x189: {  	v6 =	vshra.s32 v7, v6  }
0x18a: {  	v7 =	vshll.u32 v58, $0x2;
	v6 =	vand.u32 $0x3, v6  }
0x18b: {  	v6 =	vor.u32 v7, v6  }
0x18c: {  	[tilespmem:s6+$0x13BA0] =	vst v6  }
0x18d: {  	v6 =	vld [tilespmem:s4+$0x30];
	_ =	sdelay $0x4  }
0x18e: {  	v7 =	vshra.s32 v6, $0x2;
	_ =	sdelay $0x4  }
0x18f: {  	v7 =	vld.idx.msk [tilespmem:v7+s25+$0x0], $0xffff  }
0x190: {  	v59 =	vld [tilespmem:s4+$0xFFFFFFB0];
	_ =	sdelay $0x1  }
0x191: {  	v6 =	vshll.u32 v6, $0x3  }
0x192: {  	v6 =	vand.u32 $0x18, v6  }
0x193: {  	v6 =	vshra.s32 v7, v6  }
0x194: {  	v7 =	vshll.u32 v59, $0x2;
	v6 =	vand.u32 $0x3, v6  }
0x195: {  	v6 =	vor.u32 v7, v6  }
0x196: {  	[tilespmem:s6+$0x13BB0] =	vst v6  }
0x197: {  	v6 =	vld [tilespmem:s4+$0x40];
	_ =	sdelay $0x4  }
0x198: {  	v7 =	vshra.s32 v6, $0x2;
	_ =	sdelay $0x4  }
0x199: {  	v7 =	vld.idx.msk [tilespmem:v7+s25+$0x0], $0xffff  }
0x19a: {  	v60 =	vld [tilespmem:s4+$0xFFFFFFC0];
	_ =	sdelay $0x1  }
0x19b: {  	v6 =	vshll.u32 v6, $0x3  }
0x19c: {  	v6 =	vand.u32 $0x18, v6  }
0x19d: {  	v6 =	vshra.s32 v7, v6  }
0x19e: {  	v7 =	vshll.u32 v60, $0x2;
	v6 =	vand.u32 $0x3, v6  }
0x19f: {  	v6 =	vor.u32 v7, v6  }
0x1a0: {  	[tilespmem:s6+$0x13BC0] =	vst v6  }
0x1a1: {  	v6 =	vld [tilespmem:s4+$0x50];
	_ =	sdelay $0x4  }
0x1a2: {  	v7 =	vshra.s32 v6, $0x2;
	_ =	sdelay $0x4  }
0x1a3: {  	v7 =	vld.idx.msk [tilespmem:v7+s25+$0x0], $0xffff  }
0x1a4: {  	v61 =	vld [tilespmem:s4+$0xFFFFFFD0];
	_ =	sdelay $0x1  }
0x1a5: {  	v6 =	vshll.u32 v6, $0x3  }
0x1a6: {  	v6 =	vand.u32 $0x18, v6  }
0x1a7: {  	v6 =	vshra.s32 v7, v6  }
0x1a8: {  	v7 =	vshll.u32 v61, $0x2;
	v6 =	vand.u32 $0x3, v6  }
0x1a9: {  	v6 =	vor.u32 v7, v6  }
0x1aa: {  	[tilespmem:s6+$0x13BD0] =	vst v6  }
0x1ab: {  	v6 =	vld [tilespmem:s4+$0x60];
	_ =	sdelay $0x4  }
0x1ac: {  	v7 =	vshra.s32 v6, $0x2;
	_ =	sdelay $0x4  }
0x1ad: {  	v7 =	vld.idx.msk [tilespmem:v7+s25+$0x0], $0xffff  }
0x1ae: {  	v62 =	vld [tilespmem:s4+$0xFFFFFFE0];
	_ =	sdelay $0x1  }
0x1af: {  	v6 =	vshll.u32 v6, $0x3  }
0x1b0: {  	v6 =	vand.u32 $0x18, v6  }
0x1b1: {  	v6 =	vshra.s32 v7, v6  }
0x1b2: {  	v7 =	vshll.u32 v62, $0x2;
	v6 =	vand.u32 $0x3, v6  }
0x1b3: {  	v6 =	vor.u32 v7, v6  }
0x1b4: {  	[tilespmem:s6+$0x13BE0] =	vst v6  }
0x1b5: {  	v6 =	vld [tilespmem:s4+$0x70];
	_ =	sdelay $0x4  }
0x1b6: {  	v7 =	vshra.s32 v6, $0x2;
	_ =	sdelay $0x4  }
0x1b7: {  	v7 =	vld.idx.msk [tilespmem:v7+s25+$0x0], $0xffff  }
0x1b8: {  	v63 =	vld [tilespmem:s4+$0xFFFFFFF0];
	_ =	sdelay $0x1  }
0x1b9: {  	p3 =	sne.s32 s2, $0x1E00;
	v6 =	vshll.u32 v6, $0x3  }
.Ltmp10:
0x1ba: {  	v6 =	vand.u32 $0x18, v6;
	(pc) =	sbr.rel @p3 .LBB2_14-.Ltmp10, $4  }
0x1bb: {  	v6 =	vshra.s32 v7, v6  }
0x1bc: {  	v7 =	vshll.u32 v63, $0x2;
	v6 =	vand.u32 $0x3, v6  }
0x1bd: {  	v6 =	vor.u32 v7, v6  }
0x1be: {  	s2 =	sadd.s32 $0x200, s2;
	s4 =	sadd.s32 $0x100, s4;
	[tilespmem:s6+$0x13BF0] =	vst v6  }
.Ltmp11:
0x1bf: {  	(pc) =	sbr.rel .LBB2_16-.Ltmp11, $3  }
0x1c0: {  	_ =	sdelay $0x1  }
0x1c1: {  	s2 =	rddreg [dreg:$0x4];
	s4 =	simm.s32 $0x13B80  }
0x1c2: {  	[spmem:s2] =	stream.indirect.scatter.add.f32 [tilespmem:s11], [sflag:$0x6], $0x1, s4, s26, $0xb8;
	[tilespmem:$0x14F80] =	vst v63  }
.LBB2_17:
.Ltmp12:
0x1c3: {  	(pc) =	sbr.rel @!p1 .LBB2_18-.Ltmp12, $1  }
0x1c4: {  	_ =	sdelay $0x3  }
.Ltmp13:
0x1c5: {  	(pc) =	sbr.rel @p2 .LBB2_23-.Ltmp13, $4  }
0x1c6: {  	s2 =	simm.s32 $0x6  }
0x1c7: {  	_ =	swait.ge [sflag:s2], $0x800  }
0x1c8: {  	[sflag:s2] =	ssyncset.done $0x0  }
0x1c9: {  	s3 =	rddreg [dreg:$0x12];
	[sflag:s2] =	ssyncadd.s32 $0xFFFFF800  }
0x1ca: {  	s2 =	simm.s32 $0x0  }
0x1cb: {  	s3 =	rddreg [dreg:$0x11];
	s4 =	simm.s32 $0x11380;
	s19 =	simm.s32 $0x7  }
0x1cc: {  	[tilespmem:s4], [sflag:$0x7] =	stream.linear.gather [hbm4b:s3+s2], $0x800, $0x38;
	[tilespmem:$0x14F80] =	vst v63  }
0x1cd: {  	_ =	swait.ge [sflag:s19], $0x800  }
0x1ce: {  	[sflag:s19] =	ssyncset.done $0x0  }
0x1cf: {  	s3 =	simm.s32 $0x11400;
	[sflag:s19] =	ssyncadd.s32 $0xFFFFF800  }
.LBB2_21:
0x1d0: {  	v6 =	vld [tilespmem:s3+$0x0];
	_ =	sdelay $0x4  }
0x1d1: {  	v7 =	vshra.s32 v6, $0x2;
	_ =	sdelay $0x4  }
0x1d2: {  	v7 =	vld.idx.msk [tilespmem:v7+s25+$0x0], $0xffff  }
0x1d3: {  	v8 =	vld [tilespmem:s3+$0xFFFFFF80];
	_ =	sdelay $0x1  }
0x1d4: {  	v6 =	vshll.u32 v6, $0x3  }
0x1d5: {  	v6 =	vand.u32 $0x18, v6  }
0x1d6: {  	v6 =	vshra.s32 v7, v6  }
0x1d7: {  	v7 =	vshll.u32 v8, $0x2;
	v6 =	vand.u32 $0x3, v6  }
0x1d8: {  	s4 =	sshra.s32 s2, $0x2;
	v6 =	vor.u32 v7, v6  }
0x1d9: {  	[tilespmem:s4+$0x14380] =	vst v6  }
0x1da: {  	v6 =	vld [tilespmem:s3+$0x10];
	_ =	sdelay $0x4  }
0x1db: {  	v7 =	vshra.s32 v6, $0x2;
	_ =	sdelay $0x4  }
0x1dc: {  	v7 =	vld.idx.msk [tilespmem:v7+s25+$0x0], $0xffff  }
0x1dd: {  	v57 =	vld [tilespmem:s3+$0xFFFFFF90];
	_ =	sdelay $0x1  }
0x1de: {  	v6 =	vshll.u32 v6, $0x3  }
0x1df: {  	v6 =	vand.u32 $0x18, v6  }
0x1e0: {  	v6 =	vshra.s32 v7, v6  }
0x1e1: {  	v7 =	vshll.u32 v57, $0x2;
	v6 =	vand.u32 $0x3, v6  }
0x1e2: {  	v6 =	vor.u32 v7, v6  }
0x1e3: {  	[tilespmem:s4+$0x14390] =	vst v6  }
0x1e4: {  	v6 =	vld [tilespmem:s3+$0x20];
	_ =	sdelay $0x4  }
0x1e5: {  	v7 =	vshra.s32 v6, $0x2;
	_ =	sdelay $0x4  }
0x1e6: {  	v7 =	vld.idx.msk [tilespmem:v7+s25+$0x0], $0xffff  }
0x1e7: {  	v58 =	vld [tilespmem:s3+$0xFFFFFFA0];
	_ =	sdelay $0x1  }
0x1e8: {  	v6 =	vshll.u32 v6, $0x3  }
0x1e9: {  	v6 =	vand.u32 $0x18, v6  }
0x1ea: {  	v6 =	vshra.s32 v7, v6  }
0x1eb: {  	v7 =	vshll.u32 v58, $0x2;
	v6 =	vand.u32 $0x3, v6  }
0x1ec: {  	v6 =	vor.u32 v7, v6  }
0x1ed: {  	[tilespmem:s4+$0x143A0] =	vst v6  }
0x1ee: {  	v6 =	vld [tilespmem:s3+$0x30];
	_ =	sdelay $0x4  }
0x1ef: {  	v7 =	vshra.s32 v6, $0x2;
	_ =	sdelay $0x4  }
0x1f0: {  	v7 =	vld.idx.msk [tilespmem:v7+s25+$0x0], $0xffff  }
0x1f1: {  	v59 =	vld [tilespmem:s3+$0xFFFFFFB0];
	_ =	sdelay $0x1  }
0x1f2: {  	v6 =	vshll.u32 v6, $0x3  }
0x1f3: {  	v6 =	vand.u32 $0x18, v6  }
0x1f4: {  	v6 =	vshra.s32 v7, v6  }
0x1f5: {  	v7 =	vshll.u32 v59, $0x2;
	v6 =	vand.u32 $0x3, v6  }
0x1f6: {  	v6 =	vor.u32 v7, v6  }
0x1f7: {  	[tilespmem:s4+$0x143B0] =	vst v6  }
0x1f8: {  	v6 =	vld [tilespmem:s3+$0x40];
	_ =	sdelay $0x4  }
0x1f9: {  	v7 =	vshra.s32 v6, $0x2;
	_ =	sdelay $0x4  }
0x1fa: {  	v7 =	vld.idx.msk [tilespmem:v7+s25+$0x0], $0xffff  }
0x1fb: {  	v60 =	vld [tilespmem:s3+$0xFFFFFFC0];
	_ =	sdelay $0x1  }
0x1fc: {  	v6 =	vshll.u32 v6, $0x3  }
0x1fd: {  	v6 =	vand.u32 $0x18, v6  }
0x1fe: {  	v6 =	vshra.s32 v7, v6  }
0x1ff: {  	v7 =	vshll.u32 v60, $0x2;
	v6 =	vand.u32 $0x3, v6  }
0x200: {  	v6 =	vor.u32 v7, v6  }
0x201: {  	[tilespmem:s4+$0x143C0] =	vst v6  }
0x202: {  	v6 =	vld [tilespmem:s3+$0x50];
	_ =	sdelay $0x4  }
0x203: {  	v7 =	vshra.s32 v6, $0x2;
	_ =	sdelay $0x4  }
0x204: {  	v7 =	vld.idx.msk [tilespmem:v7+s25+$0x0], $0xffff  }
0x205: {  	v61 =	vld [tilespmem:s3+$0xFFFFFFD0];
	_ =	sdelay $0x1  }
0x206: {  	v6 =	vshll.u32 v6, $0x3  }
0x207: {  	v6 =	vand.u32 $0x18, v6  }
0x208: {  	v6 =	vshra.s32 v7, v6  }
0x209: {  	v7 =	vshll.u32 v61, $0x2;
	v6 =	vand.u32 $0x3, v6  }
0x20a: {  	v6 =	vor.u32 v7, v6  }
0x20b: {  	[tilespmem:s4+$0x143D0] =	vst v6  }
0x20c: {  	v6 =	vld [tilespmem:s3+$0x60];
	_ =	sdelay $0x4  }
0x20d: {  	v7 =	vshra.s32 v6, $0x2;
	_ =	sdelay $0x4  }
0x20e: {  	v7 =	vld.idx.msk [tilespmem:v7+s25+$0x0], $0xffff  }
0x20f: {  	v62 =	vld [tilespmem:s3+$0xFFFFFFE0];
	_ =	sdelay $0x1  }
0x210: {  	v6 =	vshll.u32 v6, $0x3  }
0x211: {  	v6 =	vand.u32 $0x18, v6  }
0x212: {  	v6 =	vshra.s32 v7, v6  }
0x213: {  	v7 =	vshll.u32 v62, $0x2;
	v6 =	vand.u32 $0x3, v6  }
0x214: {  	v6 =	vor.u32 v7, v6  }
0x215: {  	[tilespmem:s4+$0x143E0] =	vst v6  }
0x216: {  	v6 =	vld [tilespmem:s3+$0x70];
	_ =	sdelay $0x4  }
0x217: {  	v7 =	vshra.s32 v6, $0x2;
	_ =	sdelay $0x4  }
0x218: {  	v7 =	vld.idx.msk [tilespmem:v7+s25+$0x0], $0xffff  }
0x219: {  	v63 =	vld [tilespmem:s3+$0xFFFFFFF0];
	_ =	sdelay $0x1  }
0x21a: {  	p3 =	sne.s32 s2, $0xE00;
	v6 =	vshll.u32 v6, $0x3  }
.Ltmp14:
0x21b: {  	v6 =	vand.u32 $0x18, v6;
	(pc) =	sbr.rel @p3 .LBB2_21-.Ltmp14, $4  }
0x21c: {  	v6 =	vshra.s32 v7, v6  }
0x21d: {  	v7 =	vshll.u32 v63, $0x2;
	v6 =	vand.u32 $0x3, v6  }
0x21e: {  	v6 =	vor.u32 v7, v6  }
0x21f: {  	s2 =	sadd.s32 $0x200, s2;
	s3 =	sadd.s32 $0x100, s3;
	[tilespmem:s4+$0x143F0] =	vst v6  }
0x220: {  	s2 =	rddreg [dreg:$0x4];
	s3 =	simm.s32 $0x400  }
.Ltmp15:
0x221: {  	s4 =	simm.s32 $0x14380;
	s19 =	simm.s32 $0x7;
	(pc) =	sbr.rel .LBB2_23-.Ltmp15, $4  }
0x222: {  	[spmem:s2] =	stream.indirect.scatter.add.f32 [tilespmem:s11], [sflag:$0x7], $0x1, s4, s3, $0xb8;
	[tilespmem:$0x14F80] =	vst v63  }
0x223: {  	_ =	swait.ge [sflag:s19], $0x400  }
0x224: {  	[sflag:s19] =	ssyncset.done $0x0  }
0x225: {  	s3 =	rddreg [dreg:$0x12];
	[sflag:s19] =	ssyncadd.s32 $0xFFFFFC00  }
.LBB2_24:
0x226: {  	_ =	sfence.sel $0x180000  }
0x227: {  	[bflag:$0x0] =	sbarrier.arrive $0xFFFF  }
0x228: {  	_ =	strace $0x90000047  }
0x229: {  	s0 =	stileid.u32;
	[bflag:$0x2] =	sbarrier.arrive $0xFFFF  }
0x22a: {  	p0 =	sne.s32 s0, $0x0;
	s0 =	rddreg [dreg:$0x5]  }
0x22b: {  	s0 =	sadd.s32 @!p0 $0x100000, s0  }
0x22c: {  	[sflag:s0] =	ssyncadd.tile.s32 @!p0 $0x1;
	_ =	shalt  }
.Lfunc_end2:
_tile_overlayer_lowered:
.L_overlay_start_2:
0x22d: {  	(tag) =	ssettag $0x2  }
0x22e: {  	s0 =	rddreg [dreg:$0x0];
	s2 =	stileid.u32  }
0x22f: {  	s1 =	rddreg [dreg:$0x1];
	p0 =	sne.s32 s2, $0x0  }
0x230: {  	s3 =	rddreg [dreg:$0x2];
	[bflag:$0x3] =	sbarrier.arrive $0xFFFF;
	s2 =	simm.s32 @!p0 $0x1C07  }
0x231: {  	[timem:s3], [sflag:s2] =	dma.local @!p0 [hbm:s0], s1  }
0x232: {  	s0 =	simm.s32 @!p0 $0x7  }
0x233: {  	_ =	swait.ge @!p0 [sflag:s0], s1  }
0x234: {  	s1 =	ssub.s32 @!p0 $0x0, s1;
	[sflag:s0] =	ssyncset.done @!p0 $0x0  }
0x235: {  	[sflag:s0] =	ssyncadd.s32 @!p0 s1  }
0x236: {  	[bflag:$0x3] =	sbarrier.arrive $0xFFFF  }
0x237: {  	_ =	shalt  }

// kernel: kernel.7.cloned.1.call-start
scs
__scs_entry_jumppad:
0x0: {  	(pc) =	sbr.rel $0x88, $3  }
0x1: {  	(tag) =	ssettag $0x0;
	lr =	simm.s32 $0x1  }
0x2: {  	[smem:$0x3F9A] =	sst lr;
	_ =	strace $0xD0000000  }
0x3: {  	_ = 	snop  }
0x4: {  	_ = 	snop  }
0x5: {  	_ = 	snop  }
0x6: {  	_ = 	snop  }
0x7: {  	_ = 	snop  }
__scs_overlays_trampoline_lowered:
0x8: {  	[smem:$0x3FA9] =	sst s0  }
0x9: {  	[smem:$0x3FAA] =	sst s1  }
0xa: {  	[smem:$0x3FAB] =	sst s2  }
0xb: {  	[smem:$0x3FAC] =	sst s3  }
0xc: {  	[smem:$0x3FAD] =	sst s4  }
0xd: {  	[smem:$0x3FAE] =	sst s5  }
0xe: {  	[smem:$0x3FAF] =	sst s6  }
0xf: {  	[smem:$0x3FB0] =	sst s7  }
0x10: {  	[smem:$0x3FB1] =	sst s8  }
0x11: {  	[smem:$0x3FB2] =	sst s9;
	s0 =	simm.s32 @!p0 $0x0  }
0x12: {  	s1 =	sld [smem:$0x3F98];
	s0 =	simm.s32 @p0 $0x1  }
0x13: {  	[smem:$0x3FB3] =	sst s0;
	s0 =	simm.s32 @!p1 $0x0  }
0x14: {  	s2 =	sld [smem:$0x3F97];
	s0 =	simm.s32 @p1 $0x1  }
0x15: {  	[smem:$0x3FB4] =	sst s0;
	s0 =	simm.s32 @!p2 $0x0  }
0x16: {  	s3 =	sld [smem:$0x3FDB];
	s0 =	simm.s32 @p2 $0x1  }
0x17: {  	s4 =	simm.s32 $0x1BF5;
	[smem:$0x3FB6] =	sst s0  }
0x18: {  	s0 =	sld [smem:$0x3F99];
	_ =	swait.ge [sflag:s4], $0x0  }
0x19: {  	s7 =	sld [smem:$0x3F9A]  }
0x1a: {  	s8 =	sadd.s32 $0xFFFFE003, lr  }
0x1b: {  	s9 =	sadd.s32 $0xFFFFFEF7, lr;
	s5 =	simm.s32 $0xFFFFFFFF;
	p2 =	slt.u32 s8, $0xFFFFF086  }
0x1c: {  	p1 =	slt.u32 s9, $0xF7A;
	s5 =	simm.s32 @!p2 $0x0  }
0x1d: {  	s5 =	simm.s32 @p1 $0x1;
	p0 =	seq.s32 s7, s2  }
0x1e: {  	s7 =	smul.u32 @!p0 $0xF7A, s2;
	p2 =	seq.s32 @!p0 s5, $0x0  }
0x1f: {  	s9 =	smul.u32 $0xF7A, s1;
	s8 =	simm.s32 @!p0 $0x1BF5;
	p2 =	por !p2, p0  }
0x20: {  	[sflag:s8] =	ssyncset.s32 @!p0 $0xFFFFF086;
	s6 =	sadd.s32 @!p0 s3, s7;
	s7 =	simm.s32 @!p0 $0x108  }
0x21: {  	s3 =	sadd.s32 s3, s9;
	s6 =	sadd.s32 @!p0 $0x88, s6;
	s7 =	simm.s32 @p2 $0x1082  }
0x22: {  	[simem:s7], [sflag:s8] =	dma.local @!p0 [hbm:s6], $0xF7A  }
0x23: {  	s9 =	sor.u32 $0xD0000000, s2;
	s6 =	simm.s32 $0x108;
	_ =	swait.ge @!p0 [sflag:s8], $0x0  }
0x24: {  	s3 =	sadd.s32 $0x88, s3;
	s6 =	simm.s32 @!p1 $0x1082;
	[sflag:s4] =	ssyncset.s32 $0xFFFFF086  }
0x25: {  	[simem:s6], [sflag:s4] =	dma.local [hbm:s3], $0xF7A  }
0x26: {  	[smem:$0x3F9A] =	sst s1;
	(tag) =	ssettag s2;
	_ =	strace s9  }
0x27: {  	s1 =	sld [smem:$0x3FAA]  }
0x28: {  	s2 =	sld [smem:$0x3FAB]  }
0x29: {  	s4 =	sld [smem:$0x3FAD]  }
0x2a: {  	p0 =	seq.s32 s5, $0x0;
	s5 =	sld [smem:$0x3FAE]  }
0x2b: {  	s6 =	sld [smem:$0x3FAF]  }
0x2c: {  	s7 =	sld [smem:$0x3FB0]  }
0x2d: {  	s3 =	simm.s32 $0x108;
	s8 =	sld [smem:$0x3FB1]  }
0x2e: {  	s3 =	simm.s32 @!p0 $0x1082;
	s9 =	sld [smem:$0x3FB2]  }
0x2f: {  	lr =	sadd.s32 s0, s3;
	s0 =	sld [smem:$0x3FA9]  }
0x30: {  	s3 =	sld [smem:$0x3FAC]  }
0x31: {  	[smem:$0x3FB5] =	sst s10  }
0x32: {  	s10 =	sld [smem:$0x3FB3];
	_ =	sdelay $0x3  }
0x33: {  	p0 =	seq.s32 s10, $0x1;
	s10 =	sld [smem:$0x3FB5];
	_ =	sdelay $0x3  }
0x34: {  	[smem:$0x3FB5] =	sst s10  }
0x35: {  	s10 =	sld [smem:$0x3FB4];
	_ =	sdelay $0x3  }
0x36: {  	p1 =	seq.s32 s10, $0x1;
	s10 =	sld [smem:$0x3FB5];
	_ =	sdelay $0x3  }
0x37: {  	[smem:$0x3FB5] =	sst s10  }
0x38: {  	s10 =	sld [smem:$0x3FB6]  }
0x39: {  	_ = 	snop;
	(pc) =	sbr.ind lr, $3  }
0x3a: {  	_ = 	snop  }
0x3b: {  	_ = 	snop  }
0x3c: {  	p2 =	seq.s32 s10, $0x1;
	s10 =	sld [smem:$0x3FB5]  }
0x3d: {  	_ =	shalt  }
0x3e: {  	_ =	shalt  }
0x3f: {  	_ =	shalt  }
0x40: {  	_ =	shalt  }
0x41: {  	_ =	shalt  }
0x42: {  	_ =	shalt  }
0x43: {  	_ =	shalt  }
0x44: {  	_ =	shalt  }
0x45: {  	_ =	shalt  }
0x46: {  	_ =	shalt  }
0x47: {  	_ =	shalt  }
0x48: {  	_ =	shalt  }
0x49: {  	_ =	shalt  }
0x4a: {  	_ =	shalt  }
0x4b: {  	_ =	shalt  }
0x4c: {  	_ =	shalt  }
0x4d: {  	_ =	shalt  }
0x4e: {  	_ =	shalt  }
0x4f: {  	_ =	shalt  }
0x50: {  	_ =	shalt  }
0x51: {  	_ =	shalt  }
0x52: {  	_ =	shalt  }
0x53: {  	_ =	shalt  }
0x54: {  	_ =	shalt  }
0x55: {  	_ =	shalt  }
0x56: {  	_ =	shalt  }
0x57: {  	_ =	shalt  }
0x58: {  	_ =	shalt  }
0x59: {  	_ =	shalt  }
0x5a: {  	_ =	shalt  }
0x5b: {  	_ =	shalt  }
0x5c: {  	_ =	shalt  }
0x5d: {  	_ =	shalt  }
0x5e: {  	_ =	shalt  }
0x5f: {  	_ =	shalt  }
0x60: {  	_ =	shalt  }
0x61: {  	_ =	shalt  }
0x62: {  	_ =	shalt  }
0x63: {  	_ =	shalt  }
0x64: {  	_ =	shalt  }
0x65: {  	_ =	shalt  }
0x66: {  	_ =	shalt  }
0x67: {  	_ =	shalt  }
0x68: {  	_ =	shalt  }
0x69: {  	_ =	shalt  }
0x6a: {  	_ =	shalt  }
0x6b: {  	_ =	shalt  }
0x6c: {  	_ =	shalt  }
0x6d: {  	_ =	shalt  }
0x6e: {  	_ =	shalt  }
0x6f: {  	_ =	shalt  }
0x70: {  	_ =	shalt  }
0x71: {  	_ =	shalt  }
0x72: {  	_ =	shalt  }
0x73: {  	_ =	shalt  }
0x74: {  	_ =	shalt  }
0x75: {  	_ =	shalt  }
0x76: {  	_ =	shalt  }
0x77: {  	_ =	shalt  }
0x78: {  	_ =	shalt  }
0x79: {  	_ =	shalt  }
0x7a: {  	_ =	shalt  }
0x7b: {  	_ =	shalt  }
0x7c: {  	_ =	shalt  }
0x7d: {  	_ =	shalt  }
0x7e: {  	_ =	shalt  }
0x7f: {  	_ =	shalt  }
0x80: {  	_ =	shalt  }
0x81: {  	_ =	shalt  }
0x82: {  	_ =	shalt  }
0x83: {  	_ =	shalt  }
0x84: {  	_ =	shalt  }
0x85: {  	_ =	shalt  }
0x86: {  	_ =	shalt  }
0x87: {  	_ =	shalt  }
.Lfunc_end0:
.L_simem_size_0:
called_computation.1_lowered:
.L_overlay_start_0:
0x88: {  	s2 =	sld [smem:$0x3FD9]  }
0x89: {  	s3 =	sld [smem:$0x3FFE];
	_ =	sdelay $0x1  }
0x8a: {  	s1 =	srdreg.scid  }
0x8b: {  	s0 =	sand.u32 $0x1, s1  }
0x8c: {  	s16 =	sshll.u32 s0, $0xA;
	s2 =	sadd.s32 s3, s2  }
0x8d: {  	s2 =	sadd.s32 s2, s16  }
0x8e: {  	[smem:$0x3FC1] =	sst s2  }
0x8f: {  	_ = 	snop  }
0x90: {  	(tm) =	ssettm $0x1  }
0x91: {  	s17 =	sld [smem:$0x3FFB];
	_ =	sdelay $0x3  }
0x92: {  	_ =	strace s17  }
0x93: {  	s2 =	sld [smem:$0x3FFC];
	_ =	sdelay $0x3  }
0x94: {  	_ =	strace s2  }
0x95: {  	s2 =	sld [smem:$0x3FFD];
	_ =	sdelay $0x3  }
0x96: {  	_ =	strace s2  }
0x97: {  	_ =	strace $0x8FFFFFFF  }
0x98: {  	s18 =	sld [smem:$0x3FDB];
	_ =	sdelay $0x1  }
0x99: {  	s19 =	simm.s32 $_scs_section_size  }
0x9a: {  	s4 =	simm.s32 $_size__tile_overlayer_lowered;
	s5 =	simm.s32 $_tile_overlayer_lowered  }
0x9b: {  	s22 =	simm.s32 $0x1BFF;
	s21 =	sshll.u32 s5, $0x1;
	s2 =	sadd.s32 s19, s18  }
0x9c: {  	s6 =	simm.s32 $0x0;
	s20 =	sshll.u32 s4, $0x1;
	s4 =	sadd.s32 s21, s2  }
0x9d: {  	[timem:s6], [sflag:s22] =	dma.local [hbm:s4], s20  }
0x9e: {  	_ =	swait.ge [sflag:s22], s20  }
0x9f: {  	s3 =	ssub.s32 $0x0, s20;
	[sflag:s22] =	ssyncset.done $0x0  }
0xa0: {  	[sflag:s22] =	ssyncadd.s32 s3;
	_ =	sdelay $0x1  }
0xa1: {  	s23 =	simm.s32 $0x1B8B  }
0xa2: {  	_ =	swait.ge [sflag:s23], $0x1  }
0xa3: {  	[sflag:s23] =	ssyncset.done $0x0  }
0xa4: {  	s25 =	simm.s32 $0x1B8E;
	s24 =	sld [smem:$0x3FFE];
	[sflag:s23] =	ssyncadd.s32 $0xFFFFFFFF  }
0xa5: {  	s26 =	simm.s32 $execute0_lowered;
	[smem:$0x3FD2] =	sst s25  }
0xa6: {  	s4 =	sshll.u32 s26, $0x1;
	_ =	strace $0x80000049;
	[dreg:$0x1] =	wrdreg $0xFFFFFFFF  }
0xa7: {  	s28 =	simm.s32 $_size_execute0_lowered;
	s2 =	sadd.s32 s2, s4;
	[dreg:$0x0] =	wrdreg $0x0  }
0xa8: {  	s4 =	sshll.u32 s28, $0x1;
	[dreg:$0x2] =	wrdreg s2  }
0xa9: {  	[dreg:$0x3] =	wrdreg s4  }
0xaa: {  	[dreg:$0x4] =	wrdreg $0xC0  }
0xab: {  	_ =	task [dreg:s6], $0x5FFFF  }
0xac: {  	[dreg:$0x1] =	wrdreg $0xFFFFFFFF  }
0xad: {  	[dreg:$0x0] =	wrdreg $0x60  }
0xae: {  	[dreg:$0x2] =	wrdreg s24  }
0xaf: {  	[dreg:$0x3] =	wrdreg $0x9  }
0xb0: {  	_ =	task.clear_ibuf [dreg:s6], $0x4FFFF;
	_ =	strace $0x90000049  }
0xb1: {  	s29 =	simm.s32 $0x9;
	_ =	strace $0x8000004B  }
0xb2: {  	_ =	swait.ge [sflag:s29], $0x1  }
0xb3: {  	[sflag:s29] =	ssyncadd.s32 $0xFFFFFFFF  }
0xb4: {  	_ =	strace $0x9000004B  }
0xb5: {  	_ =	sfence  }
0xb6: {  	s30 =	sld [smem:$0x0];
	_ =	sdelay $0x2  }
0xb7: {  	s31 =	sshll.u32 s1, $0xD;
	s1 =	sshrl.u32 s1, $0x2  }
0xb8: {  	s3 =	sand.u32 $0x4000, s31;
	s1 =	sadd.s32 s1, s30  }
0xb9: {  	s0 =	sor.u32 s3, s0;
	s1 =	sshll.u32 s1, $0x11  }
0xba: {  	s0 =	sor.u32 s1, s0  }
0xbb: {  	s0 =	sadd.s32 $0x8F2B, s0  }
0xbc: {  	[sflag:s0] =	ssyncadd.remote.s32 $0x1  }
0xbd: {  	_ =	sfence.sel $0xFFFF  }
0xbe: {  	[dreg:$0x0] =	wrdreg $0xFFFFFFFF;
	(pc) =	sbr.abs _section_cstart, $3  }
0xbf: {  	[dreg:$0x1] =	wrdreg $0xFFFFFFFF  }
0xc0: {  	_ =	task.clear_ibuf [dreg:s6], $0x2FFFF;
	_ =	strace $0x9FFFFFFF  }
0xc1: {  	(tm) =	ssettm $0x7FFFFFFF  }
tec
execute0_lowered:
.L_overlay_start_1:
0x0: {  	(tag) =	ssettag $0x1  }
0x1: {  	s0 =	srdreg.scid;
	s4 =	rddreg [dreg:$0x0];
	s2 =	simm.s32 $0x0  }
0x2: {  	s9 =	simm.s32 $0x6200;
	s10 =	simm.s32 $0x1;
	s3 =	sand.u32 $0x1, s0  }
0x3: {  	s11 =	simm.s32 $0x2;
	s0 =	stileid.u32;
	s1 =	sshll.u32 s3, $0x4  }
0x4: {  	s12 =	simm.s32 $0x6E80;
	s13 =	simm.s32 $0x3;
	s5 =	sor.u32 s0, s1  }
0x5: {  	s14 =	simm.s32 $0x0;
	[smem:$0x7FF] =	sst s2;
	s6 =	smul.u32 $0x3100, s5  }
0x6: {  	s3 =	ssub.s32 $0x2, s3;
	s1 =	rddreg [dreg:$0x1];
	s5 =	smul.u32 $0x188, s5  }
0x7: {  	v0 =	vlaneseq.u32;
	_ =	strace $0x8000004A;
	s7 =	sshrl.u32 s3, $0x1;
	s6 =	sshrl.u32 s6, $0x3  }
0x8: {  	v0 =	vmul.u32 $0x4, v0;
	s7 =	ssub.s32 s3, s7;
	s8 =	sadd.s32 s5, s4;
	s6 =	sadd.s32 s6, s4  }
0x9: {  	v4 =	vimm.s32 $0x0;
	s7 =	smax.u32 s7, $0x1;
	s5 =	sadd.s32 $0x2DE00, s8;
	s3 =	sadd.s32 $0x15600, s6  }
0xa: {  	v1 =	vor.u32 $0x1, v0;
	v2 =	vor.u32 $0x2, v0;
	v3 =	vor.u32 $0x3, v0;
	s4 =	sadd.s32 $0x21A00, s6;
	s6 =	sadd.s32 $0x1000, s8;
	s8 =	simm.s32 $0x3100  }
.LBB2_1:
0xb: {  	[tilespmem:s2], [sflag:$0x1] =	stream.linear.gather [hbm4b:s3+s2], $0x3100, $0x38;
	[tilespmem:$0x7B00] =	vst v63  }
0xc: {  	_ = 	snop  }
0xd: {  	[tilespmem:s8], [sflag:$0x1] =	stream.linear.gather [hbm4b:s4+s2], $0x3100, $0x38;
	[tilespmem:$0x7B00] =	vst v63  }
0xe: {  	_ = 	snop  }
0xf: {  	[tilespmem:s9], [sflag:$0x2] =	stream.linear.gather [hbm4b:s5+s2], $0xC40, $0x38;
	[tilespmem:$0x7B00] =	vst v63  }
0x10: {  	_ =	swait.ge [sflag:s10], $0x3100  }
0x11: {  	[sflag:s10] =	ssyncset.done $0x0  }
0x12: {  	[sflag:s10] =	ssyncadd.s32 $0xFFFFCF00  }
0x13: {  	_ =	swait.ge [sflag:s10], $0x3100  }
0x14: {  	v6 =	vor.u32 s2, v1;
	[sflag:s10] =	ssyncset.done $0x0  }
0x15: {  	[sflag:s10] =	ssyncadd.s32 $0xFFFFCF00  }
0x16: {  	v7 =	vor.u32 s2, v0;
	_ =	swait.ge [sflag:s11], $0xC40  }
0x17: {  	[sflag:s11] =	ssyncset.done $0x0  }
0x18: {  	v9 =	vor.u32 s2, v3;
	[sflag:s11] =	ssyncadd.s32 $0xFFFFF3C0  }
0x19: {  	v5 =	vld.idx.msk [tilespmem:v6+s2+$0x0], $0xffff  }
0x1a: {  	v10 =	vor.u32 s2, v2;
	v6 =	vld.idx.msk [tilespmem:v6+s8+$0x0], $0xffff  }
0x1b: {  	s16 =	simm.s32 $0x40;
	s15 =	simm.s32 $0x0;
	v8 =	vld.idx.msk [tilespmem:v7+s8+$0x0], $0xffff  }
.LBB2_2:
0x1c: {  	p0 =	sne.s32 s16, $0x30C0;
	v7 =	vld.idx.msk [tilespmem:v7+s2+$0x0], $0xffff  }
0x1d: {  	v11 =	vld.idx.msk [tilespmem:v9+s8+$0x0], $0xffff  }
0x1e: {  	v9 =	vld.idx.msk [tilespmem:v9+s2+$0x0], $0xffff  }
0x1f: {  	v12 =	vld.idx.msk [tilespmem:v10+s8+$0x0], $0xffff  }
0x20: {  	v10 =	vld.idx.msk [tilespmem:v10+s2+$0x0], $0xffff;
	_ =	sdelay $0x4  }
0x21: {  	v5 =	vadd.f32 v6, v5;
	v7 =	vadd.f32 v8, v7  }
0x22: {  	v8 =	vadd.f32 v11, v9;
	v6 =	vadd.f32 v12, v10;
	_ =	sdelay $0x1  }
0x23: {  	v5 =	vadd.f32 v5, v7;
	v8 =	vadd.f32 v8, v6;
	_ =	sdelay $0x1  }
0x24: {  	v5 =	vadd.f32 v8, v5;
	_ =	sdelay $0x1  }
0x25: {  	vm0 =	vgt.f32 v5, $0.0e+00  }
0x26: {  	vm0 =	vmneg vm0  }
0x27: {  	v5 =	vsel vm0, $0x3F800000, v5  }
0x28: {  	(erf) = vrcp.f32 v5;
	_ =	sdelay $0x7  }
0x29: {  	v5 =	vadd.f32 v6, v7  }
0x2a: {  	v6 =	vpop (erf)  }
0x2b: {  	s17 =	sshra.s32 s15, $0x2;
	s15 =	smov.u32 s16;
	v5 =	vmul.f32 v6, v5  }
0x2c: {  	v6 =	vld [tilespmem:s17+$0x6200]  }
0x2d: {  	v5 =	vsub.f32 $1.000000000e+00, v5;
	_ =	sdelay $0x1  }
0x2e: {  	vm1 =	vle.f32 v5, $8.999999760e-01  }
0x2f: {  	v10 =	vor.u32 s16, v1;
	vm0 =	vmor vm0, vm1;
	vm1 =	vgt.f32 v8, $0.0e+00  }
0x30: {  	vm2 =	vne.s32 v6, $0x0;
	vm0 =	vmor vm1, vm0  }
0x31: {  	v7 =	vor.u32 s16, v0;
	vm0 =	vmand vm2, vm0  }
.Ltmp0:
0x32: {  	v5 =	vsel vm0, $0x1, v4;
	(pc) =	sbr.rel @p0 .LBB2_2-.Ltmp0, $4  }
0x33: {  	v9 =	vor.u32 s16, v3;
	[tilespmem:s17+$0x6E80] =	vst v5  }
0x34: {  	v5 =	vld.idx.msk [tilespmem:v10+s2+$0x0], $0xffff  }
0x35: {  	v6 =	vld.idx.msk [tilespmem:v10+s8+$0x0], $0xffff;
	v10 =	vor.u32 s16, v2  }
0x36: {  	s16 =	sadd.s32 $0x40, s16;
	v8 =	vld.idx.msk [tilespmem:v7+s8+$0x0], $0xffff  }
0x37: {  	_ =	sdelay $0x3  }
0x38: {  	v7 =	vld.idx.msk [tilespmem:v7+s2+$0x0], $0xffff  }
0x39: {  	v11 =	vld.idx.msk [tilespmem:v9+s8+$0x0], $0xffff  }
0x3a: {  	v61 =	vld.idx.msk [tilespmem:v9+s2+$0x0], $0xffff  }
0x3b: {  	v12 =	vld.idx.msk [tilespmem:v10+s8+$0x0], $0xffff  }
0x3c: {  	v62 =	vld.idx.msk [tilespmem:v10+s2+$0x0], $0xffff;
	_ =	sdelay $0x3  }
0x3d: {  	v5 =	vadd.f32 v6, v5;
	v7 =	vadd.f32 v8, v7  }
0x3e: {  	v6 =	vadd.f32 v12, v62;
	v63 =	vadd.f32 v11, v61;
	_ =	sdelay $0x1  }
0x3f: {  	v5 =	vadd.f32 v5, v7;
	v8 =	vadd.f32 v63, v6;
	_ =	sdelay $0x1  }
0x40: {  	v5 =	vadd.f32 v8, v5;
	_ =	sdelay $0x1  }
0x41: {  	vm0 =	vgt.f32 v5, $0.0e+00  }
0x42: {  	vm0 =	vmneg vm0  }
0x43: {  	v5 =	vsel vm0, $0x3F800000, v5  }
0x44: {  	(erf) = vrcp.f32 v5;
	_ =	sdelay $0x7  }
0x45: {  	v5 =	vadd.f32 v6, v7  }
0x46: {  	v6 =	vpop (erf)  }
0x47: {  	s15 =	sshra.s32 s15, $0x2;
	v5 =	vmul.f32 v6, v5  }
0x48: {  	v6 =	vld [tilespmem:s15+$0x6200]  }
0x49: {  	v5 =	vsub.f32 $1.000000000e+00, v5;
	_ =	sdelay $0x1  }
0x4a: {  	vm1 =	vle.f32 v5, $8.999999760e-01  }
0x4b: {  	vm15 =	vgt.f32 v8, $0.0e+00;
	vm0 =	vmor vm0, vm1  }
0x4c: {  	vm2 =	vne.s32 v6, $0x0;
	vm0 =	vmor vm15, vm0  }
0x4d: {  	s14 =	sadd.s32 $0x1, s14;
	vm0 =	vmand vm2, vm0  }
0x4e: {  	p0 =	sne.s32 s14, s7;
	v5 =	vsel vm0, $0x1, v4  }
.Ltmp1:
0x4f: {  	[tilespmem:s15+$0x6E80] =	vst v5;
	(pc) =	sbr.rel @p0 .LBB2_1-.Ltmp1, $4  }
0x50: {  	[hbm4b:s6+s2] =	stream.linear.scatter [tilespmem:s12], [sflag:$0x3], $0xC40, $0x38;
	[tilespmem:$0x7B00] =	vst v63  }
0x51: {  	_ =	swait.ge [sflag:s13], $0xC40  }
0x52: {  	[sflag:s13] =	ssyncset.done $0x0  }
0x53: {  	[sflag:s13] =	ssyncadd.s32 $0xFFFFF3C0  }
0x54: {  	_ =	sfence.sel $0x180000  }
0x55: {  	[bflag:$0x0] =	sbarrier.arrive $0xFFFF  }
0x56: {  	p0 =	sne.s32 s0, $0x0;
	_ =	strace $0x9000004A  }
0x57: {  	s0 =	sadd.s32 @!p0 $0x100000, s1;
	[bflag:$0x2] =	sbarrier.arrive $0xFFFF  }
0x58: {  	[sflag:s0] =	ssyncadd.tile.s32 @!p0 $0x1;
	_ =	shalt  }
.Lfunc_end2:
_tile_overlayer_lowered:
.L_overlay_start_2:
0x59: {  	(tag) =	ssettag $0x2  }
0x5a: {  	s0 =	rddreg [dreg:$0x0];
	s2 =	stileid.u32  }
0x5b: {  	s1 =	rddreg [dreg:$0x1];
	p0 =	sne.s32 s2, $0x0  }
0x5c: {  	s3 =	rddreg [dreg:$0x2];
	[bflag:$0x3] =	sbarrier.arrive $0xFFFF;
	s2 =	simm.s32 @!p0 $0x1C03  }
0x5d: {  	[timem:s3], [sflag:s2] =	dma.local @!p0 [hbm:s0], s1  }
0x5e: {  	s0 =	simm.s32 @!p0 $0x3  }
0x5f: {  	_ =	swait.ge @!p0 [sflag:s0], s1  }
0x60: {  	s1 =	ssub.s32 @!p0 $0x0, s1;
	[sflag:s0] =	ssyncset.done @!p0 $0x0  }
0x61: {  	[sflag:s0] =	ssyncadd.s32 @!p0 s1  }
0x62: {  	[bflag:$0x3] =	sbarrier.arrive $0xFFFF  }
0x63: {  	_ =	shalt  }

</sc_bundles>
